<compile_context>
chip_gen: v7x
topology: tpu7x:2x2x1
jax: 0.10.2.dev20260603
libtpu: 0.0.44.dev20260713+nightly
codegen_flags: <defaults>
</compile_context>

<pallas_src>
import jax
import jax.numpy as jnp
from jax import lax
from jax.experimental import pallas as pl
from jax.experimental.pallas import tpu as pltpu
from jax.experimental.pallas import tpu_sc as plsc

_B, _S, _D, _P = 4, 4096, 2048, 16
_BS = 1024
_NC, _NS, _L = 2, 16, 16


def _sc_gather_modify_body(x2_ref, rowidx_ref, pos_ref, chg_ref, out_ref,
                           rowidx_v, rows_v, pos_v, chg_v, final_v, sem):
    wid = lax.axis_index("s") * _NC + lax.axis_index("c")

    def _tile_work(b):
        pltpu.sync_copy(rowidx_ref, rowidx_v)
        idx16 = rowidx_v[...]
        lane = lax.broadcasted_iota(jnp.int32, (_L,), 0)
        pltpu.sync_copy(x2_ref.at[idx16[b]], rows_v.at[pl.ds(0, _D)])
        pltpu.sync_copy(pos_ref.at[b], pos_v)
        pltpu.sync_copy(chg_ref.at[b], chg_v)
        pos = pos_v[...]
        vals = jnp.zeros((_L,), jnp.float32)
        for p in range(_P):
            v_p = rows_v[pl.ds(pos[p], _L)][0]
            vals = jnp.where(lane == p, v_p, vals)
        delta = chg_v[...] * jnp.sign(vals)
        acc = vals
        for q in range(_L):
            pos_q = pos[q]
            d_q = delta[q]
            acc = acc + jnp.where(pos == pos_q, d_q, 0.0)
        final_v[...] = acc
        pltpu.sync_copy(final_v, out_ref.at[b])

    for _b in range(_B):
        pl.when(wid == _b)(lambda _b=_b: _tile_work(_b))


def _sc_gather_modify(x2, rowidx, pos, chg):
    mesh = plsc.VectorSubcoreMesh(core_axis_name="c", subcore_axis_name="s")
    import functools
    k = functools.partial(
        pl.kernel,
        mesh=mesh,
        out_type=jax.ShapeDtypeStruct((_B, _P), jnp.float32),
        scratch_types=[
            pltpu.VMEM((16,), jnp.int32),
            pltpu.VMEM((_D + _L,), jnp.float32),
            pltpu.VMEM((_P,), jnp.int32),
            pltpu.VMEM((_P,), jnp.float32),
            pltpu.VMEM((_P,), jnp.float32),
            pltpu.SemaphoreType.DMA,
        ],
    )(_sc_gather_modify_body)
    return k(x2, rowidx, pos, chg)


def _tc_copy_body(x_ref, o_ref):
    o_ref[0] = x_ref[0]


def _tc_apply_body(mask_sp, pos_ref, fin_ref, y_ref, o_ref):
    b = pl.program_id(0)
    r = mask_sp[b] % 8
    row = y_ref[0, pl.ds(r, 1), :]
    d_iota = lax.broadcasted_iota(jnp.int32, (1, _D), 1)
    for p in range(_P):
        row = jnp.where(d_iota == pos_ref[b, p], fin_ref[b, p], row)
    o_ref[0] = y_ref[0]
    o_ref[0, pl.ds(r, 1), :] = row


def kernel(x, mask_idxs, pos_positions, pos_changes):
    rowidx = jnp.arange(_B, dtype=jnp.int32) * _S + mask_idxs.astype(jnp.int32)
    rowidx = jnp.pad(rowidx, (0, 16 - _B))
    x2 = x.reshape(_B * _S, _D)
    finals = _sc_gather_modify(
        x2, rowidx, pos_positions.astype(jnp.int32), pos_changes
    )

    grid_spec = pltpu.PrefetchScalarGridSpec(
        num_scalar_prefetch=1,
        grid=(_B,),
        in_specs=[
            pl.BlockSpec(memory_space=pltpu.SMEM),
            pl.BlockSpec(memory_space=pltpu.SMEM),
            pl.BlockSpec((1, 8, _D), lambda b, mask_sp: (b, mask_sp[b] // 8, 0)),
        ],
        out_specs=pl.BlockSpec((1, 8, _D), lambda b, mask_sp: (b, mask_sp[b] // 8, 0)),
    )
    return pl.pallas_call(
        _tc_apply_body,
        grid_spec=grid_spec,
        out_shape=jax.ShapeDtypeStruct((_B, _S, _D), jnp.float32),
        input_output_aliases={3: 0},
    )(mask_idxs, pos_positions, finals, x)

# --- scband reference (transcript-rebuilt; emitter-appended) ---
"""Pipeline reference for scband-batched-patch-47974784696478 (READ-ONLY COPY).

The authoritative reference and input builder live on the scoring server;
editing this copy changes nothing except your own understanding.
"""

import jax, jax.numpy as jnp
import numpy as np

B, S, D = 4, 4096, 2048
P = 16

def setup_inputs(seed: int = 0) -> dict:
    key = jax.random.key(seed)
    k1, k2, k3, k4 = jax.random.split(key, 4)
    x = jax.random.normal(k1, (B, S, D), dtype=jnp.float32)
    mask_idxs = jax.random.randint(k2, (B,), 0, S)
    pos_positions = jax.random.randint(k3, (B, P), 0, D)
    pos_changes = jax.random.uniform(k4, (B, P), dtype=jnp.float32)
    return {"x": x, "mask_idxs": mask_idxs, "pos_positions": pos_positions, "pos_changes": pos_changes}

def reference(x, mask_idxs, pos_positions, pos_changes):
    # ff_layer is Identity, so x = ff(x) = x
    bi = jnp.arange(x.shape[0])[:, None]          # [B, 1]
    mi = mask_idxs[:, None]                        # [B, 1]
    # gather: values at (batch, masked token, selected neurons)
    pos_values = x[bi, mi, pos_positions]          # [B, P]
    # bienhance with explicit pos_changes: delta = change * sign(value)
    delta = pos_changes * jnp.sign(pos_values)     # [B, P]
    # scatter-add back (torch does in-place += at advanced indices)
    out = x.at[bi, mi, pos_positions].add(delta)
    return out

if __name__ == "__main__":
    import jax
    _d = setup_inputs()
    print(jax.jit(kernel)(*tuple(_d.values())))

</pallas_src>

<mosaic_0001>
#map = affine_map<(d0, d1) -> (0, 0)>
#map1 = affine_map<(d0, d1) -> (0)>
module attributes {stable_mosaic.version = 14 : i64} {
  func.func @_sc_gather_modify_body(%arg0: i32, %arg1: i32, %arg2: memref<16384x2048xf32, #tpu.memory_space<hbm>>, %arg3: memref<16xi32, #tpu.memory_space<hbm>>, %arg4: memref<4x16xi32, #tpu.memory_space<hbm>>, %arg5: memref<4x16xf32, #tpu.memory_space<hbm>>, %arg6: memref<4x16xf32, #tpu.memory_space<hbm>>, %arg7: memref<16xi32, #tpu.memory_space<vmem>>, %arg8: memref<2064xf32, #tpu.memory_space<vmem>>, %arg9: memref<16xi32, #tpu.memory_space<vmem>>, %arg10: memref<16xf32, #tpu.memory_space<vmem>>, %arg11: memref<16xf32, #tpu.memory_space<vmem>>, %arg12: memref<!tpu.dma_semaphore, #tpu.memory_space<semaphore_mem>>) attributes {dimension_semantics = [#tpu.dimension_semantics<core_parallel>, #tpu.dimension_semantics<subcore_parallel>], iteration_bounds = array<i64: 2, 16>, scalar_prefetch = 0 : i64, scratch_operands = 6 : i64, tpu.core_type = #tpu.core_type<sc_vector_subcore>, window_params = [{transform_indices = #map}, {transform_indices = #map1}, {transform_indices = #map}, {transform_indices = #map}, {transform_indices = #map}]} {
    %mul3A = arith.constant 2 : i32
    %mul3A_0 = arith.muli %arg1, %mul3A : i32
    %add3A = arith.addi %mul3A_0, %arg0 : i32
    %eq3A = arith.constant 0 : i32
    %eq3A_1 = arith.cmpi eq, %add3A, %eq3A : i32
    %convert_element_type3A = arith.extui %eq3A_1 : i1 to i32
    %cond3A = arith.constant 0 : i32
    %cond3A_2 = arith.cmpi ne, %convert_element_type3A, %cond3A : i32
    scf.if %cond3A_2 {
      "tpu.region"() ({
        %run_scoped3A_411 = tpu.sem_alloc : memref<!tpu.dma_semaphore, #tpu.memory_space<semaphore_mem>>
        tpu.enqueue_dma source(%arg3 : memref<16xi32, #tpu.memory_space<hbm>>) target(%arg7 : memref<16xi32, #tpu.memory_space<vmem>>) target_semaphore(%run_scoped3A_411 : memref<!tpu.dma_semaphore, #tpu.memory_space<semaphore_mem>>)
        tpu.wait_dma2 semaphore(%run_scoped3A_411 : memref<!tpu.dma_semaphore, #tpu.memory_space<semaphore_mem>>) src(%arg3 : memref<16xi32, #tpu.memory_space<hbm>>) dst(%arg7 : memref<16xi32, #tpu.memory_space<vmem>>)
        tpu.yield
      }) : () -> ()
      %get3A = arith.constant 0 : index
      %get3A_18 = tpu.vector_load %arg7[%get3A] {strides = array<i32>} : memref<16xi32, #tpu.memory_space<vmem>>, vector<16xi32>,
      %get3A_19 = vector.shape_cast %get3A_18 : vector<16xi32> to vector<16xi32>
      %iota3A = tpu.iota {dimensions = array<i32: 0>} : vector<16xi32>
      %slice3A = vector.extract_strided_slice %get3A_19 {offsets = [0], sizes = [1], strides = [1]} : vector<16xi32> to vector<1xi32>
      %squeeze3A = vector.extract %slice3A[0] : i32 from vector<1xi32>
      "tpu.region"() ({
        %run_scoped3A_411 = tpu.sem_alloc : memref<!tpu.dma_semaphore, #tpu.memory_space<semaphore_mem>>
        %dma_start3A = arith.constant 0 : i32
        %dma_start3A_412 = tpu.memref_slice %arg8[%dma_start3A] : memref<2064xf32, #tpu.memory_space<vmem>> -> memref<2048xf32, #tpu.memory_space<vmem>>
        %dma_start3A_413 = arith.constant 0 : i32
        %dma_start3A_414 = tpu.memref_slice %arg2[%squeeze3A, %dma_start3A_413] : memref<16384x2048xf32, #tpu.memory_space<hbm>> -> memref<1x2048xf32, #tpu.memory_space<hbm>>
        %dma_start3A_415 = tpu.memref_squeeze %dma_start3A_414 : memref<1x2048xf32, #tpu.memory_space<hbm>> -> memref<2048xf32, #tpu.memory_space<hbm>>
        %dma_start3A_416 = arith.constant 0 : i32
        %dma_start3A_417 = tpu.memref_slice %arg8[%dma_start3A_416] : memref<2064xf32, #tpu.memory_space<vmem>> -> memref<2048xf32, #tpu.memory_space<vmem>>
        %dma_start3A_418 = arith.constant 0 : i32
        %dma_start3A_419 = tpu.memref_slice %arg2[%squeeze3A, %dma_start3A_418] : memref<16384x2048xf32, #tpu.memory_space<hbm>> -> memref<1x2048xf32, #tpu.memory_space<hbm>>
        %dma_start3A_420 = tpu.memref_squeeze %dma_start3A_419 : memref<1x2048xf32, #tpu.memory_space<hbm>> -> memref<2048xf32, #tpu.memory_space<hbm>>
        tpu.enqueue_dma source(%dma_start3A_420 : memref<2048xf32, #tpu.memory_space<hbm>>) target(%dma_start3A_417 : memref<2048xf32, #tpu.memory_space<vmem>>) target_semaphore(%run_scoped3A_411 : memref<!tpu.dma_semaphore, #tpu.memory_space<semaphore_mem>>)
        %dma_wait3A = arith.constant 0 : i32
        %dma_wait3A_421 = tpu.memref_slice %arg8[%dma_wait3A] : memref<2064xf32, #tpu.memory_space<vmem>> -> memref<2048xf32, #tpu.memory_space<vmem>>
        %dma_wait3A_422 = arith.constant 0 : i32
        %dma_wait3A_423 = tpu.memref_slice %arg2[%squeeze3A, %dma_wait3A_422] : memref<16384x2048xf32, #tpu.memory_space<hbm>> -> memref<1x2048xf32, #tpu.memory_space<hbm>>
        %dma_wait3A_424 = tpu.memref_squeeze %dma_wait3A_423 : memref<1x2048xf32, #tpu.memory_space<hbm>> -> memref<2048xf32, #tpu.memory_space<hbm>>
        %dma_wait3A_425 = arith.constant 0 : i32
        %dma_wait3A_426 = tpu.memref_slice %arg8[%dma_wait3A_425] : memref<2064xf32, #tpu.memory_space<vmem>> -> memref<2048xf32, #tpu.memory_space<vmem>>
        %dma_wait3A_427 = arith.constant 0 : i32
        %dma_wait3A_428 = tpu.memref_slice %arg2[%squeeze3A, %dma_wait3A_427] : memref<16384x2048xf32, #tpu.memory_space<hbm>> -> memref<1x2048xf32, #tpu.memory_space<hbm>>
        %dma_wait3A_429 = tpu.memref_squeeze %dma_wait3A_428 : memref<1x2048xf32, #tpu.memory_space<hbm>> -> memref<2048xf32, #tpu.memory_space<hbm>>
        tpu.wait_dma2 semaphore(%run_scoped3A_411 : memref<!tpu.dma_semaphore, #tpu.memory_space<semaphore_mem>>) src(%dma_wait3A_429 : memref<2048xf32, #tpu.memory_space<hbm>>) dst(%dma_wait3A_426 : memref<2048xf32, #tpu.memory_space<vmem>>)
        tpu.yield
      }) : () -> ()
      %run_scoped3A = arith.constant 0 : i32
      "tpu.region"() ({
        %run_scoped3A_411 = tpu.sem_alloc : memref<!tpu.dma_semaphore, #tpu.memory_space<semaphore_mem>>
        %dma_start3A = arith.constant 0 : i32
        %dma_start3A_412 = tpu.memref_slice %arg4[%run_scoped3A, %dma_start3A] : memref<4x16xi32, #tpu.memory_space<hbm>> -> memref<1x16xi32, #tpu.memory_space<hbm>>
        %dma_start3A_413 = tpu.memref_squeeze %dma_start3A_412 : memref<1x16xi32, #tpu.memory_space<hbm>> -> memref<16xi32, #tpu.memory_space<hbm>>
        %dma_start3A_414 = arith.constant 0 : i32
        %dma_start3A_415 = tpu.memref_slice %arg4[%run_scoped3A, %dma_start3A_414] : memref<4x16xi32, #tpu.memory_space<hbm>> -> memref<1x16xi32, #tpu.memory_space<hbm>>
        %dma_start3A_416 = tpu.memref_squeeze %dma_start3A_415 : memref<1x16xi32, #tpu.memory_space<hbm>> -> memref<16xi32, #tpu.memory_space<hbm>>
        tpu.enqueue_dma source(%dma_start3A_416 : memref<16xi32, #tpu.memory_space<hbm>>) target(%arg9 : memref<16xi32, #tpu.memory_space<vmem>>) target_semaphore(%run_scoped3A_411 : memref<!tpu.dma_semaphore, #tpu.memory_space<semaphore_mem>>)
        %dma_wait3A = arith.constant 0 : i32
        %dma_wait3A_417 = tpu.memref_slice %arg4[%run_scoped3A, %dma_wait3A] : memref<4x16xi32, #tpu.memory_space<hbm>> -> memref<1x16xi32, #tpu.memory_space<hbm>>
        %dma_wait3A_418 = tpu.memref_squeeze %dma_wait3A_417 : memref<1x16xi32, #tpu.memory_space<hbm>> -> memref<16xi32, #tpu.memory_space<hbm>>
        %dma_wait3A_419 = arith.constant 0 : i32
        %dma_wait3A_420 = tpu.memref_slice %arg4[%run_scoped3A, %dma_wait3A_419] : memref<4x16xi32, #tpu.memory_space<hbm>> -> memref<1x16xi32, #tpu.memory_space<hbm>>
        %dma_wait3A_421 = tpu.memref_squeeze %dma_wait3A_420 : memref<1x16xi32, #tpu.memory_space<hbm>> -> memref<16xi32, #tpu.memory_space<hbm>>
        tpu.wait_dma2 semaphore(%run_scoped3A_411 : memref<!tpu.dma_semaphore, #tpu.memory_space<semaphore_mem>>) src(%dma_wait3A_421 : memref<16xi32, #tpu.memory_space<hbm>>) dst(%arg9 : memref<16xi32, #tpu.memory_space<vmem>>)
        tpu.yield
      }) : () -> ()
      %run_scoped3A_20 = arith.constant 0 : i32
      "tpu.region"() ({
        %run_scoped3A_411 = tpu.sem_alloc : memref<!tpu.dma_semaphore, #tpu.memory_space<semaphore_mem>>
        %dma_start3A = arith.constant 0 : i32
        %dma_start3A_412 = tpu.memref_slice %arg5[%run_scoped3A_20, %dma_start3A] : memref<4x16xf32, #tpu.memory_space<hbm>> -> memref<1x16xf32, #tpu.memory_space<hbm>>
        %dma_start3A_413 = tpu.memref_squeeze %dma_start3A_412 : memref<1x16xf32, #tpu.memory_space<hbm>> -> memref<16xf32, #tpu.memory_space<hbm>>
        %dma_start3A_414 = arith.constant 0 : i32
        %dma_start3A_415 = tpu.memref_slice %arg5[%run_scoped3A_20, %dma_start3A_414] : memref<4x16xf32, #tpu.memory_space<hbm>> -> memref<1x16xf32, #tpu.memory_space<hbm>>
        %dma_start3A_416 = tpu.memref_squeeze %dma_start3A_415 : memref<1x16xf32, #tpu.memory_space<hbm>> -> memref<16xf32, #tpu.memory_space<hbm>>
        tpu.enqueue_dma source(%dma_start3A_416 : memref<16xf32, #tpu.memory_space<hbm>>) target(%arg10 : memref<16xf32, #tpu.memory_space<vmem>>) target_semaphore(%run_scoped3A_411 : memref<!tpu.dma_semaphore, #tpu.memory_space<semaphore_mem>>)
        %dma_wait3A = arith.constant 0 : i32
        %dma_wait3A_417 = tpu.memref_slice %arg5[%run_scoped3A_20, %dma_wait3A] : memref<4x16xf32, #tpu.memory_space<hbm>> -> memref<1x16xf32, #tpu.memory_space<hbm>>
        %dma_wait3A_418 = tpu.memref_squeeze %dma_wait3A_417 : memref<1x16xf32, #tpu.memory_space<hbm>> -> memref<16xf32, #tpu.memory_space<hbm>>
        %dma_wait3A_419 = arith.constant 0 : i32
        %dma_wait3A_420 = tpu.memref_slice %arg5[%run_scoped3A_20, %dma_wait3A_419] : memref<4x16xf32, #tpu.memory_space<hbm>> -> memref<1x16xf32, #tpu.memory_space<hbm>>
        %dma_wait3A_421 = tpu.memref_squeeze %dma_wait3A_420 : memref<1x16xf32, #tpu.memory_space<hbm>> -> memref<16xf32, #tpu.memory_space<hbm>>
        tpu.wait_dma2 semaphore(%run_scoped3A_411 : memref<!tpu.dma_semaphore, #tpu.memory_space<semaphore_mem>>) src(%dma_wait3A_421 : memref<16xf32, #tpu.memory_space<hbm>>) dst(%arg10 : memref<16xf32, #tpu.memory_space<vmem>>)
        tpu.yield
      }) : () -> ()
      %get3A_21 = arith.constant 0 : index
      %get3A_22 = tpu.vector_load %arg9[%get3A_21] {strides = array<i32>} : memref<16xi32, #tpu.memory_space<vmem>>, vector<16xi32>,
      %get3A_23 = vector.shape_cast %get3A_22 : vector<16xi32> to vector<16xi32>
      %broadcast_in_dim3A = arith.constant 0.000000e+00 : f32
      %broadcast_in_dim3A_24 = vector.broadcast %broadcast_in_dim3A : f32 to vector<16xf32>
      %slice3A_25 = vector.extract_strided_slice %get3A_23 {offsets = [0], sizes = [1], strides = [1]} : vector<16xi32> to vector<1xi32>
      %squeeze3A_26 = vector.extract %slice3A_25[0] : i32 from vector<1xi32>
      %get3A_27 = arith.index_cast %squeeze3A_26 : i32 to index
      %get3A_28 = tpu.vector_load %arg8[%get3A_27] {strides = array<i32>} : memref<2064xf32, #tpu.memory_space<vmem>>, vector<16xf32>,
      %get3A_29 = vector.shape_cast %get3A_28 : vector<16xf32> to vector<16xf32>
      %slice3A_30 = vector.extract_strided_slice %get3A_29 {offsets = [0], sizes = [1], strides = [1]} : vector<16xf32> to vector<1xf32>
      %squeeze3A_31 = vector.extract %slice3A_30[0] : f32 from vector<1xf32>
      %eq3A_32 = arith.constant 0 : i32
      %eq3A_33 = vector.broadcast %eq3A_32 : i32 to vector<16xi32>
      %eq3A_34 = arith.cmpi eq, %iota3A, %eq3A_33 : vector<16xi32>
      %broadcast_in_dim3A_35 = vector.broadcast %squeeze3A_31 : f32 to vector<16xf32>
      %select_n3A = arith.select %eq3A_34, %broadcast_in_dim3A_35, %broadcast_in_dim3A_24 : vector<16xi1>, vector<16xf32>
      %slice3A_36 = vector.extract_strided_slice %get3A_23 {offsets = [1], sizes = [1], strides = [1]} : vector<16xi32> to vector<1xi32>
      %squeeze3A_37 = vector.extract %slice3A_36[0] : i32 from vector<1xi32>
      %get3A_38 = arith.index_cast %squeeze3A_37 : i32 to index
      %get3A_39 = tpu.vector_load %arg8[%get3A_38] {strides = array<i32>} : memref<2064xf32, #tpu.memory_space<vmem>>, vector<16xf32>,
      %get3A_40 = vector.shape_cast %get3A_39 : vector<16xf32> to vector<16xf32>
      %slice3A_41 = vector.extract_strided_slice %get3A_40 {offsets = [0], sizes = [1], strides = [1]} : vector<16xf32> to vector<1xf32>
      %squeeze3A_42 = vector.extract %slice3A_41[0] : f32 from vector<1xf32>
      %eq3A_43 = arith.constant 1 : i32
      %eq3A_44 = vector.broadcast %eq3A_43 : i32 to vector<16xi32>
      %eq3A_45 = arith.cmpi eq, %iota3A, %eq3A_44 : vector<16xi32>
      %broadcast_in_dim3A_46 = vector.broadcast %squeeze3A_42 : f32 to vector<16xf32>
      %select_n3A_47 = arith.select %eq3A_45, %broadcast_in_dim3A_46, %select_n3A : vector<16xi1>, vector<16xf32>
      %slice3A_48 = vector.extract_strided_slice %get3A_23 {offsets = [2], sizes = [1], strides = [1]} : vector<16xi32> to vector<1xi32>
      %squeeze3A_49 = vector.extract %slice3A_48[0] : i32 from vector<1xi32>
      %get3A_50 = arith.index_cast %squeeze3A_49 : i32 to index
      %get3A_51 = tpu.vector_load %arg8[%get3A_50] {strides = array<i32>} : memref<2064xf32, #tpu.memory_space<vmem>>, vector<16xf32>,
      %get3A_52 = vector.shape_cast %get3A_51 : vector<16xf32> to vector<16xf32>
      %slice3A_53 = vector.extract_strided_slice %get3A_52 {offsets = [0], sizes = [1], strides = [1]} : vector<16xf32> to vector<1xf32>
      %squeeze3A_54 = vector.extract %slice3A_53[0] : f32 from vector<1xf32>
      %eq3A_55 = arith.constant 2 : i32
      %eq3A_56 = vector.broadcast %eq3A_55 : i32 to vector<16xi32>
      %eq3A_57 = arith.cmpi eq, %iota3A, %eq3A_56 : vector<16xi32>
      %broadcast_in_dim3A_58 = vector.broadcast %squeeze3A_54 : f32 to vector<16xf32>
      %select_n3A_59 = arith.select %eq3A_57, %broadcast_in_dim3A_58, %select_n3A_47 : vector<16xi1>, vector<16xf32>
      %slice3A_60 = vector.extract_strided_slice %get3A_23 {offsets = [3], sizes = [1], strides = [1]} : vector<16xi32> to vector<1xi32>
      %squeeze3A_61 = vector.extract %slice3A_60[0] : i32 from vector<1xi32>
      %get3A_62 = arith.index_cast %squeeze3A_61 : i32 to index
      %get3A_63 = tpu.vector_load %arg8[%get3A_62] {strides = array<i32>} : memref<2064xf32, #tpu.memory_space<vmem>>, vector<16xf32>,
      %get3A_64 = vector.shape_cast %get3A_63 : vector<16xf32> to vector<16xf32>
      %slice3A_65 = vector.extract_strided_slice %get3A_64 {offsets = [0], sizes = [1], strides = [1]} : vector<16xf32> to vector<1xf32>
      %squeeze3A_66 = vector.extract %slice3A_65[0] : f32 from vector<1xf32>
      %eq3A_67 = arith.constant 3 : i32
      %eq3A_68 = vector.broadcast %eq3A_67 : i32 to vector<16xi32>
      %eq3A_69 = arith.cmpi eq, %iota3A, %eq3A_68 : vector<16xi32>
      %broadcast_in_dim3A_70 = vector.broadcast %squeeze3A_66 : f32 to vector<16xf32>
      %select_n3A_71 = arith.select %eq3A_69, %broadcast_in_dim3A_70, %select_n3A_59 : vector<16xi1>, vector<16xf32>
      %slice3A_72 = vector.extract_strided_slice %get3A_23 {offsets = [4], sizes = [1], strides = [1]} : vector<16xi32> to vector<1xi32>
      %squeeze3A_73 = vector.extract %slice3A_72[0] : i32 from vector<1xi32>
      %get3A_74 = arith.index_cast %squeeze3A_73 : i32 to index
      %get3A_75 = tpu.vector_load %arg8[%get3A_74] {strides = array<i32>} : memref<2064xf32, #tpu.memory_space<vmem>>, vector<16xf32>,
      %get3A_76 = vector.shape_cast %get3A_75 : vector<16xf32> to vector<16xf32>
      %slice3A_77 = vector.extract_strided_slice %get3A_76 {offsets = [0], sizes = [1], strides = [1]} : vector<16xf32> to vector<1xf32>
      %squeeze3A_78 = vector.extract %slice3A_77[0] : f32 from vector<1xf32>
      %eq3A_79 = arith.constant 4 : i32
      %eq3A_80 = vector.broadcast %eq3A_79 : i32 to vector<16xi32>
      %eq3A_81 = arith.cmpi eq, %iota3A, %eq3A_80 : vector<16xi32>
      %broadcast_in_dim3A_82 = vector.broadcast %squeeze3A_78 : f32 to vector<16xf32>
      %select_n3A_83 = arith.select %eq3A_81, %broadcast_in_dim3A_82, %select_n3A_71 : vector<16xi1>, vector<16xf32>
      %slice3A_84 = vector.extract_strided_slice %get3A_23 {offsets = [5], sizes = [1], strides = [1]} : vector<16xi32> to vector<1xi32>
      %squeeze3A_85 = vector.extract %slice3A_84[0] : i32 from vector<1xi32>
      %get3A_86 = arith.index_cast %squeeze3A_85 : i32 to index
      %get3A_87 = tpu.vector_load %arg8[%get3A_86] {strides = array<i32>} : memref<2064xf32, #tpu.memory_space<vmem>>, vector<16xf32>,
      %get3A_88 = vector.shape_cast %get3A_87 : vector<16xf32> to vector<16xf32>
      %slice3A_89 = vector.extract_strided_slice %get3A_88 {offsets = [0], sizes = [1], strides = [1]} : vector<16xf32> to vector<1xf32>
      %squeeze3A_90 = vector.extract %slice3A_89[0] : f32 from vector<1xf32>
      %eq3A_91 = arith.constant 5 : i32
      %eq3A_92 = vector.broadcast %eq3A_91 : i32 to vector<16xi32>
      %eq3A_93 = arith.cmpi eq, %iota3A, %eq3A_92 : vector<16xi32>
      %broadcast_in_dim3A_94 = vector.broadcast %squeeze3A_90 : f32 to vector<16xf32>
      %select_n3A_95 = arith.select %eq3A_93, %broadcast_in_dim3A_94, %select_n3A_83 : vector<16xi1>, vector<16xf32>
      %slice3A_96 = vector.extract_strided_slice %get3A_23 {offsets = [6], sizes = [1], strides = [1]} : vector<16xi32> to vector<1xi32>
      %squeeze3A_97 = vector.extract %slice3A_96[0] : i32 from vector<1xi32>
      %get3A_98 = arith.index_cast %squeeze3A_97 : i32 to index
      %get3A_99 = tpu.vector_load %arg8[%get3A_98] {strides = array<i32>} : memref<2064xf32, #tpu.memory_space<vmem>>, vector<16xf32>,
      %get3A_100 = vector.shape_cast %get3A_99 : vector<16xf32> to vector<16xf32>
      %slice3A_101 = vector.extract_strided_slice %get3A_100 {offsets = [0], sizes = [1], strides = [1]} : vector<16xf32> to vector<1xf32>
      %squeeze3A_102 = vector.extract %slice3A_101[0] : f32 from vector<1xf32>
      %eq3A_103 = arith.constant 6 : i32
      %eq3A_104 = vector.broadcast %eq3A_103 : i32 to vector<16xi32>
      %eq3A_105 = arith.cmpi eq, %iota3A, %eq3A_104 : vector<16xi32>
      %broadcast_in_dim3A_106 = vector.broadcast %squeeze3A_102 : f32 to vector<16xf32>
      %select_n3A_107 = arith.select %eq3A_105, %broadcast_in_dim3A_106, %select_n3A_95 : vector<16xi1>, vector<16xf32>
      %slice3A_108 = vector.extract_strided_slice %get3A_23 {offsets = [7], sizes = [1], strides = [1]} : vector<16xi32> to vector<1xi32>
      %squeeze3A_109 = vector.extract %slice3A_108[0] : i32 from vector<1xi32>
      %get3A_110 = arith.index_cast %squeeze3A_109 : i32 to index
      %get3A_111 = tpu.vector_load %arg8[%get3A_110] {strides = array<i32>} : memref<2064xf32, #tpu.memory_space<vmem>>, vector<16xf32>,
      %get3A_112 = vector.shape_cast %get3A_111 : vector<16xf32> to vector<16xf32>
      %slice3A_113 = vector.extract_strided_slice %get3A_112 {offsets = [0], sizes = [1], strides = [1]} : vector<16xf32> to vector<1xf32>
      %squeeze3A_114 = vector.extract %slice3A_113[0] : f32 from vector<1xf32>
      %eq3A_115 = arith.constant 7 : i32
      %eq3A_116 = vector.broadcast %eq3A_115 : i32 to vector<16xi32>
      %eq3A_117 = arith.cmpi eq, %iota3A, %eq3A_116 : vector<16xi32>
      %broadcast_in_dim3A_118 = vector.broadcast %squeeze3A_114 : f32 to vector<16xf32>
      %select_n3A_119 = arith.select %eq3A_117, %broadcast_in_dim3A_118, %select_n3A_107 : vector<16xi1>, vector<16xf32>
      %slice3A_120 = vector.extract_strided_slice %get3A_23 {offsets = [8], sizes = [1], strides = [1]} : vector<16xi32> to vector<1xi32>
      %squeeze3A_121 = vector.extract %slice3A_120[0] : i32 from vector<1xi32>
      %get3A_122 = arith.index_cast %squeeze3A_121 : i32 to index
      %get3A_123 = tpu.vector_load %arg8[%get3A_122] {strides = array<i32>} : memref<2064xf32, #tpu.memory_space<vmem>>, vector<16xf32>,
      %get3A_124 = vector.shape_cast %get3A_123 : vector<16xf32> to vector<16xf32>
      %slice3A_125 = vector.extract_strided_slice %get3A_124 {offsets = [0], sizes = [1], strides = [1]} : vector<16xf32> to vector<1xf32>
      %squeeze3A_126 = vector.extract %slice3A_125[0] : f32 from vector<1xf32>
      %eq3A_127 = arith.constant 8 : i32
      %eq3A_128 = vector.broadcast %eq3A_127 : i32 to vector<16xi32>
      %eq3A_129 = arith.cmpi eq, %iota3A, %eq3A_128 : vector<16xi32>
      %broadcast_in_dim3A_130 = vector.broadcast %squeeze3A_126 : f32 to vector<16xf32>
      %select_n3A_131 = arith.select %eq3A_129, %broadcast_in_dim3A_130, %select_n3A_119 : vector<16xi1>, vector<16xf32>
      %slice3A_132 = vector.extract_strided_slice %get3A_23 {offsets = [9], sizes = [1], strides = [1]} : vector<16xi32> to vector<1xi32>
      %squeeze3A_133 = vector.extract %slice3A_132[0] : i32 from vector<1xi32>
      %get3A_134 = arith.index_cast %squeeze3A_133 : i32 to index
      %get3A_135 = tpu.vector_load %arg8[%get3A_134] {strides = array<i32>} : memref<2064xf32, #tpu.memory_space<vmem>>, vector<16xf32>,
      %get3A_136 = vector.shape_cast %get3A_135 : vector<16xf32> to vector<16xf32>
      %slice3A_137 = vector.extract_strided_slice %get3A_136 {offsets = [0], sizes = [1], strides = [1]} : vector<16xf32> to vector<1xf32>
      %squeeze3A_138 = vector.extract %slice3A_137[0] : f32 from vector<1xf32>
      %eq3A_139 = arith.constant 9 : i32
      %eq3A_140 = vector.broadcast %eq3A_139 : i32 to vector<16xi32>
      %eq3A_141 = arith.cmpi eq, %iota3A, %eq3A_140 : vector<16xi32>
      %broadcast_in_dim3A_142 = vector.broadcast %squeeze3A_138 : f32 to vector<16xf32>
      %select_n3A_143 = arith.select %eq3A_141, %broadcast_in_dim3A_142, %select_n3A_131 : vector<16xi1>, vector<16xf32>
      %slice3A_144 = vector.extract_strided_slice %get3A_23 {offsets = [10], sizes = [1], strides = [1]} : vector<16xi32> to vector<1xi32>
      %squeeze3A_145 = vector.extract %slice3A_144[0] : i32 from vector<1xi32>
      %get3A_146 = arith.index_cast %squeeze3A_145 : i32 to index
      %get3A_147 = tpu.vector_load %arg8[%get3A_146] {strides = array<i32>} : memref<2064xf32, #tpu.memory_space<vmem>>, vector<16xf32>,
      %get3A_148 = vector.shape_cast %get3A_147 : vector<16xf32> to vector<16xf32>
      %slice3A_149 = vector.extract_strided_slice %get3A_148 {offsets = [0], sizes = [1], strides = [1]} : vector<16xf32> to vector<1xf32>
      %squeeze3A_150 = vector.extract %slice3A_149[0] : f32 from vector<1xf32>
      %eq3A_151 = arith.constant 10 : i32
      %eq3A_152 = vector.broadcast %eq3A_151 : i32 to vector<16xi32>
      %eq3A_153 = arith.cmpi eq, %iota3A, %eq3A_152 : vector<16xi32>
      %broadcast_in_dim3A_154 = vector.broadcast %squeeze3A_150 : f32 to vector<16xf32>
      %select_n3A_155 = arith.select %eq3A_153, %broadcast_in_dim3A_154, %select_n3A_143 : vector<16xi1>, vector<16xf32>
      %slice3A_156 = vector.extract_strided_slice %get3A_23 {offsets = [11], sizes = [1], strides = [1]} : vector<16xi32> to vector<1xi32>
      %squeeze3A_157 = vector.extract %slice3A_156[0] : i32 from vector<1xi32>
      %get3A_158 = arith.index_cast %squeeze3A_157 : i32 to index
      %get3A_159 = tpu.vector_load %arg8[%get3A_158] {strides = array<i32>} : memref<2064xf32, #tpu.memory_space<vmem>>, vector<16xf32>,
      %get3A_160 = vector.shape_cast %get3A_159 : vector<16xf32> to vector<16xf32>
      %slice3A_161 = vector.extract_strided_slice %get3A_160 {offsets = [0], sizes = [1], strides = [1]} : vector<16xf32> to vector<1xf32>
      %squeeze3A_162 = vector.extract %slice3A_161[0] : f32 from vector<1xf32>
      %eq3A_163 = arith.constant 11 : i32
      %eq3A_164 = vector.broadcast %eq3A_163 : i32 to vector<16xi32>
      %eq3A_165 = arith.cmpi eq, %iota3A, %eq3A_164 : vector<16xi32>
      %broadcast_in_dim3A_166 = vector.broadcast %squeeze3A_162 : f32 to vector<16xf32>
      %select_n3A_167 = arith.select %eq3A_165, %broadcast_in_dim3A_166, %select_n3A_155 : vector<16xi1>, vector<16xf32>
      %slice3A_168 = vector.extract_strided_slice %get3A_23 {offsets = [12], sizes = [1], strides = [1]} : vector<16xi32> to vector<1xi32>
      %squeeze3A_169 = vector.extract %slice3A_168[0] : i32 from vector<1xi32>
      %get3A_170 = arith.index_cast %squeeze3A_169 : i32 to index
      %get3A_171 = tpu.vector_load %arg8[%get3A_170] {strides = array<i32>} : memref<2064xf32, #tpu.memory_space<vmem>>, vector<16xf32>,
      %get3A_172 = vector.shape_cast %get3A_171 : vector<16xf32> to vector<16xf32>
      %slice3A_173 = vector.extract_strided_slice %get3A_172 {offsets = [0], sizes = [1], strides = [1]} : vector<16xf32> to vector<1xf32>
      %squeeze3A_174 = vector.extract %slice3A_173[0] : f32 from vector<1xf32>
      %eq3A_175 = arith.constant 12 : i32
      %eq3A_176 = vector.broadcast %eq3A_175 : i32 to vector<16xi32>
      %eq3A_177 = arith.cmpi eq, %iota3A, %eq3A_176 : vector<16xi32>
      %broadcast_in_dim3A_178 = vector.broadcast %squeeze3A_174 : f32 to vector<16xf32>
      %select_n3A_179 = arith.select %eq3A_177, %broadcast_in_dim3A_178, %select_n3A_167 : vector<16xi1>, vector<16xf32>
      %slice3A_180 = vector.extract_strided_slice %get3A_23 {offsets = [13], sizes = [1], strides = [1]} : vector<16xi32> to vector<1xi32>
      %squeeze3A_181 = vector.extract %slice3A_180[0] : i32 from vector<1xi32>
      %get3A_182 = arith.index_cast %squeeze3A_181 : i32 to index
      %get3A_183 = tpu.vector_load %arg8[%get3A_182] {strides = array<i32>} : memref<2064xf32, #tpu.memory_space<vmem>>, vector<16xf32>,
      %get3A_184 = vector.shape_cast %get3A_183 : vector<16xf32> to vector<16xf32>
      %slice3A_185 = vector.extract_strided_slice %get3A_184 {offsets = [0], sizes = [1], strides = [1]} : vector<16xf32> to vector<1xf32>
      %squeeze3A_186 = vector.extract %slice3A_185[0] : f32 from vector<1xf32>
      %eq3A_187 = arith.constant 13 : i32
      %eq3A_188 = vector.broadcast %eq3A_187 : i32 to vector<16xi32>
      %eq3A_189 = arith.cmpi eq, %iota3A, %eq3A_188 : vector<16xi32>
      %broadcast_in_dim3A_190 = vector.broadcast %squeeze3A_186 : f32 to vector<16xf32>
      %select_n3A_191 = arith.select %eq3A_189, %broadcast_in_dim3A_190, %select_n3A_179 : vector<16xi1>, vector<16xf32>
      %slice3A_192 = vector.extract_strided_slice %get3A_23 {offsets = [14], sizes = [1], strides = [1]} : vector<16xi32> to vector<1xi32>
      %squeeze3A_193 = vector.extract %slice3A_192[0] : i32 from vector<1xi32>
      %get3A_194 = arith.index_cast %squeeze3A_193 : i32 to index
      %get3A_195 = tpu.vector_load %arg8[%get3A_194] {strides = array<i32>} : memref<2064xf32, #tpu.memory_space<vmem>>, vector<16xf32>,
      %get3A_196 = vector.shape_cast %get3A_195 : vector<16xf32> to vector<16xf32>
      %slice3A_197 = vector.extract_strided_slice %get3A_196 {offsets = [0], sizes = [1], strides = [1]} : vector<16xf32> to vector<1xf32>
      %squeeze3A_198 = vector.extract %slice3A_197[0] : f32 from vector<1xf32>
      %eq3A_199 = arith.constant 14 : i32
      %eq3A_200 = vector.broadcast %eq3A_199 : i32 to vector<16xi32>
      %eq3A_201 = arith.cmpi eq, %iota3A, %eq3A_200 : vector<16xi32>
      %broadcast_in_dim3A_202 = vector.broadcast %squeeze3A_198 : f32 to vector<16xf32>
      %select_n3A_203 = arith.select %eq3A_201, %broadcast_in_dim3A_202, %select_n3A_191 : vector<16xi1>, vector<16xf32>
      %slice3A_204 = vector.extract_strided_slice %get3A_23 {offsets = [15], sizes = [1], strides = [1]} : vector<16xi32> to vector<1xi32>
      %squeeze3A_205 = vector.extract %slice3A_204[0] : i32 from vector<1xi32>
      %get3A_206 = arith.index_cast %squeeze3A_205 : i32 to index
      %get3A_207 = tpu.vector_load %arg8[%get3A_206] {strides = array<i32>} : memref<2064xf32, #tpu.memory_space<vmem>>, vector<16xf32>,
      %get3A_208 = vector.shape_cast %get3A_207 : vector<16xf32> to vector<16xf32>
      %slice3A_209 = vector.extract_strided_slice %get3A_208 {offsets = [0], sizes = [1], strides = [1]} : vector<16xf32> to vector<1xf32>
      %squeeze3A_210 = vector.extract %slice3A_209[0] : f32 from vector<1xf32>
      %eq3A_211 = arith.constant 15 : i32
      %eq3A_212 = vector.broadcast %eq3A_211 : i32 to vector<16xi32>
      %eq3A_213 = arith.cmpi eq, %iota3A, %eq3A_212 : vector<16xi32>
      %broadcast_in_dim3A_214 = vector.broadcast %squeeze3A_210 : f32 to vector<16xf32>
      %select_n3A_215 = arith.select %eq3A_213, %broadcast_in_dim3A_214, %select_n3A_203 : vector<16xi1>, vector<16xf32>
      %get3A_216 = arith.constant 0 : index
      %get3A_217 = tpu.vector_load %arg10[%get3A_216] {strides = array<i32>} : memref<16xf32, #tpu.memory_space<vmem>>, vector<16xf32>,
      %get3A_218 = vector.shape_cast %get3A_217 : vector<16xf32> to vector<16xf32>
      %sign3A = tpu.bitcast %select_n3A_215 : vector<16xf32> -> vector<16xi32>
      %sign3A_219 = arith.constant -2147483648 : i32
      %sign3A_220 = vector.broadcast %sign3A_219 : i32 to vector<16xi32>
      %sign3A_221 = arith.andi %sign3A, %sign3A_220 : vector<16xi32>
      %sign3A_222 = arith.constant 1065353216 : i32
      %sign3A_223 = vector.broadcast %sign3A_222 : i32 to vector<16xi32>
      %sign3A_224 = arith.ori %sign3A_223, %sign3A_221 : vector<16xi32>
      %sign3A_225 = tpu.bitcast %sign3A_224 : vector<16xi32> -> vector<16xf32>
      %sign3A_226 = math.absf %select_n3A_215 : vector<16xf32>
      %sign3A_227 = arith.constant 0.000000e+00 : f32
      %sign3A_228 = vector.broadcast %sign3A_227 : f32 to vector<16xf32>
      %sign3A_229 = arith.cmpf ogt, %sign3A_226, %sign3A_228 : vector<16xf32>
      %sign3A_230 = arith.select %sign3A_229, %sign3A_225, %select_n3A_215 : vector<16xi1>, vector<16xf32>
      %mul3A_231 = arith.mulf %get3A_218, %sign3A_230 : vector<16xf32>
      %slice3A_232 = vector.extract_strided_slice %get3A_23 {offsets = [0], sizes = [1], strides = [1]} : vector<16xi32> to vector<1xi32>
      %squeeze3A_233 = vector.extract %slice3A_232[0] : i32 from vector<1xi32>
      %slice3A_234 = vector.extract_strided_slice %mul3A_231 {offsets = [0], sizes = [1], strides = [1]} : vector<16xf32> to vector<1xf32>
      %squeeze3A_235 = vector.extract %slice3A_234[0] : f32 from vector<1xf32>
      %eq3A_236 = vector.broadcast %squeeze3A_233 : i32 to vector<16xi32>
      %eq3A_237 = arith.cmpi eq, %get3A_23, %eq3A_236 : vector<16xi32>
      %jit3A = arith.constant 0.000000e+00 : f32
      %broadcast_in_dim3A_238 = vector.broadcast %squeeze3A_235 : f32 to vector<16xf32>
      %broadcast_in_dim3A_239 = vector.broadcast %jit3A : f32 to vector<16xf32>
      %select_n3A_240 = arith.select %eq3A_237, %broadcast_in_dim3A_238, %broadcast_in_dim3A_239 : vector<16xi1>, vector<16xf32>
      %add3A_241 = arith.addf %select_n3A_215, %select_n3A_240 : vector<16xf32>
      %slice3A_242 = vector.extract_strided_slice %get3A_23 {offsets = [1], sizes = [1], strides = [1]} : vector<16xi32> to vector<1xi32>
      %squeeze3A_243 = vector.extract %slice3A_242[0] : i32 from vector<1xi32>
      %slice3A_244 = vector.extract_strided_slice %mul3A_231 {offsets = [1], sizes = [1], strides = [1]} : vector<16xf32> to vector<1xf32>
      %squeeze3A_245 = vector.extract %slice3A_244[0] : f32 from vector<1xf32>
      %eq3A_246 = vector.broadcast %squeeze3A_243 : i32 to vector<16xi32>
      %eq3A_247 = arith.cmpi eq, %get3A_23, %eq3A_246 : vector<16xi32>
      %jit3A_248 = arith.constant 0.000000e+00 : f32
      %broadcast_in_dim3A_249 = vector.broadcast %squeeze3A_245 : f32 to vector<16xf32>
      %broadcast_in_dim3A_250 = vector.broadcast %jit3A_248 : f32 to vector<16xf32>
      %select_n3A_251 = arith.select %eq3A_247, %broadcast_in_dim3A_249, %broadcast_in_dim3A_250 : vector<16xi1>, vector<16xf32>
      %add3A_252 = arith.addf %add3A_241, %select_n3A_251 : vector<16xf32>
      %slice3A_253 = vector.extract_strided_slice %get3A_23 {offsets = [2], sizes = [1], strides = [1]} : vector<16xi32> to vector<1xi32>
      %squeeze3A_254 = vector.extract %slice3A_253[0] : i32 from vector<1xi32>
      %slice3A_255 = vector.extract_strided_slice %mul3A_231 {offsets = [2], sizes = [1], strides = [1]} : vector<16xf32> to vector<1xf32>
      %squeeze3A_256 = vector.extract %slice3A_255[0] : f32 from vector<1xf32>
      %eq3A_257 = vector.broadcast %squeeze3A_254 : i32 to vector<16xi32>
      %eq3A_258 = arith.cmpi eq, %get3A_23, %eq3A_257 : vector<16xi32>
      %jit3A_259 = arith.constant 0.000000e+00 : f32
      %broadcast_in_dim3A_260 = vector.broadcast %squeeze3A_256 : f32 to vector<16xf32>
      %broadcast_in_dim3A_261 = vector.broadcast %jit3A_259 : f32 to vector<16xf32>
      %select_n3A_262 = arith.select %eq3A_258, %broadcast_in_dim3A_260, %broadcast_in_dim3A_261 : vector<16xi1>, vector<16xf32>
      %add3A_263 = arith.addf %add3A_252, %select_n3A_262 : vector<16xf32>
      %slice3A_264 = vector.extract_strided_slice %get3A_23 {offsets = [3], sizes = [1], strides = [1]} : vector<16xi32> to vector<1xi32>
      %squeeze3A_265 = vector.extract %slice3A_264[0] : i32 from vector<1xi32>
      %slice3A_266 = vector.extract_strided_slice %mul3A_231 {offsets = [3], sizes = [1], strides = [1]} : vector<16xf32> to vector<1xf32>
      %squeeze3A_267 = vector.extract %slice3A_266[0] : f32 from vector<1xf32>
      %eq3A_268 = vector.broadcast %squeeze3A_265 : i32 to vector<16xi32>
      %eq3A_269 = arith.cmpi eq, %get3A_23, %eq3A_268 : vector<16xi32>
      %jit3A_270 = arith.constant 0.000000e+00 : f32
      %broadcast_in_dim3A_271 = vector.broadcast %squeeze3A_267 : f32 to vector<16xf32>
      %broadcast_in_dim3A_272 = vector.broadcast %jit3A_270 : f32 to vector<16xf32>
      %select_n3A_273 = arith.select %eq3A_269, %broadcast_in_dim3A_271, %broadcast_in_dim3A_272 : vector<16xi1>, vector<16xf32>
      %add3A_274 = arith.addf %add3A_263, %select_n3A_273 : vector<16xf32>
      %slice3A_275 = vector.extract_strided_slice %get3A_23 {offsets = [4], sizes = [1], strides = [1]} : vector<16xi32> to vector<1xi32>
      %squeeze3A_276 = vector.extract %slice3A_275[0] : i32 from vector<1xi32>
      %slice3A_277 = vector.extract_strided_slice %mul3A_231 {offsets = [4], sizes = [1], strides = [1]} : vector<16xf32> to vector<1xf32>
      %squeeze3A_278 = vector.extract %slice3A_277[0] : f32 from vector<1xf32>
      %eq3A_279 = vector.broadcast %squeeze3A_276 : i32 to vector<16xi32>
      %eq3A_280 = arith.cmpi eq, %get3A_23, %eq3A_279 : vector<16xi32>
      %jit3A_281 = arith.constant 0.000000e+00 : f32
      %broadcast_in_dim3A_282 = vector.broadcast %squeeze3A_278 : f32 to vector<16xf32>
      %broadcast_in_dim3A_283 = vector.broadcast %jit3A_281 : f32 to vector<16xf32>
      %select_n3A_284 = arith.select %eq3A_280, %broadcast_in_dim3A_282, %broadcast_in_dim3A_283 : vector<16xi1>, vector<16xf32>
      %add3A_285 = arith.addf %add3A_274, %select_n3A_284 : vector<16xf32>
      %slice3A_286 = vector.extract_strided_slice %get3A_23 {offsets = [5], sizes = [1], strides = [1]} : vector<16xi32> to vector<1xi32>
      %squeeze3A_287 = vector.extract %slice3A_286[0] : i32 from vector<1xi32>
      %slice3A_288 = vector.extract_strided_slice %mul3A_231 {offsets = [5], sizes = [1], strides = [1]} : vector<16xf32> to vector<1xf32>
      %squeeze3A_289 = vector.extract %slice3A_288[0] : f32 from vector<1xf32>
      %eq3A_290 = vector.broadcast %squeeze3A_287 : i32 to vector<16xi32>
      %eq3A_291 = arith.cmpi eq, %get3A_23, %eq3A_290 : vector<16xi32>
      %jit3A_292 = arith.constant 0.000000e+00 : f32
      %broadcast_in_dim3A_293 = vector.broadcast %squeeze3A_289 : f32 to vector<16xf32>
      %broadcast_in_dim3A_294 = vector.broadcast %jit3A_292 : f32 to vector<16xf32>
      %select_n3A_295 = arith.select %eq3A_291, %broadcast_in_dim3A_293, %broadcast_in_dim3A_294 : vector<16xi1>, vector<16xf32>
      %add3A_296 = arith.addf %add3A_285, %select_n3A_295 : vector<16xf32>
      %slice3A_297 = vector.extract_strided_slice %get3A_23 {offsets = [6], sizes = [1], strides = [1]} : vector<16xi32> to vector<1xi32>
      %squeeze3A_298 = vector.extract %slice3A_297[0] : i32 from vector<1xi32>
      %slice3A_299 = vector.extract_strided_slice %mul3A_231 {offsets = [6], sizes = [1], strides = [1]} : vector<16xf32> to vector<1xf32>
      %squeeze3A_300 = vector.extract %slice3A_299[0] : f32 from vector<1xf32>
      %eq3A_301 = vector.broadcast %squeeze3A_298 : i32 to vector<16xi32>
      %eq3A_302 = arith.cmpi eq, %get3A_23, %eq3A_301 : vector<16xi32>
      %jit3A_303 = arith.constant 0.000000e+00 : f32
      %broadcast_in_dim3A_304 = vector.broadcast %squeeze3A_300 : f32 to vector<16xf32>
      %broadcast_in_dim3A_305 = vector.broadcast %jit3A_303 : f32 to vector<16xf32>
      %select_n3A_306 = arith.select %eq3A_302, %broadcast_in_dim3A_304, %broadcast_in_dim3A_305 : vector<16xi1>, vector<16xf32>
      %add3A_307 = arith.addf %add3A_296, %select_n3A_306 : vector<16xf32>
      %slice3A_308 = vector.extract_strided_slice %get3A_23 {offsets = [7], sizes = [1], strides = [1]} : vector<16xi32> to vector<1xi32>
      %squeeze3A_309 = vector.extract %slice3A_308[0] : i32 from vector<1xi32>
      %slice3A_310 = vector.extract_strided_slice %mul3A_231 {offsets = [7], sizes = [1], strides = [1]} : vector<16xf32> to vector<1xf32>
      %squeeze3A_311 = vector.extract %slice3A_310[0] : f32 from vector<1xf32>
      %eq3A_312 = vector.broadcast %squeeze3A_309 : i32 to vector<16xi32>
      %eq3A_313 = arith.cmpi eq, %get3A_23, %eq3A_312 : vector<16xi32>
      %jit3A_314 = arith.constant 0.000000e+00 : f32
      %broadcast_in_dim3A_315 = vector.broadcast %squeeze3A_311 : f32 to vector<16xf32>
      %broadcast_in_dim3A_316 = vector.broadcast %jit3A_314 : f32 to vector<16xf32>
      %select_n3A_317 = arith.select %eq3A_313, %broadcast_in_dim3A_315, %broadcast_in_dim3A_316 : vector<16xi1>, vector<16xf32>
      %add3A_318 = arith.addf %add3A_307, %select_n3A_317 : vector<16xf32>
      %slice3A_319 = vector.extract_strided_slice %get3A_23 {offsets = [8], sizes = [1], strides = [1]} : vector<16xi32> to vector<1xi32>
      %squeeze3A_320 = vector.extract %slice3A_319[0] : i32 from vector<1xi32>
      %slice3A_321 = vector.extract_strided_slice %mul3A_231 {offsets = [8], sizes = [1], strides = [1]} : vector<16xf32> to vector<1xf32>
      %squeeze3A_322 = vector.extract %slice3A_321[0] : f32 from vector<1xf32>
      %eq3A_323 = vector.broadcast %squeeze3A_320 : i32 to vector<16xi32>
      %eq3A_324 = arith.cmpi eq, %get3A_23, %eq3A_323 : vector<16xi32>
      %jit3A_325 = arith.constant 0.000000e+00 : f32
      %broadcast_in_dim3A_326 = vector.broadcast %squeeze3A_322 : f32 to vector<16xf32>
      %broadcast_in_dim3A_327 = vector.broadcast %jit3A_325 : f32 to vector<16xf32>
      %select_n3A_328 = arith.select %eq3A_324, %broadcast_in_dim3A_326, %broadcast_in_dim3A_327 : vector<16xi1>, vector<16xf32>
      %add3A_329 = arith.addf %add3A_318, %select_n3A_328 : vector<16xf32>
      %slice3A_330 = vector.extract_strided_slice %get3A_23 {offsets = [9], sizes = [1], strides = [1]} : vector<16xi32> to vector<1xi32>
      %squeeze3A_331 = vector.extract %slice3A_330[0] : i32 from vector<1xi32>
      %slice3A_332 = vector.extract_strided_slice %mul3A_231 {offsets = [9], sizes = [1], strides = [1]} : vector<16xf32> to vector<1xf32>
      %squeeze3A_333 = vector.extract %slice3A_332[0] : f32 from vector<1xf32>
      %eq3A_334 = vector.broadcast %squeeze3A_331 : i32 to vector<16xi32>
      %eq3A_335 = arith.cmpi eq, %get3A_23, %eq3A_334 : vector<16xi32>
      %jit3A_336 = arith.constant 0.000000e+00 : f32
      %broadcast_in_dim3A_337 = vector.broadcast %squeeze3A_333 : f32 to vector<16xf32>
      %broadcast_in_dim3A_338 = vector.broadcast %jit3A_336 : f32 to vector<16xf32>
      %select_n3A_339 = arith.select %eq3A_335, %broadcast_in_dim3A_337, %broadcast_in_dim3A_338 : vector<16xi1>, vector<16xf32>
      %add3A_340 = arith.addf %add3A_329, %select_n3A_339 : vector<16xf32>
      %slice3A_341 = vector.extract_strided_slice %get3A_23 {offsets = [10], sizes = [1], strides = [1]} : vector<16xi32> to vector<1xi32>
      %squeeze3A_342 = vector.extract %slice3A_341[0] : i32 from vector<1xi32>
      %slice3A_343 = vector.extract_strided_slice %mul3A_231 {offsets = [10], sizes = [1], strides = [1]} : vector<16xf32> to vector<1xf32>
      %squeeze3A_344 = vector.extract %slice3A_343[0] : f32 from vector<1xf32>
      %eq3A_345 = vector.broadcast %squeeze3A_342 : i32 to vector<16xi32>
      %eq3A_346 = arith.cmpi eq, %get3A_23, %eq3A_345 : vector<16xi32>
      %jit3A_347 = arith.constant 0.000000e+00 : f32
      %broadcast_in_dim3A_348 = vector.broadcast %squeeze3A_344 : f32 to vector<16xf32>
      %broadcast_in_dim3A_349 = vector.broadcast %jit3A_347 : f32 to vector<16xf32>
      %select_n3A_350 = arith.select %eq3A_346, %broadcast_in_dim3A_348, %broadcast_in_dim3A_349 : vector<16xi1>, vector<16xf32>
      %add3A_351 = arith.addf %add3A_340, %select_n3A_350 : vector<16xf32>
      %slice3A_352 = vector.extract_strided_slice %get3A_23 {offsets = [11], sizes = [1], strides = [1]} : vector<16xi32> to vector<1xi32>
      %squeeze3A_353 = vector.extract %slice3A_352[0] : i32 from vector<1xi32>
      %slice3A_354 = vector.extract_strided_slice %mul3A_231 {offsets = [11], sizes = [1], strides = [1]} : vector<16xf32> to vector<1xf32>
      %squeeze3A_355 = vector.extract %slice3A_354[0] : f32 from vector<1xf32>
      %eq3A_356 = vector.broadcast %squeeze3A_353 : i32 to vector<16xi32>
      %eq3A_357 = arith.cmpi eq, %get3A_23, %eq3A_356 : vector<16xi32>
      %jit3A_358 = arith.constant 0.000000e+00 : f32
      %broadcast_in_dim3A_359 = vector.broadcast %squeeze3A_355 : f32 to vector<16xf32>
      %broadcast_in_dim3A_360 = vector.broadcast %jit3A_358 : f32 to vector<16xf32>
      %select_n3A_361 = arith.select %eq3A_357, %broadcast_in_dim3A_359, %broadcast_in_dim3A_360 : vector<16xi1>, vector<16xf32>
      %add3A_362 = arith.addf %add3A_351, %select_n3A_361 : vector<16xf32>
      %slice3A_363 = vector.extract_strided_slice %get3A_23 {offsets = [12], sizes = [1], strides = [1]} : vector<16xi32> to vector<1xi32>
      %squeeze3A_364 = vector.extract %slice3A_363[0] : i32 from vector<1xi32>
      %slice3A_365 = vector.extract_strided_slice %mul3A_231 {offsets = [12], sizes = [1], strides = [1]} : vector<16xf32> to vector<1xf32>
      %squeeze3A_366 = vector.extract %slice3A_365[0] : f32 from vector<1xf32>
      %eq3A_367 = vector.broadcast %squeeze3A_364 : i32 to vector<16xi32>
      %eq3A_368 = arith.cmpi eq, %get3A_23, %eq3A_367 : vector<16xi32>
      %jit3A_369 = arith.constant 0.000000e+00 : f32
      %broadcast_in_dim3A_370 = vector.broadcast %squeeze3A_366 : f32 to vector<16xf32>
      %broadcast_in_dim3A_371 = vector.broadcast %jit3A_369 : f32 to vector<16xf32>
      %select_n3A_372 = arith.select %eq3A_368, %broadcast_in_dim3A_370, %broadcast_in_dim3A_371 : vector<16xi1>, vector<16xf32>
      %add3A_373 = arith.addf %add3A_362, %select_n3A_372 : vector<16xf32>
      %slice3A_374 = vector.extract_strided_slice %get3A_23 {offsets = [13], sizes = [1], strides = [1]} : vector<16xi32> to vector<1xi32>
      %squeeze3A_375 = vector.extract %slice3A_374[0] : i32 from vector<1xi32>
      %slice3A_376 = vector.extract_strided_slice %mul3A_231 {offsets = [13], sizes = [1], strides = [1]} : vector<16xf32> to vector<1xf32>
      %squeeze3A_377 = vector.extract %slice3A_376[0] : f32 from vector<1xf32>
      %eq3A_378 = vector.broadcast %squeeze3A_375 : i32 to vector<16xi32>
      %eq3A_379 = arith.cmpi eq, %get3A_23, %eq3A_378 : vector<16xi32>
      %jit3A_380 = arith.constant 0.000000e+00 : f32
      %broadcast_in_dim3A_381 = vector.broadcast %squeeze3A_377 : f32 to vector<16xf32>
      %broadcast_in_dim3A_382 = vector.broadcast %jit3A_380 : f32 to vector<16xf32>
      %select_n3A_383 = arith.select %eq3A_379, %broadcast_in_dim3A_381, %broadcast_in_dim3A_382 : vector<16xi1>, vector<16xf32>
      %add3A_384 = arith.addf %add3A_373, %select_n3A_383 : vector<16xf32>
      %slice3A_385 = vector.extract_strided_slice %get3A_23 {offsets = [14], sizes = [1], strides = [1]} : vector<16xi32> to vector<1xi32>
      %squeeze3A_386 = vector.extract %slice3A_385[0] : i32 from vector<1xi32>
      %slice3A_387 = vector.extract_strided_slice %mul3A_231 {offsets = [14], sizes = [1], strides = [1]} : vector<16xf32> to vector<1xf32>
      %squeeze3A_388 = vector.extract %slice3A_387[0] : f32 from vector<1xf32>
      %eq3A_389 = vector.broadcast %squeeze3A_386 : i32 to vector<16xi32>
      %eq3A_390 = arith.cmpi eq, %get3A_23, %eq3A_389 : vector<16xi32>
      %jit3A_391 = arith.constant 0.000000e+00 : f32
      %broadcast_in_dim3A_392 = vector.broadcast %squeeze3A_388 : f32 to vector<16xf32>
      %broadcast_in_dim3A_393 = vector.broadcast %jit3A_391 : f32 to vector<16xf32>
      %select_n3A_394 = arith.select %eq3A_390, %broadcast_in_dim3A_392, %broadcast_in_dim3A_393 : vector<16xi1>, vector<16xf32>
      %add3A_395 = arith.addf %add3A_384, %select_n3A_394 : vector<16xf32>
      %slice3A_396 = vector.extract_strided_slice %get3A_23 {offsets = [15], sizes = [1], strides = [1]} : vector<16xi32> to vector<1xi32>
      %squeeze3A_397 = vector.extract %slice3A_396[0] : i32 from vector<1xi32>
      %slice3A_398 = vector.extract_strided_slice %mul3A_231 {offsets = [15], sizes = [1], strides = [1]} : vector<16xf32> to vector<1xf32>
      %squeeze3A_399 = vector.extract %slice3A_398[0] : f32 from vector<1xf32>
      %eq3A_400 = vector.broadcast %squeeze3A_397 : i32 to vector<16xi32>
      %eq3A_401 = arith.cmpi eq, %get3A_23, %eq3A_400 : vector<16xi32>
      %jit3A_402 = arith.constant 0.000000e+00 : f32
      %broadcast_in_dim3A_403 = vector.broadcast %squeeze3A_399 : f32 to vector<16xf32>
      %broadcast_in_dim3A_404 = vector.broadcast %jit3A_402 : f32 to vector<16xf32>
      %select_n3A_405 = arith.select %eq3A_401, %broadcast_in_dim3A_403, %broadcast_in_dim3A_404 : vector<16xi1>, vector<16xf32>
      %add3A_406 = arith.addf %add3A_395, %select_n3A_405 : vector<16xf32>
      %swap3A = arith.constant 0 : index
      %swap3A_407 = tpu.vector_load %arg11[%swap3A] {strides = array<i32>} : memref<16xf32, #tpu.memory_space<vmem>>, vector<16xf32>,
      %swap3A_408 = vector.shape_cast %swap3A_407 : vector<16xf32> to vector<16xf32>
      %swap3A_409 = vector.shape_cast %add3A_406 : vector<16xf32> to vector<16xf32>
      tpu.vector_store %arg11[%swap3A], %swap3A_409 {strides = array<i32>} : memref<16xf32, #tpu.memory_space<vmem>>, vector<16xf32>,
      %run_scoped3A_410 = arith.constant 0 : i32
      "tpu.region"() ({
        %run_scoped3A_411 = tpu.sem_alloc : memref<!tpu.dma_semaphore, #tpu.memory_space<semaphore_mem>>
        %dma_start3A = arith.constant 0 : i32
        %dma_start3A_412 = tpu.memref_slice %arg6[%run_scoped3A_410, %dma_start3A] : memref<4x16xf32, #tpu.memory_space<hbm>> -> memref<1x16xf32, #tpu.memory_space<hbm>>
        %dma_start3A_413 = tpu.memref_squeeze %dma_start3A_412 : memref<1x16xf32, #tpu.memory_space<hbm>> -> memref<16xf32, #tpu.memory_space<hbm>>
        %dma_start3A_414 = arith.constant 0 : i32
        %dma_start3A_415 = tpu.memref_slice %arg6[%run_scoped3A_410, %dma_start3A_414] : memref<4x16xf32, #tpu.memory_space<hbm>> -> memref<1x16xf32, #tpu.memory_space<hbm>>
        %dma_start3A_416 = tpu.memref_squeeze %dma_start3A_415 : memref<1x16xf32, #tpu.memory_space<hbm>> -> memref<16xf32, #tpu.memory_space<hbm>>
        tpu.enqueue_dma source(%arg11 : memref<16xf32, #tpu.memory_space<vmem>>) target(%dma_start3A_416 : memref<16xf32, #tpu.memory_space<hbm>>) target_semaphore(%run_scoped3A_411 : memref<!tpu.dma_semaphore, #tpu.memory_space<semaphore_mem>>)
        %dma_wait3A = arith.constant 0 : i32
        %dma_wait3A_417 = tpu.memref_slice %arg6[%run_scoped3A_410, %dma_wait3A] : memref<4x16xf32, #tpu.memory_space<hbm>> -> memref<1x16xf32, #tpu.memory_space<hbm>>
        %dma_wait3A_418 = tpu.memref_squeeze %dma_wait3A_417 : memref<1x16xf32, #tpu.memory_space<hbm>> -> memref<16xf32, #tpu.memory_space<hbm>>
        %dma_wait3A_419 = arith.constant 0 : i32
        %dma_wait3A_420 = tpu.memref_slice %arg6[%run_scoped3A_410, %dma_wait3A_419] : memref<4x16xf32, #tpu.memory_space<hbm>> -> memref<1x16xf32, #tpu.memory_space<hbm>>
        %dma_wait3A_421 = tpu.memref_squeeze %dma_wait3A_420 : memref<1x16xf32, #tpu.memory_space<hbm>> -> memref<16xf32, #tpu.memory_space<hbm>>
        tpu.wait_dma2 semaphore(%run_scoped3A_411 : memref<!tpu.dma_semaphore, #tpu.memory_space<semaphore_mem>>) src(%arg11 : memref<16xf32, #tpu.memory_space<vmem>>) dst(%dma_wait3A_421 : memref<16xf32, #tpu.memory_space<hbm>>)
        tpu.yield
      }) : () -> ()
    } else {
    }
    %eq3A_3 = arith.constant 1 : i32
    %eq3A_4 = arith.cmpi eq, %add3A, %eq3A_3 : i32
    %convert_element_type3A_5 = arith.extui %eq3A_4 : i1 to i32
    %cond3A_6 = arith.constant 0 : i32
    %cond3A_7 = arith.cmpi ne, %convert_element_type3A_5, %cond3A_6 : i32
    scf.if %cond3A_7 {
      "tpu.region"() ({
        %run_scoped3A_411 = tpu.sem_alloc : memref<!tpu.dma_semaphore, #tpu.memory_space<semaphore_mem>>
        tpu.enqueue_dma source(%arg3 : memref<16xi32, #tpu.memory_space<hbm>>) target(%arg7 : memref<16xi32, #tpu.memory_space<vmem>>) target_semaphore(%run_scoped3A_411 : memref<!tpu.dma_semaphore, #tpu.memory_space<semaphore_mem>>)
        tpu.wait_dma2 semaphore(%run_scoped3A_411 : memref<!tpu.dma_semaphore, #tpu.memory_space<semaphore_mem>>) src(%arg3 : memref<16xi32, #tpu.memory_space<hbm>>) dst(%arg7 : memref<16xi32, #tpu.memory_space<vmem>>)
        tpu.yield
      }) : () -> ()
      %get3A = arith.constant 0 : index
      %get3A_18 = tpu.vector_load %arg7[%get3A] {strides = array<i32>} : memref<16xi32, #tpu.memory_space<vmem>>, vector<16xi32>,
      %get3A_19 = vector.shape_cast %get3A_18 : vector<16xi32> to vector<16xi32>
      %iota3A = tpu.iota {dimensions = array<i32: 0>} : vector<16xi32>
      %slice3A = vector.extract_strided_slice %get3A_19 {offsets = [1], sizes = [1], strides = [1]} : vector<16xi32> to vector<1xi32>
      %squeeze3A = vector.extract %slice3A[0] : i32 from vector<1xi32>
      "tpu.region"() ({
        %run_scoped3A_411 = tpu.sem_alloc : memref<!tpu.dma_semaphore, #tpu.memory_space<semaphore_mem>>
        %dma_start3A = arith.constant 0 : i32
        %dma_start3A_412 = tpu.memref_slice %arg8[%dma_start3A] : memref<2064xf32, #tpu.memory_space<vmem>> -> memref<2048xf32, #tpu.memory_space<vmem>>
        %dma_start3A_413 = arith.constant 0 : i32
        %dma_start3A_414 = tpu.memref_slice %arg2[%squeeze3A, %dma_start3A_413] : memref<16384x2048xf32, #tpu.memory_space<hbm>> -> memref<1x2048xf32, #tpu.memory_space<hbm>>
        %dma_start3A_415 = tpu.memref_squeeze %dma_start3A_414 : memref<1x2048xf32, #tpu.memory_space<hbm>> -> memref<2048xf32, #tpu.memory_space<hbm>>
        %dma_start3A_416 = arith.constant 0 : i32
        %dma_start3A_417 = tpu.memref_slice %arg8[%dma_start3A_416] : memref<2064xf32, #tpu.memory_space<vmem>> -> memref<2048xf32, #tpu.memory_space<vmem>>
        %dma_start3A_418 = arith.constant 0 : i32
        %dma_start3A_419 = tpu.memref_slice %arg2[%squeeze3A, %dma_start3A_418] : memref<16384x2048xf32, #tpu.memory_space<hbm>> -> memref<1x2048xf32, #tpu.memory_space<hbm>>
        %dma_start3A_420 = tpu.memref_squeeze %dma_start3A_419 : memref<1x2048xf32, #tpu.memory_space<hbm>> -> memref<2048xf32, #tpu.memory_space<hbm>>
        tpu.enqueue_dma source(%dma_start3A_420 : memref<2048xf32, #tpu.memory_space<hbm>>) target(%dma_start3A_417 : memref<2048xf32, #tpu.memory_space<vmem>>) target_semaphore(%run_scoped3A_411 : memref<!tpu.dma_semaphore, #tpu.memory_space<semaphore_mem>>)
        %dma_wait3A = arith.constant 0 : i32
        %dma_wait3A_421 = tpu.memref_slice %arg8[%dma_wait3A] : memref<2064xf32, #tpu.memory_space<vmem>> -> memref<2048xf32, #tpu.memory_space<vmem>>
        %dma_wait3A_422 = arith.constant 0 : i32
        %dma_wait3A_423 = tpu.memref_slice %arg2[%squeeze3A, %dma_wait3A_422] : memref<16384x2048xf32, #tpu.memory_space<hbm>> -> memref<1x2048xf32, #tpu.memory_space<hbm>>
        %dma_wait3A_424 = tpu.memref_squeeze %dma_wait3A_423 : memref<1x2048xf32, #tpu.memory_space<hbm>> -> memref<2048xf32, #tpu.memory_space<hbm>>
        %dma_wait3A_425 = arith.constant 0 : i32
        %dma_wait3A_426 = tpu.memref_slice %arg8[%dma_wait3A_425] : memref<2064xf32, #tpu.memory_space<vmem>> -> memref<2048xf32, #tpu.memory_space<vmem>>
        %dma_wait3A_427 = arith.constant 0 : i32
        %dma_wait3A_428 = tpu.memref_slice %arg2[%squeeze3A, %dma_wait3A_427] : memref<16384x2048xf32, #tpu.memory_space<hbm>> -> memref<1x2048xf32, #tpu.memory_space<hbm>>
        %dma_wait3A_429 = tpu.memref_squeeze %dma_wait3A_428 : memref<1x2048xf32, #tpu.memory_space<hbm>> -> memref<2048xf32, #tpu.memory_space<hbm>>
        tpu.wait_dma2 semaphore(%run_scoped3A_411 : memref<!tpu.dma_semaphore, #tpu.memory_space<semaphore_mem>>) src(%dma_wait3A_429 : memref<2048xf32, #tpu.memory_space<hbm>>) dst(%dma_wait3A_426 : memref<2048xf32, #tpu.memory_space<vmem>>)
        tpu.yield
      }) : () -> ()
      %run_scoped3A = arith.constant 1 : i32
      "tpu.region"() ({
        %run_scoped3A_411 = tpu.sem_alloc : memref<!tpu.dma_semaphore, #tpu.memory_space<semaphore_mem>>
        %dma_start3A = arith.constant 0 : i32
        %dma_start3A_412 = tpu.memref_slice %arg4[%run_scoped3A, %dma_start3A] : memref<4x16xi32, #tpu.memory_space<hbm>> -> memref<1x16xi32, #tpu.memory_space<hbm>>
        %dma_start3A_413 = tpu.memref_squeeze %dma_start3A_412 : memref<1x16xi32, #tpu.memory_space<hbm>> -> memref<16xi32, #tpu.memory_space<hbm>>
        %dma_start3A_414 = arith.constant 0 : i32
        %dma_start3A_415 = tpu.memref_slice %arg4[%run_scoped3A, %dma_start3A_414] : memref<4x16xi32, #tpu.memory_space<hbm>> -> memref<1x16xi32, #tpu.memory_space<hbm>>
        %dma_start3A_416 = tpu.memref_squeeze %dma_start3A_415 : memref<1x16xi32, #tpu.memory_space<hbm>> -> memref<16xi32, #tpu.memory_space<hbm>>
        tpu.enqueue_dma source(%dma_start3A_416 : memref<16xi32, #tpu.memory_space<hbm>>) target(%arg9 : memref<16xi32, #tpu.memory_space<vmem>>) target_semaphore(%run_scoped3A_411 : memref<!tpu.dma_semaphore, #tpu.memory_space<semaphore_mem>>)
        %dma_wait3A = arith.constant 0 : i32
        %dma_wait3A_417 = tpu.memref_slice %arg4[%run_scoped3A, %dma_wait3A] : memref<4x16xi32, #tpu.memory_space<hbm>> -> memref<1x16xi32, #tpu.memory_space<hbm>>
        %dma_wait3A_418 = tpu.memref_squeeze %dma_wait3A_417 : memref<1x16xi32, #tpu.memory_space<hbm>> -> memref<16xi32, #tpu.memory_space<hbm>>
        %dma_wait3A_419 = arith.constant 0 : i32
        %dma_wait3A_420 = tpu.memref_slice %arg4[%run_scoped3A, %dma_wait3A_419] : memref<4x16xi32, #tpu.memory_space<hbm>> -> memref<1x16xi32, #tpu.memory_space<hbm>>
        %dma_wait3A_421 = tpu.memref_squeeze %dma_wait3A_420 : memref<1x16xi32, #tpu.memory_space<hbm>> -> memref<16xi32, #tpu.memory_space<hbm>>
        tpu.wait_dma2 semaphore(%run_scoped3A_411 : memref<!tpu.dma_semaphore, #tpu.memory_space<semaphore_mem>>) src(%dma_wait3A_421 : memref<16xi32, #tpu.memory_space<hbm>>) dst(%arg9 : memref<16xi32, #tpu.memory_space<vmem>>)
        tpu.yield
      }) : () -> ()
      %run_scoped3A_20 = arith.constant 1 : i32
      "tpu.region"() ({
        %run_scoped3A_411 = tpu.sem_alloc : memref<!tpu.dma_semaphore, #tpu.memory_space<semaphore_mem>>
        %dma_start3A = arith.constant 0 : i32
        %dma_start3A_412 = tpu.memref_slice %arg5[%run_scoped3A_20, %dma_start3A] : memref<4x16xf32, #tpu.memory_space<hbm>> -> memref<1x16xf32, #tpu.memory_space<hbm>>
        %dma_start3A_413 = tpu.memref_squeeze %dma_start3A_412 : memref<1x16xf32, #tpu.memory_space<hbm>> -> memref<16xf32, #tpu.memory_space<hbm>>
        %dma_start3A_414 = arith.constant 0 : i32
        %dma_start3A_415 = tpu.memref_slice %arg5[%run_scoped3A_20, %dma_start3A_414] : memref<4x16xf32, #tpu.memory_space<hbm>> -> memref<1x16xf32, #tpu.memory_space<hbm>>
        %dma_start3A_416 = tpu.memref_squeeze %dma_start3A_415 : memref<1x16xf32, #tpu.memory_space<hbm>> -> memref<16xf32, #tpu.memory_space<hbm>>
        tpu.enqueue_dma source(%dma_start3A_416 : memref<16xf32, #tpu.memory_space<hbm>>) target(%arg10 : memref<16xf32, #tpu.memory_space<vmem>>) target_semaphore(%run_scoped3A_411 : memref<!tpu.dma_semaphore, #tpu.memory_space<semaphore_mem>>)
        %dma_wait3A = arith.constant 0 : i32
        %dma_wait3A_417 = tpu.memref_slice %arg5[%run_scoped3A_20, %dma_wait3A] : memref<4x16xf32, #tpu.memory_space<hbm>> -> memref<1x16xf32, #tpu.memory_space<hbm>>
        %dma_wait3A_418 = tpu.memref_squeeze %dma_wait3A_417 : memref<1x16xf32, #tpu.memory_space<hbm>> -> memref<16xf32, #tpu.memory_space<hbm>>
        %dma_wait3A_419 = arith.constant 0 : i32
        %dma_wait3A_420 = tpu.memref_slice %arg5[%run_scoped3A_20, %dma_wait3A_419] : memref<4x16xf32, #tpu.memory_space<hbm>> -> memref<1x16xf32, #tpu.memory_space<hbm>>
        %dma_wait3A_421 = tpu.memref_squeeze %dma_wait3A_420 : memref<1x16xf32, #tpu.memory_space<hbm>> -> memref<16xf32, #tpu.memory_space<hbm>>
        tpu.wait_dma2 semaphore(%run_scoped3A_411 : memref<!tpu.dma_semaphore, #tpu.memory_space<semaphore_mem>>) src(%dma_wait3A_421 : memref<16xf32, #tpu.memory_space<hbm>>) dst(%arg10 : memref<16xf32, #tpu.memory_space<vmem>>)
        tpu.yield
      }) : () -> ()
      %get3A_21 = arith.constant 0 : index
      %get3A_22 = tpu.vector_load %arg9[%get3A_21] {strides = array<i32>} : memref<16xi32, #tpu.memory_space<vmem>>, vector<16xi32>,
      %get3A_23 = vector.shape_cast %get3A_22 : vector<16xi32> to vector<16xi32>
      %broadcast_in_dim3A = arith.constant 0.000000e+00 : f32
      %broadcast_in_dim3A_24 = vector.broadcast %broadcast_in_dim3A : f32 to vector<16xf32>
      %slice3A_25 = vector.extract_strided_slice %get3A_23 {offsets = [0], sizes = [1], strides = [1]} : vector<16xi32> to vector<1xi32>
      %squeeze3A_26 = vector.extract %slice3A_25[0] : i32 from vector<1xi32>
      %get3A_27 = arith.index_cast %squeeze3A_26 : i32 to index
      %get3A_28 = tpu.vector_load %arg8[%get3A_27] {strides = array<i32>} : memref<2064xf32, #tpu.memory_space<vmem>>, vector<16xf32>,
      %get3A_29 = vector.shape_cast %get3A_28 : vector<16xf32> to vector<16xf32>
      %slice3A_30 = vector.extract_strided_slice %get3A_29 {offsets = [0], sizes = [1], strides = [1]} : vector<16xf32> to vector<1xf32>
      %squeeze3A_31 = vector.extract %slice3A_30[0] : f32 from vector<1xf32>
      %eq3A_32 = arith.constant 0 : i32
      %eq3A_33 = vector.broadcast %eq3A_32 : i32 to vector<16xi32>
      %eq3A_34 = arith.cmpi eq, %iota3A, %eq3A_33 : vector<16xi32>
      %broadcast_in_dim3A_35 = vector.broadcast %squeeze3A_31 : f32 to vector<16xf32>
      %select_n3A = arith.select %eq3A_34, %broadcast_in_dim3A_35, %broadcast_in_dim3A_24 : vector<16xi1>, vector<16xf32>
      %slice3A_36 = vector.extract_strided_slice %get3A_23 {offsets = [1], sizes = [1], strides = [1]} : vector<16xi32> to vector<1xi32>
      %squeeze3A_37 = vector.extract %slice3A_36[0] : i32 from vector<1xi32>
      %get3A_38 = arith.index_cast %squeeze3A_37 : i32 to index
      %get3A_39 = tpu.vector_load %arg8[%get3A_38] {strides = array<i32>} : memref<2064xf32, #tpu.memory_space<vmem>>, vector<16xf32>,
      %get3A_40 = vector.shape_cast %get3A_39 : vector<16xf32> to vector<16xf32>
      %slice3A_41 = vector.extract_strided_slice %get3A_40 {offsets = [0], sizes = [1], strides = [1]} : vector<16xf32> to vector<1xf32>
      %squeeze3A_42 = vector.extract %slice3A_41[0] : f32 from vector<1xf32>
      %eq3A_43 = arith.constant 1 : i32
      %eq3A_44 = vector.broadcast %eq3A_43 : i32 to vector<16xi32>
      %eq3A_45 = arith.cmpi eq, %iota3A, %eq3A_44 : vector<16xi32>
      %broadcast_in_dim3A_46 = vector.broadcast %squeeze3A_42 : f32 to vector<16xf32>
      %select_n3A_47 = arith.select %eq3A_45, %broadcast_in_dim3A_46, %select_n3A : vector<16xi1>, vector<16xf32>
      %slice3A_48 = vector.extract_strided_slice %get3A_23 {offsets = [2], sizes = [1], strides = [1]} : vector<16xi32> to vector<1xi32>
      %squeeze3A_49 = vector.extract %slice3A_48[0] : i32 from vector<1xi32>
      %get3A_50 = arith.index_cast %squeeze3A_49 : i32 to index
      %get3A_51 = tpu.vector_load %arg8[%get3A_50] {strides = array<i32>} : memref<2064xf32, #tpu.memory_space<vmem>>, vector<16xf32>,
      %get3A_52 = vector.shape_cast %get3A_51 : vector<16xf32> to vector<16xf32>
      %slice3A_53 = vector.extract_strided_slice %get3A_52 {offsets = [0], sizes = [1], strides = [1]} : vector<16xf32> to vector<1xf32>
      %squeeze3A_54 = vector.extract %slice3A_53[0] : f32 from vector<1xf32>
      %eq3A_55 = arith.constant 2 : i32
      %eq3A_56 = vector.broadcast %eq3A_55 : i32 to vector<16xi32>
      %eq3A_57 = arith.cmpi eq, %iota3A, %eq3A_56 : vector<16xi32>
      %broadcast_in_dim3A_58 = vector.broadcast %squeeze3A_54 : f32 to vector<16xf32>
      %select_n3A_59 = arith.select %eq3A_57, %broadcast_in_dim3A_58, %select_n3A_47 : vector<16xi1>, vector<16xf32>
      %slice3A_60 = vector.extract_strided_slice %get3A_23 {offsets = [3], sizes = [1], strides = [1]} : vector<16xi32> to vector<1xi32>
      %squeeze3A_61 = vector.extract %slice3A_60[0] : i32 from vector<1xi32>
      %get3A_62 = arith.index_cast %squeeze3A_61 : i32 to index
      %get3A_63 = tpu.vector_load %arg8[%get3A_62] {strides = array<i32>} : memref<2064xf32, #tpu.memory_space<vmem>>, vector<16xf32>,
      %get3A_64 = vector.shape_cast %get3A_63 : vector<16xf32> to vector<16xf32>
      %slice3A_65 = vector.extract_strided_slice %get3A_64 {offsets = [0], sizes = [1], strides = [1]} : vector<16xf32> to vector<1xf32>
      %squeeze3A_66 = vector.extract %slice3A_65[0] : f32 from vector<1xf32>
      %eq3A_67 = arith.constant 3 : i32
      %eq3A_68 = vector.broadcast %eq3A_67 : i32 to vector<16xi32>
      %eq3A_69 = arith.cmpi eq, %iota3A, %eq3A_68 : vector<16xi32>
      %broadcast_in_dim3A_70 = vector.broadcast %squeeze3A_66 : f32 to vector<16xf32>
      %select_n3A_71 = arith.select %eq3A_69, %broadcast_in_dim3A_70, %select_n3A_59 : vector<16xi1>, vector<16xf32>
      %slice3A_72 = vector.extract_strided_slice %get3A_23 {offsets = [4], sizes = [1], strides = [1]} : vector<16xi32> to vector<1xi32>
      %squeeze3A_73 = vector.extract %slice3A_72[0] : i32 from vector<1xi32>
      %get3A_74 = arith.index_cast %squeeze3A_73 : i32 to index
      %get3A_75 = tpu.vector_load %arg8[%get3A_74] {strides = array<i32>} : memref<2064xf32, #tpu.memory_space<vmem>>, vector<16xf32>,
      %get3A_76 = vector.shape_cast %get3A_75 : vector<16xf32> to vector<16xf32>
      %slice3A_77 = vector.extract_strided_slice %get3A_76 {offsets = [0], sizes = [1], strides = [1]} : vector<16xf32> to vector<1xf32>
      %squeeze3A_78 = vector.extract %slice3A_77[0] : f32 from vector<1xf32>
      %eq3A_79 = arith.constant 4 : i32
      %eq3A_80 = vector.broadcast %eq3A_79 : i32 to vector<16xi32>
      %eq3A_81 = arith.cmpi eq, %iota3A, %eq3A_80 : vector<16xi32>
      %broadcast_in_dim3A_82 = vector.broadcast %squeeze3A_78 : f32 to vector<16xf32>
      %select_n3A_83 = arith.select %eq3A_81, %broadcast_in_dim3A_82, %select_n3A_71 : vector<16xi1>, vector<16xf32>
      %slice3A_84 = vector.extract_strided_slice %get3A_23 {offsets = [5], sizes = [1], strides = [1]} : vector<16xi32> to vector<1xi32>
      %squeeze3A_85 = vector.extract %slice3A_84[0] : i32 from vector<1xi32>
      %get3A_86 = arith.index_cast %squeeze3A_85 : i32 to index
      %get3A_87 = tpu.vector_load %arg8[%get3A_86] {strides = array<i32>} : memref<2064xf32, #tpu.memory_space<vmem>>, vector<16xf32>,
      %get3A_88 = vector.shape_cast %get3A_87 : vector<16xf32> to vector<16xf32>
      %slice3A_89 = vector.extract_strided_slice %get3A_88 {offsets = [0], sizes = [1], strides = [1]} : vector<16xf32> to vector<1xf32>
      %squeeze3A_90 = vector.extract %slice3A_89[0] : f32 from vector<1xf32>
      %eq3A_91 = arith.constant 5 : i32
      %eq3A_92 = vector.broadcast %eq3A_91 : i32 to vector<16xi32>
      %eq3A_93 = arith.cmpi eq, %iota3A, %eq3A_92 : vector<16xi32>
      %broadcast_in_dim3A_94 = vector.broadcast %squeeze3A_90 : f32 to vector<16xf32>
      %select_n3A_95 = arith.select %eq3A_93, %broadcast_in_dim3A_94, %select_n3A_83 : vector<16xi1>, vector<16xf32>
      %slice3A_96 = vector.extract_strided_slice %get3A_23 {offsets = [6], sizes = [1], strides = [1]} : vector<16xi32> to vector<1xi32>
      %squeeze3A_97 = vector.extract %slice3A_96[0] : i32 from vector<1xi32>
      %get3A_98 = arith.index_cast %squeeze3A_97 : i32 to index
      %get3A_99 = tpu.vector_load %arg8[%get3A_98] {strides = array<i32>} : memref<2064xf32, #tpu.memory_space<vmem>>, vector<16xf32>,
      %get3A_100 = vector.shape_cast %get3A_99 : vector<16xf32> to vector<16xf32>
      %slice3A_101 = vector.extract_strided_slice %get3A_100 {offsets = [0], sizes = [1], strides = [1]} : vector<16xf32> to vector<1xf32>
      %squeeze3A_102 = vector.extract %slice3A_101[0] : f32 from vector<1xf32>
      %eq3A_103 = arith.constant 6 : i32
      %eq3A_104 = vector.broadcast %eq3A_103 : i32 to vector<16xi32>
      %eq3A_105 = arith.cmpi eq, %iota3A, %eq3A_104 : vector<16xi32>
      %broadcast_in_dim3A_106 = vector.broadcast %squeeze3A_102 : f32 to vector<16xf32>
      %select_n3A_107 = arith.select %eq3A_105, %broadcast_in_dim3A_106, %select_n3A_95 : vector<16xi1>, vector<16xf32>
      %slice3A_108 = vector.extract_strided_slice %get3A_23 {offsets = [7], sizes = [1], strides = [1]} : vector<16xi32> to vector<1xi32>
      %squeeze3A_109 = vector.extract %slice3A_108[0] : i32 from vector<1xi32>
      %get3A_110 = arith.index_cast %squeeze3A_109 : i32 to index
      %get3A_111 = tpu.vector_load %arg8[%get3A_110] {strides = array<i32>} : memref<2064xf32, #tpu.memory_space<vmem>>, vector<16xf32>,
      %get3A_112 = vector.shape_cast %get3A_111 : vector<16xf32> to vector<16xf32>
      %slice3A_113 = vector.extract_strided_slice %get3A_112 {offsets = [0], sizes = [1], strides = [1]} : vector<16xf32> to vector<1xf32>
      %squeeze3A_114 = vector.extract %slice3A_113[0] : f32 from vector<1xf32>
      %eq3A_115 = arith.constant 7 : i32
      %eq3A_116 = vector.broadcast %eq3A_115 : i32 to vector<16xi32>
      %eq3A_117 = arith.cmpi eq, %iota3A, %eq3A_116 : vector<16xi32>
      %broadcast_in_dim3A_118 = vector.broadcast %squeeze3A_114 : f32 to vector<16xf32>
      %select_n3A_119 = arith.select %eq3A_117, %broadcast_in_dim3A_118, %select_n3A_107 : vector<16xi1>, vector<16xf32>
      %slice3A_120 = vector.extract_strided_slice %get3A_23 {offsets = [8], sizes = [1], strides = [1]} : vector<16xi32> to vector<1xi32>
      %squeeze3A_121 = vector.extract %slice3A_120[0] : i32 from vector<1xi32>
      %get3A_122 = arith.index_cast %squeeze3A_121 : i32 to index
      %get3A_123 = tpu.vector_load %arg8[%get3A_122] {strides = array<i32>} : memref<2064xf32, #tpu.memory_space<vmem>>, vector<16xf32>,
      %get3A_124 = vector.shape_cast %get3A_123 : vector<16xf32> to vector<16xf32>
      %slice3A_125 = vector.extract_strided_slice %get3A_124 {offsets = [0], sizes = [1], strides = [1]} : vector<16xf32> to vector<1xf32>
      %squeeze3A_126 = vector.extract %slice3A_125[0] : f32 from vector<1xf32>
      %eq3A_127 = arith.constant 8 : i32
      %eq3A_128 = vector.broadcast %eq3A_127 : i32 to vector<16xi32>
      %eq3A_129 = arith.cmpi eq, %iota3A, %eq3A_128 : vector<16xi32>
      %broadcast_in_dim3A_130 = vector.broadcast %squeeze3A_126 : f32 to vector<16xf32>
      %select_n3A_131 = arith.select %eq3A_129, %broadcast_in_dim3A_130, %select_n3A_119 : vector<16xi1>, vector<16xf32>
      %slice3A_132 = vector.extract_strided_slice %get3A_23 {offsets = [9], sizes = [1], strides = [1]} : vector<16xi32> to vector<1xi32>
      %squeeze3A_133 = vector.extract %slice3A_132[0] : i32 from vector<1xi32>
      %get3A_134 = arith.index_cast %squeeze3A_133 : i32 to index
      %get3A_135 = tpu.vector_load %arg8[%get3A_134] {strides = array<i32>} : memref<2064xf32, #tpu.memory_space<vmem>>, vector<16xf32>,
      %get3A_136 = vector.shape_cast %get3A_135 : vector<16xf32> to vector<16xf32>
      %slice3A_137 = vector.extract_strided_slice %get3A_136 {offsets = [0], sizes = [1], strides = [1]} : vector<16xf32> to vector<1xf32>
      %squeeze3A_138 = vector.extract %slice3A_137[0] : f32 from vector<1xf32>
      %eq3A_139 = arith.constant 9 : i32
      %eq3A_140 = vector.broadcast %eq3A_139 : i32 to vector<16xi32>
      %eq3A_141 = arith.cmpi eq, %iota3A, %eq3A_140 : vector<16xi32>
      %broadcast_in_dim3A_142 = vector.broadcast %squeeze3A_138 : f32 to vector<16xf32>
      %select_n3A_143 = arith.select %eq3A_141, %broadcast_in_dim3A_142, %select_n3A_131 : vector<16xi1>, vector<16xf32>
      %slice3A_144 = vector.extract_strided_slice %get3A_23 {offsets = [10], sizes = [1], strides = [1]} : vector<16xi32> to vector<1xi32>
      %squeeze3A_145 = vector.extract %slice3A_144[0] : i32 from vector<1xi32>
      %get3A_146 = arith.index_cast %squeeze3A_145 : i32 to index
      %get3A_147 = tpu.vector_load %arg8[%get3A_146] {strides = array<i32>} : memref<2064xf32, #tpu.memory_space<vmem>>, vector<16xf32>,
      %get3A_148 = vector.shape_cast %get3A_147 : vector<16xf32> to vector<16xf32>
      %slice3A_149 = vector.extract_strided_slice %get3A_148 {offsets = [0], sizes = [1], strides = [1]} : vector<16xf32> to vector<1xf32>
      %squeeze3A_150 = vector.extract %slice3A_149[0] : f32 from vector<1xf32>
      %eq3A_151 = arith.constant 10 : i32
      %eq3A_152 = vector.broadcast %eq3A_151 : i32 to vector<16xi32>
      %eq3A_153 = arith.cmpi eq, %iota3A, %eq3A_152 : vector<16xi32>
      %broadcast_in_dim3A_154 = vector.broadcast %squeeze3A_150 : f32 to vector<16xf32>
      %select_n3A_155 = arith.select %eq3A_153, %broadcast_in_dim3A_154, %select_n3A_143 : vector<16xi1>, vector<16xf32>
      %slice3A_156 = vector.extract_strided_slice %get3A_23 {offsets = [11], sizes = [1], strides = [1]} : vector<16xi32> to vector<1xi32>
      %squeeze3A_157 = vector.extract %slice3A_156[0] : i32 from vector<1xi32>
      %get3A_158 = arith.index_cast %squeeze3A_157 : i32 to index
      %get3A_159 = tpu.vector_load %arg8[%get3A_158] {strides = array<i32>} : memref<2064xf32, #tpu.memory_space<vmem>>, vector<16xf32>,
      %get3A_160 = vector.shape_cast %get3A_159 : vector<16xf32> to vector<16xf32>
      %slice3A_161 = vector.extract_strided_slice %get3A_160 {offsets = [0], sizes = [1], strides = [1]} : vector<16xf32> to vector<1xf32>
      %squeeze3A_162 = vector.extract %slice3A_161[0] : f32 from vector<1xf32>
      %eq3A_163 = arith.constant 11 : i32
      %eq3A_164 = vector.broadcast %eq3A_163 : i32 to vector<16xi32>
      %eq3A_165 = arith.cmpi eq, %iota3A, %eq3A_164 : vector<16xi32>
      %broadcast_in_dim3A_166 = vector.broadcast %squeeze3A_162 : f32 to vector<16xf32>
      %select_n3A_167 = arith.select %eq3A_165, %broadcast_in_dim3A_166, %select_n3A_155 : vector<16xi1>, vector<16xf32>
      %slice3A_168 = vector.extract_strided_slice %get3A_23 {offsets = [12], sizes = [1], strides = [1]} : vector<16xi32> to vector<1xi32>
      %squeeze3A_169 = vector.extract %slice3A_168[0] : i32 from vector<1xi32>
      %get3A_170 = arith.index_cast %squeeze3A_169 : i32 to index
      %get3A_171 = tpu.vector_load %arg8[%get3A_170] {strides = array<i32>} : memref<2064xf32, #tpu.memory_space<vmem>>, vector<16xf32>,
      %get3A_172 = vector.shape_cast %get3A_171 : vector<16xf32> to vector<16xf32>
      %slice3A_173 = vector.extract_strided_slice %get3A_172 {offsets = [0], sizes = [1], strides = [1]} : vector<16xf32> to vector<1xf32>
      %squeeze3A_174 = vector.extract %slice3A_173[0] : f32 from vector<1xf32>
      %eq3A_175 = arith.constant 12 : i32
      %eq3A_176 = vector.broadcast %eq3A_175 : i32 to vector<16xi32>
      %eq3A_177 = arith.cmpi eq, %iota3A, %eq3A_176 : vector<16xi32>
      %broadcast_in_dim3A_178 = vector.broadcast %squeeze3A_174 : f32 to vector<16xf32>
      %select_n3A_179 = arith.select %eq3A_177, %broadcast_in_dim3A_178, %select_n3A_167 : vector<16xi1>, vector<16xf32>
      %slice3A_180 = vector.extract_strided_slice %get3A_23 {offsets = [13], sizes = [1], strides = [1]} : vector<16xi32> to vector<1xi32>
      %squeeze3A_181 = vector.extract %slice3A_180[0] : i32 from vector<1xi32>
      %get3A_182 = arith.index_cast %squeeze3A_181 : i32 to index
      %get3A_183 = tpu.vector_load %arg8[%get3A_182] {strides = array<i32>} : memref<2064xf32, #tpu.memory_space<vmem>>, vector<16xf32>,
      %get3A_184 = vector.shape_cast %get3A_183 : vector<16xf32> to vector<16xf32>
      %slice3A_185 = vector.extract_strided_slice %get3A_184 {offsets = [0], sizes = [1], strides = [1]} : vector<16xf32> to vector<1xf32>
      %squeeze3A_186 = vector.extract %slice3A_185[0] : f32 from vector<1xf32>
      %eq3A_187 = arith.constant 13 : i32
      %eq3A_188 = vector.broadcast %eq3A_187 : i32 to vector<16xi32>
      %eq3A_189 = arith.cmpi eq, %iota3A, %eq3A_188 : vector<16xi32>
      %broadcast_in_dim3A_190 = vector.broadcast %squeeze3A_186 : f32 to vector<16xf32>
      %select_n3A_191 = arith.select %eq3A_189, %broadcast_in_dim3A_190, %select_n3A_179 : vector<16xi1>, vector<16xf32>
      %slice3A_192 = vector.extract_strided_slice %get3A_23 {offsets = [14], sizes = [1], strides = [1]} : vector<16xi32> to vector<1xi32>
      %squeeze3A_193 = vector.extract %slice3A_192[0] : i32 from vector<1xi32>
      %get3A_194 = arith.index_cast %squeeze3A_193 : i32 to index
      %get3A_195 = tpu.vector_load %arg8[%get3A_194] {strides = array<i32>} : memref<2064xf32, #tpu.memory_space<vmem>>, vector<16xf32>,
      %get3A_196 = vector.shape_cast %get3A_195 : vector<16xf32> to vector<16xf32>
      %slice3A_197 = vector.extract_strided_slice %get3A_196 {offsets = [0], sizes = [1], strides = [1]} : vector<16xf32> to vector<1xf32>
      %squeeze3A_198 = vector.extract %slice3A_197[0] : f32 from vector<1xf32>
      %eq3A_199 = arith.constant 14 : i32
      %eq3A_200 = vector.broadcast %eq3A_199 : i32 to vector<16xi32>
      %eq3A_201 = arith.cmpi eq, %iota3A, %eq3A_200 : vector<16xi32>
      %broadcast_in_dim3A_202 = vector.broadcast %squeeze3A_198 : f32 to vector<16xf32>
      %select_n3A_203 = arith.select %eq3A_201, %broadcast_in_dim3A_202, %select_n3A_191 : vector<16xi1>, vector<16xf32>
      %slice3A_204 = vector.extract_strided_slice %get3A_23 {offsets = [15], sizes = [1], strides = [1]} : vector<16xi32> to vector<1xi32>
      %squeeze3A_205 = vector.extract %slice3A_204[0] : i32 from vector<1xi32>
      %get3A_206 = arith.index_cast %squeeze3A_205 : i32 to index
      %get3A_207 = tpu.vector_load %arg8[%get3A_206] {strides = array<i32>} : memref<2064xf32, #tpu.memory_space<vmem>>, vector<16xf32>,
      %get3A_208 = vector.shape_cast %get3A_207 : vector<16xf32> to vector<16xf32>
      %slice3A_209 = vector.extract_strided_slice %get3A_208 {offsets = [0], sizes = [1], strides = [1]} : vector<16xf32> to vector<1xf32>
      %squeeze3A_210 = vector.extract %slice3A_209[0] : f32 from vector<1xf32>
      %eq3A_211 = arith.constant 15 : i32
      %eq3A_212 = vector.broadcast %eq3A_211 : i32 to vector<16xi32>
      %eq3A_213 = arith.cmpi eq, %iota3A, %eq3A_212 : vector<16xi32>
      %broadcast_in_dim3A_214 = vector.broadcast %squeeze3A_210 : f32 to vector<16xf32>
      %select_n3A_215 = arith.select %eq3A_213, %broadcast_in_dim3A_214, %select_n3A_203 : vector<16xi1>, vector<16xf32>
      %get3A_216 = arith.constant 0 : index
      %get3A_217 = tpu.vector_load %arg10[%get3A_216] {strides = array<i32>} : memref<16xf32, #tpu.memory_space<vmem>>, vector<16xf32>,
      %get3A_218 = vector.shape_cast %get3A_217 : vector<16xf32> to vector<16xf32>
      %sign3A = tpu.bitcast %select_n3A_215 : vector<16xf32> -> vector<16xi32>
      %sign3A_219 = arith.constant -2147483648 : i32
      %sign3A_220 = vector.broadcast %sign3A_219 : i32 to vector<16xi32>
      %sign3A_221 = arith.andi %sign3A, %sign3A_220 : vector<16xi32>
      %sign3A_222 = arith.constant 1065353216 : i32
      %sign3A_223 = vector.broadcast %sign3A_222 : i32 to vector<16xi32>
      %sign3A_224 = arith.ori %sign3A_223, %sign3A_221 : vector<16xi32>
      %sign3A_225 = tpu.bitcast %sign3A_224 : vector<16xi32> -> vector<16xf32>
      %sign3A_226 = math.absf %select_n3A_215 : vector<16xf32>
      %sign3A_227 = arith.constant 0.000000e+00 : f32
      %sign3A_228 = vector.broadcast %sign3A_227 : f32 to vector<16xf32>
      %sign3A_229 = arith.cmpf ogt, %sign3A_226, %sign3A_228 : vector<16xf32>
      %sign3A_230 = arith.select %sign3A_229, %sign3A_225, %select_n3A_215 : vector<16xi1>, vector<16xf32>
      %mul3A_231 = arith.mulf %get3A_218, %sign3A_230 : vector<16xf32>
      %slice3A_232 = vector.extract_strided_slice %get3A_23 {offsets = [0], sizes = [1], strides = [1]} : vector<16xi32> to vector<1xi32>
      %squeeze3A_233 = vector.extract %slice3A_232[0] : i32 from vector<1xi32>
      %slice3A_234 = vector.extract_strided_slice %mul3A_231 {offsets = [0], sizes = [1], strides = [1]} : vector<16xf32> to vector<1xf32>
      %squeeze3A_235 = vector.extract %slice3A_234[0] : f32 from vector<1xf32>
      %eq3A_236 = vector.broadcast %squeeze3A_233 : i32 to vector<16xi32>
      %eq3A_237 = arith.cmpi eq, %get3A_23, %eq3A_236 : vector<16xi32>
      %jit3A = arith.constant 0.000000e+00 : f32
      %broadcast_in_dim3A_238 = vector.broadcast %squeeze3A_235 : f32 to vector<16xf32>
      %broadcast_in_dim3A_239 = vector.broadcast %jit3A : f32 to vector<16xf32>
      %select_n3A_240 = arith.select %eq3A_237, %broadcast_in_dim3A_238, %broadcast_in_dim3A_239 : vector<16xi1>, vector<16xf32>
      %add3A_241 = arith.addf %select_n3A_215, %select_n3A_240 : vector<16xf32>
      %slice3A_242 = vector.extract_strided_slice %get3A_23 {offsets = [1], sizes = [1], strides = [1]} : vector<16xi32> to vector<1xi32>
      %squeeze3A_243 = vector.extract %slice3A_242[0] : i32 from vector<1xi32>
      %slice3A_244 = vector.extract_strided_slice %mul3A_231 {offsets = [1], sizes = [1], strides = [1]} : vector<16xf32> to vector<1xf32>
      %squeeze3A_245 = vector.extract %slice3A_244[0] : f32 from vector<1xf32>
      %eq3A_246 = vector.broadcast %squeeze3A_243 : i32 to vector<16xi32>
      %eq3A_247 = arith.cmpi eq, %get3A_23, %eq3A_246 : vector<16xi32>
      %jit3A_248 = arith.constant 0.000000e+00 : f32
      %broadcast_in_dim3A_249 = vector.broadcast %squeeze3A_245 : f32 to vector<16xf32>
      %broadcast_in_dim3A_250 = vector.broadcast %jit3A_248 : f32 to vector<16xf32>
      %select_n3A_251 = arith.select %eq3A_247, %broadcast_in_dim3A_249, %broadcast_in_dim3A_250 : vector<16xi1>, vector<16xf32>
      %add3A_252 = arith.addf %add3A_241, %select_n3A_251 : vector<16xf32>
      %slice3A_253 = vector.extract_strided_slice %get3A_23 {offsets = [2], sizes = [1], strides = [1]} : vector<16xi32> to vector<1xi32>
      %squeeze3A_254 = vector.extract %slice3A_253[0] : i32 from vector<1xi32>
      %slice3A_255 = vector.extract_strided_slice %mul3A_231 {offsets = [2], sizes = [1], strides = [1]} : vector<16xf32> to vector<1xf32>
      %squeeze3A_256 = vector.extract %slice3A_255[0] : f32 from vector<1xf32>
      %eq3A_257 = vector.broadcast %squeeze3A_254 : i32 to vector<16xi32>
      %eq3A_258 = arith.cmpi eq, %get3A_23, %eq3A_257 : vector<16xi32>
      %jit3A_259 = arith.constant 0.000000e+00 : f32
      %broadcast_in_dim3A_260 = vector.broadcast %squeeze3A_256 : f32 to vector<16xf32>
      %broadcast_in_dim3A_261 = vector.broadcast %jit3A_259 : f32 to vector<16xf32>
      %select_n3A_262 = arith.select %eq3A_258, %broadcast_in_dim3A_260, %broadcast_in_dim3A_261 : vector<16xi1>, vector<16xf32>
      %add3A_263 = arith.addf %add3A_252, %select_n3A_262 : vector<16xf32>
      %slice3A_264 = vector.extract_strided_slice %get3A_23 {offsets = [3], sizes = [1], strides = [1]} : vector<16xi32> to vector<1xi32>
      %squeeze3A_265 = vector.extract %slice3A_264[0] : i32 from vector<1xi32>
      %slice3A_266 = vector.extract_strided_slice %mul3A_231 {offsets = [3], sizes = [1], strides = [1]} : vector<16xf32> to vector<1xf32>
      %squeeze3A_267 = vector.extract %slice3A_266[0] : f32 from vector<1xf32>
      %eq3A_268 = vector.broadcast %squeeze3A_265 : i32 to vector<16xi32>
      %eq3A_269 = arith.cmpi eq, %get3A_23, %eq3A_268 : vector<16xi32>
      %jit3A_270 = arith.constant 0.000000e+00 : f32
      %broadcast_in_dim3A_271 = vector.broadcast %squeeze3A_267 : f32 to vector<16xf32>
      %broadcast_in_dim3A_272 = vector.broadcast %jit3A_270 : f32 to vector<16xf32>
      %select_n3A_273 = arith.select %eq3A_269, %broadcast_in_dim3A_271, %broadcast_in_dim3A_272 : vector<16xi1>, vector<16xf32>
      %add3A_274 = arith.addf %add3A_263, %select_n3A_273 : vector<16xf32>
      %slice3A_275 = vector.extract_strided_slice %get3A_23 {offsets = [4], sizes = [1], strides = [1]} : vector<16xi32> to vector<1xi32>
      %squeeze3A_276 = vector.extract %slice3A_275[0] : i32 from vector<1xi32>
      %slice3A_277 = vector.extract_strided_slice %mul3A_231 {offsets = [4], sizes = [1], strides = [1]} : vector<16xf32> to vector<1xf32>
      %squeeze3A_278 = vector.extract %slice3A_277[0] : f32 from vector<1xf32>
      %eq3A_279 = vector.broadcast %squeeze3A_276 : i32 to vector<16xi32>
      %eq3A_280 = arith.cmpi eq, %get3A_23, %eq3A_279 : vector<16xi32>
      %jit3A_281 = arith.constant 0.000000e+00 : f32
      %broadcast_in_dim3A_282 = vector.broadcast %squeeze3A_278 : f32 to vector<16xf32>
      %broadcast_in_dim3A_283 = vector.broadcast %jit3A_281 : f32 to vector<16xf32>
      %select_n3A_284 = arith.select %eq3A_280, %broadcast_in_dim3A_282, %broadcast_in_dim3A_283 : vector<16xi1>, vector<16xf32>
      %add3A_285 = arith.addf %add3A_274, %select_n3A_284 : vector<16xf32>
      %slice3A_286 = vector.extract_strided_slice %get3A_23 {offsets = [5], sizes = [1], strides = [1]} : vector<16xi32> to vector<1xi32>
      %squeeze3A_287 = vector.extract %slice3A_286[0] : i32 from vector<1xi32>
      %slice3A_288 = vector.extract_strided_slice %mul3A_231 {offsets = [5], sizes = [1], strides = [1]} : vector<16xf32> to vector<1xf32>
      %squeeze3A_289 = vector.extract %slice3A_288[0] : f32 from vector<1xf32>
      %eq3A_290 = vector.broadcast %squeeze3A_287 : i32 to vector<16xi32>
      %eq3A_291 = arith.cmpi eq, %get3A_23, %eq3A_290 : vector<16xi32>
      %jit3A_292 = arith.constant 0.000000e+00 : f32
      %broadcast_in_dim3A_293 = vector.broadcast %squeeze3A_289 : f32 to vector<16xf32>
      %broadcast_in_dim3A_294 = vector.broadcast %jit3A_292 : f32 to vector<16xf32>
      %select_n3A_295 = arith.select %eq3A_291, %broadcast_in_dim3A_293, %broadcast_in_dim3A_294 : vector<16xi1>, vector<16xf32>
      %add3A_296 = arith.addf %add3A_285, %select_n3A_295 : vector<16xf32>
      %slice3A_297 = vector.extract_strided_slice %get3A_23 {offsets = [6], sizes = [1], strides = [1]} : vector<16xi32> to vector<1xi32>
      %squeeze3A_298 = vector.extract %slice3A_297[0] : i32 from vector<1xi32>
      %slice3A_299 = vector.extract_strided_slice %mul3A_231 {offsets = [6], sizes = [1], strides = [1]} : vector<16xf32> to vector<1xf32>
      %squeeze3A_300 = vector.extract %slice3A_299[0] : f32 from vector<1xf32>
      %eq3A_301 = vector.broadcast %squeeze3A_298 : i32 to vector<16xi32>
      %eq3A_302 = arith.cmpi eq, %get3A_23, %eq3A_301 : vector<16xi32>
      %jit3A_303 = arith.constant 0.000000e+00 : f32
      %broadcast_in_dim3A_304 = vector.broadcast %squeeze3A_300 : f32 to vector<16xf32>
      %broadcast_in_dim3A_305 = vector.broadcast %jit3A_303 : f32 to vector<16xf32>
      %select_n3A_306 = arith.select %eq3A_302, %broadcast_in_dim3A_304, %broadcast_in_dim3A_305 : vector<16xi1>, vector<16xf32>
      %add3A_307 = arith.addf %add3A_296, %select_n3A_306 : vector<16xf32>
      %slice3A_308 = vector.extract_strided_slice %get3A_23 {offsets = [7], sizes = [1], strides = [1]} : vector<16xi32> to vector<1xi32>
      %squeeze3A_309 = vector.extract %slice3A_308[0] : i32 from vector<1xi32>
      %slice3A_310 = vector.extract_strided_slice %mul3A_231 {offsets = [7], sizes = [1], strides = [1]} : vector<16xf32> to vector<1xf32>
      %squeeze3A_311 = vector.extract %slice3A_310[0] : f32 from vector<1xf32>
      %eq3A_312 = vector.broadcast %squeeze3A_309 : i32 to vector<16xi32>
      %eq3A_313 = arith.cmpi eq, %get3A_23, %eq3A_312 : vector<16xi32>
      %jit3A_314 = arith.constant 0.000000e+00 : f32
      %broadcast_in_dim3A_315 = vector.broadcast %squeeze3A_311 : f32 to vector<16xf32>
      %broadcast_in_dim3A_316 = vector.broadcast %jit3A_314 : f32 to vector<16xf32>
      %select_n3A_317 = arith.select %eq3A_313, %broadcast_in_dim3A_315, %broadcast_in_dim3A_316 : vector<16xi1>, vector<16xf32>
      %add3A_318 = arith.addf %add3A_307, %select_n3A_317 : vector<16xf32>
      %slice3A_319 = vector.extract_strided_slice %get3A_23 {offsets = [8], sizes = [1], strides = [1]} : vector<16xi32> to vector<1xi32>
      %squeeze3A_320 = vector.extract %slice3A_319[0] : i32 from vector<1xi32>
      %slice3A_321 = vector.extract_strided_slice %mul3A_231 {offsets = [8], sizes = [1], strides = [1]} : vector<16xf32> to vector<1xf32>
      %squeeze3A_322 = vector.extract %slice3A_321[0] : f32 from vector<1xf32>
      %eq3A_323 = vector.broadcast %squeeze3A_320 : i32 to vector<16xi32>
      %eq3A_324 = arith.cmpi eq, %get3A_23, %eq3A_323 : vector<16xi32>
      %jit3A_325 = arith.constant 0.000000e+00 : f32
      %broadcast_in_dim3A_326 = vector.broadcast %squeeze3A_322 : f32 to vector<16xf32>
      %broadcast_in_dim3A_327 = vector.broadcast %jit3A_325 : f32 to vector<16xf32>
      %select_n3A_328 = arith.select %eq3A_324, %broadcast_in_dim3A_326, %broadcast_in_dim3A_327 : vector<16xi1>, vector<16xf32>
      %add3A_329 = arith.addf %add3A_318, %select_n3A_328 : vector<16xf32>
      %slice3A_330 = vector.extract_strided_slice %get3A_23 {offsets = [9], sizes = [1], strides = [1]} : vector<16xi32> to vector<1xi32>
      %squeeze3A_331 = vector.extract %slice3A_330[0] : i32 from vector<1xi32>
      %slice3A_332 = vector.extract_strided_slice %mul3A_231 {offsets = [9], sizes = [1], strides = [1]} : vector<16xf32> to vector<1xf32>
      %squeeze3A_333 = vector.extract %slice3A_332[0] : f32 from vector<1xf32>
      %eq3A_334 = vector.broadcast %squeeze3A_331 : i32 to vector<16xi32>
      %eq3A_335 = arith.cmpi eq, %get3A_23, %eq3A_334 : vector<16xi32>
      %jit3A_336 = arith.constant 0.000000e+00 : f32
      %broadcast_in_dim3A_337 = vector.broadcast %squeeze3A_333 : f32 to vector<16xf32>
      %broadcast_in_dim3A_338 = vector.broadcast %jit3A_336 : f32 to vector<16xf32>
      %select_n3A_339 = arith.select %eq3A_335, %broadcast_in_dim3A_337, %broadcast_in_dim3A_338 : vector<16xi1>, vector<16xf32>
      %add3A_340 = arith.addf %add3A_329, %select_n3A_339 : vector<16xf32>
      %slice3A_341 = vector.extract_strided_slice %get3A_23 {offsets = [10], sizes = [1], strides = [1]} : vector<16xi32> to vector<1xi32>
      %squeeze3A_342 = vector.extract %slice3A_341[0] : i32 from vector<1xi32>
      %slice3A_343 = vector.extract_strided_slice %mul3A_231 {offsets = [10], sizes = [1], strides = [1]} : vector<16xf32> to vector<1xf32>
      %squeeze3A_344 = vector.extract %slice3A_343[0] : f32 from vector<1xf32>
      %eq3A_345 = vector.broadcast %squeeze3A_342 : i32 to vector<16xi32>
      %eq3A_346 = arith.cmpi eq, %get3A_23, %eq3A_345 : vector<16xi32>
      %jit3A_347 = arith.constant 0.000000e+00 : f32
      %broadcast_in_dim3A_348 = vector.broadcast %squeeze3A_344 : f32 to vector<16xf32>
      %broadcast_in_dim3A_349 = vector.broadcast %jit3A_347 : f32 to vector<16xf32>
      %select_n3A_350 = arith.select %eq3A_346, %broadcast_in_dim3A_348, %broadcast_in_dim3A_349 : vector<16xi1>, vector<16xf32>
      %add3A_351 = arith.addf %add3A_340, %select_n3A_350 : vector<16xf32>
      %slice3A_352 = vector.extract_strided_slice %get3A_23 {offsets = [11], sizes = [1], strides = [1]} : vector<16xi32> to vector<1xi32>
      %squeeze3A_353 = vector.extract %slice3A_352[0] : i32 from vector<1xi32>
      %slice3A_354 = vector.extract_strided_slice %mul3A_231 {offsets = [11], sizes = [1], strides = [1]} : vector<16xf32> to vector<1xf32>
      %squeeze3A_355 = vector.extract %slice3A_354[0] : f32 from vector<1xf32>
      %eq3A_356 = vector.broadcast %squeeze3A_353 : i32 to vector<16xi32>
      %eq3A_357 = arith.cmpi eq, %get3A_23, %eq3A_356 : vector<16xi32>
      %jit3A_358 = arith.constant 0.000000e+00 : f32
      %broadcast_in_dim3A_359 = vector.broadcast %squeeze3A_355 : f32 to vector<16xf32>
      %broadcast_in_dim3A_360 = vector.broadcast %jit3A_358 : f32 to vector<16xf32>
      %select_n3A_361 = arith.select %eq3A_357, %broadcast_in_dim3A_359, %broadcast_in_dim3A_360 : vector<16xi1>, vector<16xf32>
      %add3A_362 = arith.addf %add3A_351, %select_n3A_361 : vector<16xf32>
      %slice3A_363 = vector.extract_strided_slice %get3A_23 {offsets = [12], sizes = [1], strides = [1]} : vector<16xi32> to vector<1xi32>
      %squeeze3A_364 = vector.extract %slice3A_363[0] : i32 from vector<1xi32>
      %slice3A_365 = vector.extract_strided_slice %mul3A_231 {offsets = [12], sizes = [1], strides = [1]} : vector<16xf32> to vector<1xf32>
      %squeeze3A_366 = vector.extract %slice3A_365[0] : f32 from vector<1xf32>
      %eq3A_367 = vector.broadcast %squeeze3A_364 : i32 to vector<16xi32>
      %eq3A_368 = arith.cmpi eq, %get3A_23, %eq3A_367 : vector<16xi32>
      %jit3A_369 = arith.constant 0.000000e+00 : f32
      %broadcast_in_dim3A_370 = vector.broadcast %squeeze3A_366 : f32 to vector<16xf32>
      %broadcast_in_dim3A_371 = vector.broadcast %jit3A_369 : f32 to vector<16xf32>
      %select_n3A_372 = arith.select %eq3A_368, %broadcast_in_dim3A_370, %broadcast_in_dim3A_371 : vector<16xi1>, vector<16xf32>
      %add3A_373 = arith.addf %add3A_362, %select_n3A_372 : vector<16xf32>
      %slice3A_374 = vector.extract_strided_slice %get3A_23 {offsets = [13], sizes = [1], strides = [1]} : vector<16xi32> to vector<1xi32>
      %squeeze3A_375 = vector.extract %slice3A_374[0] : i32 from vector<1xi32>
      %slice3A_376 = vector.extract_strided_slice %mul3A_231 {offsets = [13], sizes = [1], strides = [1]} : vector<16xf32> to vector<1xf32>
      %squeeze3A_377 = vector.extract %slice3A_376[0] : f32 from vector<1xf32>
      %eq3A_378 = vector.broadcast %squeeze3A_375 : i32 to vector<16xi32>
      %eq3A_379 = arith.cmpi eq, %get3A_23, %eq3A_378 : vector<16xi32>
      %jit3A_380 = arith.constant 0.000000e+00 : f32
      %broadcast_in_dim3A_381 = vector.broadcast %squeeze3A_377 : f32 to vector<16xf32>
      %broadcast_in_dim3A_382 = vector.broadcast %jit3A_380 : f32 to vector<16xf32>
      %select_n3A_383 = arith.select %eq3A_379, %broadcast_in_dim3A_381, %broadcast_in_dim3A_382 : vector<16xi1>, vector<16xf32>
      %add3A_384 = arith.addf %add3A_373, %select_n3A_383 : vector<16xf32>
      %slice3A_385 = vector.extract_strided_slice %get3A_23 {offsets = [14], sizes = [1], strides = [1]} : vector<16xi32> to vector<1xi32>
      %squeeze3A_386 = vector.extract %slice3A_385[0] : i32 from vector<1xi32>
      %slice3A_387 = vector.extract_strided_slice %mul3A_231 {offsets = [14], sizes = [1], strides = [1]} : vector<16xf32> to vector<1xf32>
      %squeeze3A_388 = vector.extract %slice3A_387[0] : f32 from vector<1xf32>
      %eq3A_389 = vector.broadcast %squeeze3A_386 : i32 to vector<16xi32>
      %eq3A_390 = arith.cmpi eq, %get3A_23, %eq3A_389 : vector<16xi32>
      %jit3A_391 = arith.constant 0.000000e+00 : f32
      %broadcast_in_dim3A_392 = vector.broadcast %squeeze3A_388 : f32 to vector<16xf32>
      %broadcast_in_dim3A_393 = vector.broadcast %jit3A_391 : f32 to vector<16xf32>
      %select_n3A_394 = arith.select %eq3A_390, %broadcast_in_dim3A_392, %broadcast_in_dim3A_393 : vector<16xi1>, vector<16xf32>
      %add3A_395 = arith.addf %add3A_384, %select_n3A_394 : vector<16xf32>
      %slice3A_396 = vector.extract_strided_slice %get3A_23 {offsets = [15], sizes = [1], strides = [1]} : vector<16xi32> to vector<1xi32>
      %squeeze3A_397 = vector.extract %slice3A_396[0] : i32 from vector<1xi32>
      %slice3A_398 = vector.extract_strided_slice %mul3A_231 {offsets = [15], sizes = [1], strides = [1]} : vector<16xf32> to vector<1xf32>
      %squeeze3A_399 = vector.extract %slice3A_398[0] : f32 from vector<1xf32>
      %eq3A_400 = vector.broadcast %squeeze3A_397 : i32 to vector<16xi32>
      %eq3A_401 = arith.cmpi eq, %get3A_23, %eq3A_400 : vector<16xi32>
      %jit3A_402 = arith.constant 0.000000e+00 : f32
      %broadcast_in_dim3A_403 = vector.broadcast %squeeze3A_399 : f32 to vector<16xf32>
      %broadcast_in_dim3A_404 = vector.broadcast %jit3A_402 : f32 to vector<16xf32>
      %select_n3A_405 = arith.select %eq3A_401, %broadcast_in_dim3A_403, %broadcast_in_dim3A_404 : vector<16xi1>, vector<16xf32>
      %add3A_406 = arith.addf %add3A_395, %select_n3A_405 : vector<16xf32>
      %swap3A = arith.constant 0 : index
      %swap3A_407 = tpu.vector_load %arg11[%swap3A] {strides = array<i32>} : memref<16xf32, #tpu.memory_space<vmem>>, vector<16xf32>,
      %swap3A_408 = vector.shape_cast %swap3A_407 : vector<16xf32> to vector<16xf32>
      %swap3A_409 = vector.shape_cast %add3A_406 : vector<16xf32> to vector<16xf32>
      tpu.vector_store %arg11[%swap3A], %swap3A_409 {strides = array<i32>} : memref<16xf32, #tpu.memory_space<vmem>>, vector<16xf32>,
      %run_scoped3A_410 = arith.constant 1 : i32
      "tpu.region"() ({
        %run_scoped3A_411 = tpu.sem_alloc : memref<!tpu.dma_semaphore, #tpu.memory_space<semaphore_mem>>
        %dma_start3A = arith.constant 0 : i32
        %dma_start3A_412 = tpu.memref_slice %arg6[%run_scoped3A_410, %dma_start3A] : memref<4x16xf32, #tpu.memory_space<hbm>> -> memref<1x16xf32, #tpu.memory_space<hbm>>
        %dma_start3A_413 = tpu.memref_squeeze %dma_start3A_412 : memref<1x16xf32, #tpu.memory_space<hbm>> -> memref<16xf32, #tpu.memory_space<hbm>>
        %dma_start3A_414 = arith.constant 0 : i32
        %dma_start3A_415 = tpu.memref_slice %arg6[%run_scoped3A_410, %dma_start3A_414] : memref<4x16xf32, #tpu.memory_space<hbm>> -> memref<1x16xf32, #tpu.memory_space<hbm>>
        %dma_start3A_416 = tpu.memref_squeeze %dma_start3A_415 : memref<1x16xf32, #tpu.memory_space<hbm>> -> memref<16xf32, #tpu.memory_space<hbm>>
        tpu.enqueue_dma source(%arg11 : memref<16xf32, #tpu.memory_space<vmem>>) target(%dma_start3A_416 : memref<16xf32, #tpu.memory_space<hbm>>) target_semaphore(%run_scoped3A_411 : memref<!tpu.dma_semaphore, #tpu.memory_space<semaphore_mem>>)
        %dma_wait3A = arith.constant 0 : i32
        %dma_wait3A_417 = tpu.memref_slice %arg6[%run_scoped3A_410, %dma_wait3A] : memref<4x16xf32, #tpu.memory_space<hbm>> -> memref<1x16xf32, #tpu.memory_space<hbm>>
        %dma_wait3A_418 = tpu.memref_squeeze %dma_wait3A_417 : memref<1x16xf32, #tpu.memory_space<hbm>> -> memref<16xf32, #tpu.memory_space<hbm>>
        %dma_wait3A_419 = arith.constant 0 : i32
        %dma_wait3A_420 = tpu.memref_slice %arg6[%run_scoped3A_410, %dma_wait3A_419] : memref<4x16xf32, #tpu.memory_space<hbm>> -> memref<1x16xf32, #tpu.memory_space<hbm>>
        %dma_wait3A_421 = tpu.memref_squeeze %dma_wait3A_420 : memref<1x16xf32, #tpu.memory_space<hbm>> -> memref<16xf32, #tpu.memory_space<hbm>>
        tpu.wait_dma2 semaphore(%run_scoped3A_411 : memref<!tpu.dma_semaphore, #tpu.memory_space<semaphore_mem>>) src(%arg11 : memref<16xf32, #tpu.memory_space<vmem>>) dst(%dma_wait3A_421 : memref<16xf32, #tpu.memory_space<hbm>>)
        tpu.yield
      }) : () -> ()
    } else {
    }
    %eq3A_8 = arith.constant 2 : i32
    %eq3A_9 = arith.cmpi eq, %add3A, %eq3A_8 : i32
    %convert_element_type3A_10 = arith.extui %eq3A_9 : i1 to i32
    %cond3A_11 = arith.constant 0 : i32
    %cond3A_12 = arith.cmpi ne, %convert_element_type3A_10, %cond3A_11 : i32
    scf.if %cond3A_12 {
      "tpu.region"() ({
        %run_scoped3A_411 = tpu.sem_alloc : memref<!tpu.dma_semaphore, #tpu.memory_space<semaphore_mem>>
        tpu.enqueue_dma source(%arg3 : memref<16xi32, #tpu.memory_space<hbm>>) target(%arg7 : memref<16xi32, #tpu.memory_space<vmem>>) target_semaphore(%run_scoped3A_411 : memref<!tpu.dma_semaphore, #tpu.memory_space<semaphore_mem>>)
        tpu.wait_dma2 semaphore(%run_scoped3A_411 : memref<!tpu.dma_semaphore, #tpu.memory_space<semaphore_mem>>) src(%arg3 : memref<16xi32, #tpu.memory_space<hbm>>) dst(%arg7 : memref<16xi32, #tpu.memory_space<vmem>>)
        tpu.yield
      }) : () -> ()
      %get3A = arith.constant 0 : index
      %get3A_18 = tpu.vector_load %arg7[%get3A] {strides = array<i32>} : memref<16xi32, #tpu.memory_space<vmem>>, vector<16xi32>,
      %get3A_19 = vector.shape_cast %get3A_18 : vector<16xi32> to vector<16xi32>
      %iota3A = tpu.iota {dimensions = array<i32: 0>} : vector<16xi32>
      %slice3A = vector.extract_strided_slice %get3A_19 {offsets = [2], sizes = [1], strides = [1]} : vector<16xi32> to vector<1xi32>
      %squeeze3A = vector.extract %slice3A[0] : i32 from vector<1xi32>
      "tpu.region"() ({
        %run_scoped3A_411 = tpu.sem_alloc : memref<!tpu.dma_semaphore, #tpu.memory_space<semaphore_mem>>
        %dma_start3A = arith.constant 0 : i32
        %dma_start3A_412 = tpu.memref_slice %arg8[%dma_start3A] : memref<2064xf32, #tpu.memory_space<vmem>> -> memref<2048xf32, #tpu.memory_space<vmem>>
        %dma_start3A_413 = arith.constant 0 : i32
        %dma_start3A_414 = tpu.memref_slice %arg2[%squeeze3A, %dma_start3A_413] : memref<16384x2048xf32, #tpu.memory_space<hbm>> -> memref<1x2048xf32, #tpu.memory_space<hbm>>
        %dma_start3A_415 = tpu.memref_squeeze %dma_start3A_414 : memref<1x2048xf32, #tpu.memory_space<hbm>> -> memref<2048xf32, #tpu.memory_space<hbm>>
        %dma_start3A_416 = arith.constant 0 : i32
        %dma_start3A_417 = tpu.memref_slice %arg8[%dma_start3A_416] : memref<2064xf32, #tpu.memory_space<vmem>> -> memref<2048xf32, #tpu.memory_space<vmem>>
        %dma_start3A_418 = arith.constant 0 : i32
        %dma_start3A_419 = tpu.memref_slice %arg2[%squeeze3A, %dma_start3A_418] : memref<16384x2048xf32, #tpu.memory_space<hbm>> -> memref<1x2048xf32, #tpu.memory_space<hbm>>
        %dma_start3A_420 = tpu.memref_squeeze %dma_start3A_419 : memref<1x2048xf32, #tpu.memory_space<hbm>> -> memref<2048xf32, #tpu.memory_space<hbm>>
        tpu.enqueue_dma source(%dma_start3A_420 : memref<2048xf32, #tpu.memory_space<hbm>>) target(%dma_start3A_417 : memref<2048xf32, #tpu.memory_space<vmem>>) target_semaphore(%run_scoped3A_411 : memref<!tpu.dma_semaphore, #tpu.memory_space<semaphore_mem>>)
        %dma_wait3A = arith.constant 0 : i32
        %dma_wait3A_421 = tpu.memref_slice %arg8[%dma_wait3A] : memref<2064xf32, #tpu.memory_space<vmem>> -> memref<2048xf32, #tpu.memory_space<vmem>>
        %dma_wait3A_422 = arith.constant 0 : i32
        %dma_wait3A_423 = tpu.memref_slice %arg2[%squeeze3A, %dma_wait3A_422] : memref<16384x2048xf32, #tpu.memory_space<hbm>> -> memref<1x2048xf32, #tpu.memory_space<hbm>>
        %dma_wait3A_424 = tpu.memref_squeeze %dma_wait3A_423 : memref<1x2048xf32, #tpu.memory_space<hbm>> -> memref<2048xf32, #tpu.memory_space<hbm>>
        %dma_wait3A_425 = arith.constant 0 : i32
        %dma_wait3A_426 = tpu.memref_slice %arg8[%dma_wait3A_425] : memref<2064xf32, #tpu.memory_space<vmem>> -> memref<2048xf32, #tpu.memory_space<vmem>>
        %dma_wait3A_427 = arith.constant 0 : i32
        %dma_wait3A_428 = tpu.memref_slice %arg2[%squeeze3A, %dma_wait3A_427] : memref<16384x2048xf32, #tpu.memory_space<hbm>> -> memref<1x2048xf32, #tpu.memory_space<hbm>>
        %dma_wait3A_429 = tpu.memref_squeeze %dma_wait3A_428 : memref<1x2048xf32, #tpu.memory_space<hbm>> -> memref<2048xf32, #tpu.memory_space<hbm>>
        tpu.wait_dma2 semaphore(%run_scoped3A_411 : memref<!tpu.dma_semaphore, #tpu.memory_space<semaphore_mem>>) src(%dma_wait3A_429 : memref<2048xf32, #tpu.memory_space<hbm>>) dst(%dma_wait3A_426 : memref<2048xf32, #tpu.memory_space<vmem>>)
        tpu.yield
      }) : () -> ()
      %run_scoped3A = arith.constant 2 : i32
      "tpu.region"() ({
        %run_scoped3A_411 = tpu.sem_alloc : memref<!tpu.dma_semaphore, #tpu.memory_space<semaphore_mem>>
        %dma_start3A = arith.constant 0 : i32
        %dma_start3A_412 = tpu.memref_slice %arg4[%run_scoped3A, %dma_start3A] : memref<4x16xi32, #tpu.memory_space<hbm>> -> memref<1x16xi32, #tpu.memory_space<hbm>>
        %dma_start3A_413 = tpu.memref_squeeze %dma_start3A_412 : memref<1x16xi32, #tpu.memory_space<hbm>> -> memref<16xi32, #tpu.memory_space<hbm>>
        %dma_start3A_414 = arith.constant 0 : i32
        %dma_start3A_415 = tpu.memref_slice %arg4[%run_scoped3A, %dma_start3A_414] : memref<4x16xi32, #tpu.memory_space<hbm>> -> memref<1x16xi32, #tpu.memory_space<hbm>>
        %dma_start3A_416 = tpu.memref_squeeze %dma_start3A_415 : memref<1x16xi32, #tpu.memory_space<hbm>> -> memref<16xi32, #tpu.memory_space<hbm>>
        tpu.enqueue_dma source(%dma_start3A_416 : memref<16xi32, #tpu.memory_space<hbm>>) target(%arg9 : memref<16xi32, #tpu.memory_space<vmem>>) target_semaphore(%run_scoped3A_411 : memref<!tpu.dma_semaphore, #tpu.memory_space<semaphore_mem>>)
        %dma_wait3A = arith.constant 0 : i32
        %dma_wait3A_417 = tpu.memref_slice %arg4[%run_scoped3A, %dma_wait3A] : memref<4x16xi32, #tpu.memory_space<hbm>> -> memref<1x16xi32, #tpu.memory_space<hbm>>
        %dma_wait3A_418 = tpu.memref_squeeze %dma_wait3A_417 : memref<1x16xi32, #tpu.memory_space<hbm>> -> memref<16xi32, #tpu.memory_space<hbm>>
        %dma_wait3A_419 = arith.constant 0 : i32
        %dma_wait3A_420 = tpu.memref_slice %arg4[%run_scoped3A, %dma_wait3A_419] : memref<4x16xi32, #tpu.memory_space<hbm>> -> memref<1x16xi32, #tpu.memory_space<hbm>>
        %dma_wait3A_421 = tpu.memref_squeeze %dma_wait3A_420 : memref<1x16xi32, #tpu.memory_space<hbm>> -> memref<16xi32, #tpu.memory_space<hbm>>
        tpu.wait_dma2 semaphore(%run_scoped3A_411 : memref<!tpu.dma_semaphore, #tpu.memory_space<semaphore_mem>>) src(%dma_wait3A_421 : memref<16xi32, #tpu.memory_space<hbm>>) dst(%arg9 : memref<16xi32, #tpu.memory_space<vmem>>)
        tpu.yield
      }) : () -> ()
      %run_scoped3A_20 = arith.constant 2 : i32
      "tpu.region"() ({
        %run_scoped3A_411 = tpu.sem_alloc : memref<!tpu.dma_semaphore, #tpu.memory_space<semaphore_mem>>
        %dma_start3A = arith.constant 0 : i32
        %dma_start3A_412 = tpu.memref_slice %arg5[%run_scoped3A_20, %dma_start3A] : memref<4x16xf32, #tpu.memory_space<hbm>> -> memref<1x16xf32, #tpu.memory_space<hbm>>
        %dma_start3A_413 = tpu.memref_squeeze %dma_start3A_412 : memref<1x16xf32, #tpu.memory_space<hbm>> -> memref<16xf32, #tpu.memory_space<hbm>>
        %dma_start3A_414 = arith.constant 0 : i32
        %dma_start3A_415 = tpu.memref_slice %arg5[%run_scoped3A_20, %dma_start3A_414] : memref<4x16xf32, #tpu.memory_space<hbm>> -> memref<1x16xf32, #tpu.memory_space<hbm>>
        %dma_start3A_416 = tpu.memref_squeeze %dma_start3A_415 : memref<1x16xf32, #tpu.memory_space<hbm>> -> memref<16xf32, #tpu.memory_space<hbm>>
        tpu.enqueue_dma source(%dma_start3A_416 : memref<16xf32, #tpu.memory_space<hbm>>) target(%arg10 : memref<16xf32, #tpu.memory_space<vmem>>) target_semaphore(%run_scoped3A_411 : memref<!tpu.dma_semaphore, #tpu.memory_space<semaphore_mem>>)
        %dma_wait3A = arith.constant 0 : i32
        %dma_wait3A_417 = tpu.memref_slice %arg5[%run_scoped3A_20, %dma_wait3A] : memref<4x16xf32, #tpu.memory_space<hbm>> -> memref<1x16xf32, #tpu.memory_space<hbm>>
        %dma_wait3A_418 = tpu.memref_squeeze %dma_wait3A_417 : memref<1x16xf32, #tpu.memory_space<hbm>> -> memref<16xf32, #tpu.memory_space<hbm>>
        %dma_wait3A_419 = arith.constant 0 : i32
        %dma_wait3A_420 = tpu.memref_slice %arg5[%run_scoped3A_20, %dma_wait3A_419] : memref<4x16xf32, #tpu.memory_space<hbm>> -> memref<1x16xf32, #tpu.memory_space<hbm>>
        %dma_wait3A_421 = tpu.memref_squeeze %dma_wait3A_420 : memref<1x16xf32, #tpu.memory_space<hbm>> -> memref<16xf32, #tpu.memory_space<hbm>>
        tpu.wait_dma2 semaphore(%run_scoped3A_411 : memref<!tpu.dma_semaphore, #tpu.memory_space<semaphore_mem>>) src(%dma_wait3A_421 : memref<16xf32, #tpu.memory_space<hbm>>) dst(%arg10 : memref<16xf32, #tpu.memory_space<vmem>>)
        tpu.yield
      }) : () -> ()
      %get3A_21 = arith.constant 0 : index
      %get3A_22 = tpu.vector_load %arg9[%get3A_21] {strides = array<i32>} : memref<16xi32, #tpu.memory_space<vmem>>, vector<16xi32>,
      %get3A_23 = vector.shape_cast %get3A_22 : vector<16xi32> to vector<16xi32>
      %broadcast_in_dim3A = arith.constant 0.000000e+00 : f32
      %broadcast_in_dim3A_24 = vector.broadcast %broadcast_in_dim3A : f32 to vector<16xf32>
      %slice3A_25 = vector.extract_strided_slice %get3A_23 {offsets = [0], sizes = [1], strides = [1]} : vector<16xi32> to vector<1xi32>
      %squeeze3A_26 = vector.extract %slice3A_25[0] : i32 from vector<1xi32>
      %get3A_27 = arith.index_cast %squeeze3A_26 : i32 to index
      %get3A_28 = tpu.vector_load %arg8[%get3A_27] {strides = array<i32>} : memref<2064xf32, #tpu.memory_space<vmem>>, vector<16xf32>,
      %get3A_29 = vector.shape_cast %get3A_28 : vector<16xf32> to vector<16xf32>
      %slice3A_30 = vector.extract_strided_slice %get3A_29 {offsets = [0], sizes = [1], strides = [1]} : vector<16xf32> to vector<1xf32>
      %squeeze3A_31 = vector.extract %slice3A_30[0] : f32 from vector<1xf32>
      %eq3A_32 = arith.constant 0 : i32
      %eq3A_33 = vector.broadcast %eq3A_32 : i32 to vector<16xi32>
      %eq3A_34 = arith.cmpi eq, %iota3A, %eq3A_33 : vector<16xi32>
      %broadcast_in_dim3A_35 = vector.broadcast %squeeze3A_31 : f32 to vector<16xf32>
      %select_n3A = arith.select %eq3A_34, %broadcast_in_dim3A_35, %broadcast_in_dim3A_24 : vector<16xi1>, vector<16xf32>
      %slice3A_36 = vector.extract_strided_slice %get3A_23 {offsets = [1], sizes = [1], strides = [1]} : vector<16xi32> to vector<1xi32>
      %squeeze3A_37 = vector.extract %slice3A_36[0] : i32 from vector<1xi32>
      %get3A_38 = arith.index_cast %squeeze3A_37 : i32 to index
      %get3A_39 = tpu.vector_load %arg8[%get3A_38] {strides = array<i32>} : memref<2064xf32, #tpu.memory_space<vmem>>, vector<16xf32>,
      %get3A_40 = vector.shape_cast %get3A_39 : vector<16xf32> to vector<16xf32>
      %slice3A_41 = vector.extract_strided_slice %get3A_40 {offsets = [0], sizes = [1], strides = [1]} : vector<16xf32> to vector<1xf32>
      %squeeze3A_42 = vector.extract %slice3A_41[0] : f32 from vector<1xf32>
      %eq3A_43 = arith.constant 1 : i32
      %eq3A_44 = vector.broadcast %eq3A_43 : i32 to vector<16xi32>
      %eq3A_45 = arith.cmpi eq, %iota3A, %eq3A_44 : vector<16xi32>
      %broadcast_in_dim3A_46 = vector.broadcast %squeeze3A_42 : f32 to vector<16xf32>
      %select_n3A_47 = arith.select %eq3A_45, %broadcast_in_dim3A_46, %select_n3A : vector<16xi1>, vector<16xf32>
      %slice3A_48 = vector.extract_strided_slice %get3A_23 {offsets = [2], sizes = [1], strides = [1]} : vector<16xi32> to vector<1xi32>
      %squeeze3A_49 = vector.extract %slice3A_48[0] : i32 from vector<1xi32>
      %get3A_50 = arith.index_cast %squeeze3A_49 : i32 to index
      %get3A_51 = tpu.vector_load %arg8[%get3A_50] {strides = array<i32>} : memref<2064xf32, #tpu.memory_space<vmem>>, vector<16xf32>,
      %get3A_52 = vector.shape_cast %get3A_51 : vector<16xf32> to vector<16xf32>
      %slice3A_53 = vector.extract_strided_slice %get3A_52 {offsets = [0], sizes = [1], strides = [1]} : vector<16xf32> to vector<1xf32>
      %squeeze3A_54 = vector.extract %slice3A_53[0] : f32 from vector<1xf32>
      %eq3A_55 = arith.constant 2 : i32
      %eq3A_56 = vector.broadcast %eq3A_55 : i32 to vector<16xi32>
      %eq3A_57 = arith.cmpi eq, %iota3A, %eq3A_56 : vector<16xi32>
      %broadcast_in_dim3A_58 = vector.broadcast %squeeze3A_54 : f32 to vector<16xf32>
      %select_n3A_59 = arith.select %eq3A_57, %broadcast_in_dim3A_58, %select_n3A_47 : vector<16xi1>, vector<16xf32>
      %slice3A_60 = vector.extract_strided_slice %get3A_23 {offsets = [3], sizes = [1], strides = [1]} : vector<16xi32> to vector<1xi32>
      %squeeze3A_61 = vector.extract %slice3A_60[0] : i32 from vector<1xi32>
      %get3A_62 = arith.index_cast %squeeze3A_61 : i32 to index
      %get3A_63 = tpu.vector_load %arg8[%get3A_62] {strides = array<i32>} : memref<2064xf32, #tpu.memory_space<vmem>>, vector<16xf32>,
      %get3A_64 = vector.shape_cast %get3A_63 : vector<16xf32> to vector<16xf32>
      %slice3A_65 = vector.extract_strided_slice %get3A_64 {offsets = [0], sizes = [1], strides = [1]} : vector<16xf32> to vector<1xf32>
      %squeeze3A_66 = vector.extract %slice3A_65[0] : f32 from vector<1xf32>
      %eq3A_67 = arith.constant 3 : i32
      %eq3A_68 = vector.broadcast %eq3A_67 : i32 to vector<16xi32>
      %eq3A_69 = arith.cmpi eq, %iota3A, %eq3A_68 : vector<16xi32>
      %broadcast_in_dim3A_70 = vector.broadcast %squeeze3A_66 : f32 to vector<16xf32>
      %select_n3A_71 = arith.select %eq3A_69, %broadcast_in_dim3A_70, %select_n3A_59 : vector<16xi1>, vector<16xf32>
      %slice3A_72 = vector.extract_strided_slice %get3A_23 {offsets = [4], sizes = [1], strides = [1]} : vector<16xi32> to vector<1xi32>
      %squeeze3A_73 = vector.extract %slice3A_72[0] : i32 from vector<1xi32>
      %get3A_74 = arith.index_cast %squeeze3A_73 : i32 to index
      %get3A_75 = tpu.vector_load %arg8[%get3A_74] {strides = array<i32>} : memref<2064xf32, #tpu.memory_space<vmem>>, vector<16xf32>,
      %get3A_76 = vector.shape_cast %get3A_75 : vector<16xf32> to vector<16xf32>
      %slice3A_77 = vector.extract_strided_slice %get3A_76 {offsets = [0], sizes = [1], strides = [1]} : vector<16xf32> to vector<1xf32>
      %squeeze3A_78 = vector.extract %slice3A_77[0] : f32 from vector<1xf32>
      %eq3A_79 = arith.constant 4 : i32
      %eq3A_80 = vector.broadcast %eq3A_79 : i32 to vector<16xi32>
      %eq3A_81 = arith.cmpi eq, %iota3A, %eq3A_80 : vector<16xi32>
      %broadcast_in_dim3A_82 = vector.broadcast %squeeze3A_78 : f32 to vector<16xf32>
      %select_n3A_83 = arith.select %eq3A_81, %broadcast_in_dim3A_82, %select_n3A_71 : vector<16xi1>, vector<16xf32>
      %slice3A_84 = vector.extract_strided_slice %get3A_23 {offsets = [5], sizes = [1], strides = [1]} : vector<16xi32> to vector<1xi32>
      %squeeze3A_85 = vector.extract %slice3A_84[0] : i32 from vector<1xi32>
      %get3A_86 = arith.index_cast %squeeze3A_85 : i32 to index
      %get3A_87 = tpu.vector_load %arg8[%get3A_86] {strides = array<i32>} : memref<2064xf32, #tpu.memory_space<vmem>>, vector<16xf32>,
      %get3A_88 = vector.shape_cast %get3A_87 : vector<16xf32> to vector<16xf32>
      %slice3A_89 = vector.extract_strided_slice %get3A_88 {offsets = [0], sizes = [1], strides = [1]} : vector<16xf32> to vector<1xf32>
      %squeeze3A_90 = vector.extract %slice3A_89[0] : f32 from vector<1xf32>
      %eq3A_91 = arith.constant 5 : i32
      %eq3A_92 = vector.broadcast %eq3A_91 : i32 to vector<16xi32>
      %eq3A_93 = arith.cmpi eq, %iota3A, %eq3A_92 : vector<16xi32>
      %broadcast_in_dim3A_94 = vector.broadcast %squeeze3A_90 : f32 to vector<16xf32>
      %select_n3A_95 = arith.select %eq3A_93, %broadcast_in_dim3A_94, %select_n3A_83 : vector<16xi1>, vector<16xf32>
      %slice3A_96 = vector.extract_strided_slice %get3A_23 {offsets = [6], sizes = [1], strides = [1]} : vector<16xi32> to vector<1xi32>
      %squeeze3A_97 = vector.extract %slice3A_96[0] : i32 from vector<1xi32>
      %get3A_98 = arith.index_cast %squeeze3A_97 : i32 to index
      %get3A_99 = tpu.vector_load %arg8[%get3A_98] {strides = array<i32>} : memref<2064xf32, #tpu.memory_space<vmem>>, vector<16xf32>,
      %get3A_100 = vector.shape_cast %get3A_99 : vector<16xf32> to vector<16xf32>
      %slice3A_101 = vector.extract_strided_slice %get3A_100 {offsets = [0], sizes = [1], strides = [1]} : vector<16xf32> to vector<1xf32>
      %squeeze3A_102 = vector.extract %slice3A_101[0] : f32 from vector<1xf32>
      %eq3A_103 = arith.constant 6 : i32
      %eq3A_104 = vector.broadcast %eq3A_103 : i32 to vector<16xi32>
      %eq3A_105 = arith.cmpi eq, %iota3A, %eq3A_104 : vector<16xi32>
      %broadcast_in_dim3A_106 = vector.broadcast %squeeze3A_102 : f32 to vector<16xf32>
      %select_n3A_107 = arith.select %eq3A_105, %broadcast_in_dim3A_106, %select_n3A_95 : vector<16xi1>, vector<16xf32>
      %slice3A_108 = vector.extract_strided_slice %get3A_23 {offsets = [7], sizes = [1], strides = [1]} : vector<16xi32> to vector<1xi32>
      %squeeze3A_109 = vector.extract %slice3A_108[0] : i32 from vector<1xi32>
      %get3A_110 = arith.index_cast %squeeze3A_109 : i32 to index
      %get3A_111 = tpu.vector_load %arg8[%get3A_110] {strides = array<i32>} : memref<2064xf32, #tpu.memory_space<vmem>>, vector<16xf32>,
      %get3A_112 = vector.shape_cast %get3A_111 : vector<16xf32> to vector<16xf32>
      %slice3A_113 = vector.extract_strided_slice %get3A_112 {offsets = [0], sizes = [1], strides = [1]} : vector<16xf32> to vector<1xf32>
      %squeeze3A_114 = vector.extract %slice3A_113[0] : f32 from vector<1xf32>
      %eq3A_115 = arith.constant 7 : i32
      %eq3A_116 = vector.broadcast %eq3A_115 : i32 to vector<16xi32>
      %eq3A_117 = arith.cmpi eq, %iota3A, %eq3A_116 : vector<16xi32>
      %broadcast_in_dim3A_118 = vector.broadcast %squeeze3A_114 : f32 to vector<16xf32>
      %select_n3A_119 = arith.select %eq3A_117, %broadcast_in_dim3A_118, %select_n3A_107 : vector<16xi1>, vector<16xf32>
      %slice3A_120 = vector.extract_strided_slice %get3A_23 {offsets = [8], sizes = [1], strides = [1]} : vector<16xi32> to vector<1xi32>
      %squeeze3A_121 = vector.extract %slice3A_120[0] : i32 from vector<1xi32>
      %get3A_122 = arith.index_cast %squeeze3A_121 : i32 to index
      %get3A_123 = tpu.vector_load %arg8[%get3A_122] {strides = array<i32>} : memref<2064xf32, #tpu.memory_space<vmem>>, vector<16xf32>,
      %get3A_124 = vector.shape_cast %get3A_123 : vector<16xf32> to vector<16xf32>
      %slice3A_125 = vector.extract_strided_slice %get3A_124 {offsets = [0], sizes = [1], strides = [1]} : vector<16xf32> to vector<1xf32>
      %squeeze3A_126 = vector.extract %slice3A_125[0] : f32 from vector<1xf32>
      %eq3A_127 = arith.constant 8 : i32
      %eq3A_128 = vector.broadcast %eq3A_127 : i32 to vector<16xi32>
      %eq3A_129 = arith.cmpi eq, %iota3A, %eq3A_128 : vector<16xi32>
      %broadcast_in_dim3A_130 = vector.broadcast %squeeze3A_126 : f32 to vector<16xf32>
      %select_n3A_131 = arith.select %eq3A_129, %broadcast_in_dim3A_130, %select_n3A_119 : vector<16xi1>, vector<16xf32>
      %slice3A_132 = vector.extract_strided_slice %get3A_23 {offsets = [9], sizes = [1], strides = [1]} : vector<16xi32> to vector<1xi32>
      %squeeze3A_133 = vector.extract %slice3A_132[0] : i32 from vector<1xi32>
      %get3A_134 = arith.index_cast %squeeze3A_133 : i32 to index
      %get3A_135 = tpu.vector_load %arg8[%get3A_134] {strides = array<i32>} : memref<2064xf32, #tpu.memory_space<vmem>>, vector<16xf32>,
      %get3A_136 = vector.shape_cast %get3A_135 : vector<16xf32> to vector<16xf32>
      %slice3A_137 = vector.extract_strided_slice %get3A_136 {offsets = [0], sizes = [1], strides = [1]} : vector<16xf32> to vector<1xf32>
      %squeeze3A_138 = vector.extract %slice3A_137[0] : f32 from vector<1xf32>
      %eq3A_139 = arith.constant 9 : i32
      %eq3A_140 = vector.broadcast %eq3A_139 : i32 to vector<16xi32>
      %eq3A_141 = arith.cmpi eq, %iota3A, %eq3A_140 : vector<16xi32>
      %broadcast_in_dim3A_142 = vector.broadcast %squeeze3A_138 : f32 to vector<16xf32>
      %select_n3A_143 = arith.select %eq3A_141, %broadcast_in_dim3A_142, %select_n3A_131 : vector<16xi1>, vector<16xf32>
      %slice3A_144 = vector.extract_strided_slice %get3A_23 {offsets = [10], sizes = [1], strides = [1]} : vector<16xi32> to vector<1xi32>
      %squeeze3A_145 = vector.extract %slice3A_144[0] : i32 from vector<1xi32>
      %get3A_146 = arith.index_cast %squeeze3A_145 : i32 to index
      %get3A_147 = tpu.vector_load %arg8[%get3A_146] {strides = array<i32>} : memref<2064xf32, #tpu.memory_space<vmem>>, vector<16xf32>,
      %get3A_148 = vector.shape_cast %get3A_147 : vector<16xf32> to vector<16xf32>
      %slice3A_149 = vector.extract_strided_slice %get3A_148 {offsets = [0], sizes = [1], strides = [1]} : vector<16xf32> to vector<1xf32>
      %squeeze3A_150 = vector.extract %slice3A_149[0] : f32 from vector<1xf32>
      %eq3A_151 = arith.constant 10 : i32
      %eq3A_152 = vector.broadcast %eq3A_151 : i32 to vector<16xi32>
      %eq3A_153 = arith.cmpi eq, %iota3A, %eq3A_152 : vector<16xi32>
      %broadcast_in_dim3A_154 = vector.broadcast %squeeze3A_150 : f32 to vector<16xf32>
      %select_n3A_155 = arith.select %eq3A_153, %broadcast_in_dim3A_154, %select_n3A_143 : vector<16xi1>, vector<16xf32>
      %slice3A_156 = vector.extract_strided_slice %get3A_23 {offsets = [11], sizes = [1], strides = [1]} : vector<16xi32> to vector<1xi32>
      %squeeze3A_157 = vector.extract %slice3A_156[0] : i32 from vector<1xi32>
      %get3A_158 = arith.index_cast %squeeze3A_157 : i32 to index
      %get3A_159 = tpu.vector_load %arg8[%get3A_158] {strides = array<i32>} : memref<2064xf32, #tpu.memory_space<vmem>>, vector<16xf32>,
      %get3A_160 = vector.shape_cast %get3A_159 : vector<16xf32> to vector<16xf32>
      %slice3A_161 = vector.extract_strided_slice %get3A_160 {offsets = [0], sizes = [1], strides = [1]} : vector<16xf32> to vector<1xf32>
      %squeeze3A_162 = vector.extract %slice3A_161[0] : f32 from vector<1xf32>
      %eq3A_163 = arith.constant 11 : i32
      %eq3A_164 = vector.broadcast %eq3A_163 : i32 to vector<16xi32>
      %eq3A_165 = arith.cmpi eq, %iota3A, %eq3A_164 : vector<16xi32>
      %broadcast_in_dim3A_166 = vector.broadcast %squeeze3A_162 : f32 to vector<16xf32>
      %select_n3A_167 = arith.select %eq3A_165, %broadcast_in_dim3A_166, %select_n3A_155 : vector<16xi1>, vector<16xf32>
      %slice3A_168 = vector.extract_strided_slice %get3A_23 {offsets = [12], sizes = [1], strides = [1]} : vector<16xi32> to vector<1xi32>
      %squeeze3A_169 = vector.extract %slice3A_168[0] : i32 from vector<1xi32>
      %get3A_170 = arith.index_cast %squeeze3A_169 : i32 to index
      %get3A_171 = tpu.vector_load %arg8[%get3A_170] {strides = array<i32>} : memref<2064xf32, #tpu.memory_space<vmem>>, vector<16xf32>,
      %get3A_172 = vector.shape_cast %get3A_171 : vector<16xf32> to vector<16xf32>
      %slice3A_173 = vector.extract_strided_slice %get3A_172 {offsets = [0], sizes = [1], strides = [1]} : vector<16xf32> to vector<1xf32>
      %squeeze3A_174 = vector.extract %slice3A_173[0] : f32 from vector<1xf32>
      %eq3A_175 = arith.constant 12 : i32
      %eq3A_176 = vector.broadcast %eq3A_175 : i32 to vector<16xi32>
      %eq3A_177 = arith.cmpi eq, %iota3A, %eq3A_176 : vector<16xi32>
      %broadcast_in_dim3A_178 = vector.broadcast %squeeze3A_174 : f32 to vector<16xf32>
      %select_n3A_179 = arith.select %eq3A_177, %broadcast_in_dim3A_178, %select_n3A_167 : vector<16xi1>, vector<16xf32>
      %slice3A_180 = vector.extract_strided_slice %get3A_23 {offsets = [13], sizes = [1], strides = [1]} : vector<16xi32> to vector<1xi32>
      %squeeze3A_181 = vector.extract %slice3A_180[0] : i32 from vector<1xi32>
      %get3A_182 = arith.index_cast %squeeze3A_181 : i32 to index
      %get3A_183 = tpu.vector_load %arg8[%get3A_182] {strides = array<i32>} : memref<2064xf32, #tpu.memory_space<vmem>>, vector<16xf32>,
      %get3A_184 = vector.shape_cast %get3A_183 : vector<16xf32> to vector<16xf32>
      %slice3A_185 = vector.extract_strided_slice %get3A_184 {offsets = [0], sizes = [1], strides = [1]} : vector<16xf32> to vector<1xf32>
      %squeeze3A_186 = vector.extract %slice3A_185[0] : f32 from vector<1xf32>
      %eq3A_187 = arith.constant 13 : i32
      %eq3A_188 = vector.broadcast %eq3A_187 : i32 to vector<16xi32>
      %eq3A_189 = arith.cmpi eq, %iota3A, %eq3A_188 : vector<16xi32>
      %broadcast_in_dim3A_190 = vector.broadcast %squeeze3A_186 : f32 to vector<16xf32>
      %select_n3A_191 = arith.select %eq3A_189, %broadcast_in_dim3A_190, %select_n3A_179 : vector<16xi1>, vector<16xf32>
      %slice3A_192 = vector.extract_strided_slice %get3A_23 {offsets = [14], sizes = [1], strides = [1]} : vector<16xi32> to vector<1xi32>
      %squeeze3A_193 = vector.extract %slice3A_192[0] : i32 from vector<1xi32>
      %get3A_194 = arith.index_cast %squeeze3A_193 : i32 to index
      %get3A_195 = tpu.vector_load %arg8[%get3A_194] {strides = array<i32>} : memref<2064xf32, #tpu.memory_space<vmem>>, vector<16xf32>,
      %get3A_196 = vector.shape_cast %get3A_195 : vector<16xf32> to vector<16xf32>
      %slice3A_197 = vector.extract_strided_slice %get3A_196 {offsets = [0], sizes = [1], strides = [1]} : vector<16xf32> to vector<1xf32>
      %squeeze3A_198 = vector.extract %slice3A_197[0] : f32 from vector<1xf32>
      %eq3A_199 = arith.constant 14 : i32
      %eq3A_200 = vector.broadcast %eq3A_199 : i32 to vector<16xi32>
      %eq3A_201 = arith.cmpi eq, %iota3A, %eq3A_200 : vector<16xi32>
      %broadcast_in_dim3A_202 = vector.broadcast %squeeze3A_198 : f32 to vector<16xf32>
      %select_n3A_203 = arith.select %eq3A_201, %broadcast_in_dim3A_202, %select_n3A_191 : vector<16xi1>, vector<16xf32>
      %slice3A_204 = vector.extract_strided_slice %get3A_23 {offsets = [15], sizes = [1], strides = [1]} : vector<16xi32> to vector<1xi32>
      %squeeze3A_205 = vector.extract %slice3A_204[0] : i32 from vector<1xi32>
      %get3A_206 = arith.index_cast %squeeze3A_205 : i32 to index
      %get3A_207 = tpu.vector_load %arg8[%get3A_206] {strides = array<i32>} : memref<2064xf32, #tpu.memory_space<vmem>>, vector<16xf32>,
      %get3A_208 = vector.shape_cast %get3A_207 : vector<16xf32> to vector<16xf32>
      %slice3A_209 = vector.extract_strided_slice %get3A_208 {offsets = [0], sizes = [1], strides = [1]} : vector<16xf32> to vector<1xf32>
      %squeeze3A_210 = vector.extract %slice3A_209[0] : f32 from vector<1xf32>
      %eq3A_211 = arith.constant 15 : i32
      %eq3A_212 = vector.broadcast %eq3A_211 : i32 to vector<16xi32>
      %eq3A_213 = arith.cmpi eq, %iota3A, %eq3A_212 : vector<16xi32>
      %broadcast_in_dim3A_214 = vector.broadcast %squeeze3A_210 : f32 to vector<16xf32>
      %select_n3A_215 = arith.select %eq3A_213, %broadcast_in_dim3A_214, %select_n3A_203 : vector<16xi1>, vector<16xf32>
      %get3A_216 = arith.constant 0 : index
      %get3A_217 = tpu.vector_load %arg10[%get3A_216] {strides = array<i32>} : memref<16xf32, #tpu.memory_space<vmem>>, vector<16xf32>,
      %get3A_218 = vector.shape_cast %get3A_217 : vector<16xf32> to vector<16xf32>
      %sign3A = tpu.bitcast %select_n3A_215 : vector<16xf32> -> vector<16xi32>
      %sign3A_219 = arith.constant -2147483648 : i32
      %sign3A_220 = vector.broadcast %sign3A_219 : i32 to vector<16xi32>
      %sign3A_221 = arith.andi %sign3A, %sign3A_220 : vector<16xi32>
      %sign3A_222 = arith.constant 1065353216 : i32
      %sign3A_223 = vector.broadcast %sign3A_222 : i32 to vector<16xi32>
      %sign3A_224 = arith.ori %sign3A_223, %sign3A_221 : vector<16xi32>
      %sign3A_225 = tpu.bitcast %sign3A_224 : vector<16xi32> -> vector<16xf32>
      %sign3A_226 = math.absf %select_n3A_215 : vector<16xf32>
      %sign3A_227 = arith.constant 0.000000e+00 : f32
      %sign3A_228 = vector.broadcast %sign3A_227 : f32 to vector<16xf32>
      %sign3A_229 = arith.cmpf ogt, %sign3A_226, %sign3A_228 : vector<16xf32>
      %sign3A_230 = arith.select %sign3A_229, %sign3A_225, %select_n3A_215 : vector<16xi1>, vector<16xf32>
      %mul3A_231 = arith.mulf %get3A_218, %sign3A_230 : vector<16xf32>
      %slice3A_232 = vector.extract_strided_slice %get3A_23 {offsets = [0], sizes = [1], strides = [1]} : vector<16xi32> to vector<1xi32>
      %squeeze3A_233 = vector.extract %slice3A_232[0] : i32 from vector<1xi32>
      %slice3A_234 = vector.extract_strided_slice %mul3A_231 {offsets = [0], sizes = [1], strides = [1]} : vector<16xf32> to vector<1xf32>
      %squeeze3A_235 = vector.extract %slice3A_234[0] : f32 from vector<1xf32>
      %eq3A_236 = vector.broadcast %squeeze3A_233 : i32 to vector<16xi32>
      %eq3A_237 = arith.cmpi eq, %get3A_23, %eq3A_236 : vector<16xi32>
      %jit3A = arith.constant 0.000000e+00 : f32
      %broadcast_in_dim3A_238 = vector.broadcast %squeeze3A_235 : f32 to vector<16xf32>
      %broadcast_in_dim3A_239 = vector.broadcast %jit3A : f32 to vector<16xf32>
      %select_n3A_240 = arith.select %eq3A_237, %broadcast_in_dim3A_238, %broadcast_in_dim3A_239 : vector<16xi1>, vector<16xf32>
      %add3A_241 = arith.addf %select_n3A_215, %select_n3A_240 : vector<16xf32>
      %slice3A_242 = vector.extract_strided_slice %get3A_23 {offsets = [1], sizes = [1], strides = [1]} : vector<16xi32> to vector<1xi32>
      %squeeze3A_243 = vector.extract %slice3A_242[0] : i32 from vector<1xi32>
      %slice3A_244 = vector.extract_strided_slice %mul3A_231 {offsets = [1], sizes = [1], strides = [1]} : vector<16xf32> to vector<1xf32>
      %squeeze3A_245 = vector.extract %slice3A_244[0] : f32 from vector<1xf32>
      %eq3A_246 = vector.broadcast %squeeze3A_243 : i32 to vector<16xi32>
      %eq3A_247 = arith.cmpi eq, %get3A_23, %eq3A_246 : vector<16xi32>
      %jit3A_248 = arith.constant 0.000000e+00 : f32
      %broadcast_in_dim3A_249 = vector.broadcast %squeeze3A_245 : f32 to vector<16xf32>
      %broadcast_in_dim3A_250 = vector.broadcast %jit3A_248 : f32 to vector<16xf32>
      %select_n3A_251 = arith.select %eq3A_247, %broadcast_in_dim3A_249, %broadcast_in_dim3A_250 : vector<16xi1>, vector<16xf32>
      %add3A_252 = arith.addf %add3A_241, %select_n3A_251 : vector<16xf32>
      %slice3A_253 = vector.extract_strided_slice %get3A_23 {offsets = [2], sizes = [1], strides = [1]} : vector<16xi32> to vector<1xi32>
      %squeeze3A_254 = vector.extract %slice3A_253[0] : i32 from vector<1xi32>
      %slice3A_255 = vector.extract_strided_slice %mul3A_231 {offsets = [2], sizes = [1], strides = [1]} : vector<16xf32> to vector<1xf32>
      %squeeze3A_256 = vector.extract %slice3A_255[0] : f32 from vector<1xf32>
      %eq3A_257 = vector.broadcast %squeeze3A_254 : i32 to vector<16xi32>
      %eq3A_258 = arith.cmpi eq, %get3A_23, %eq3A_257 : vector<16xi32>
      %jit3A_259 = arith.constant 0.000000e+00 : f32
      %broadcast_in_dim3A_260 = vector.broadcast %squeeze3A_256 : f32 to vector<16xf32>
      %broadcast_in_dim3A_261 = vector.broadcast %jit3A_259 : f32 to vector<16xf32>
      %select_n3A_262 = arith.select %eq3A_258, %broadcast_in_dim3A_260, %broadcast_in_dim3A_261 : vector<16xi1>, vector<16xf32>
      %add3A_263 = arith.addf %add3A_252, %select_n3A_262 : vector<16xf32>
      %slice3A_264 = vector.extract_strided_slice %get3A_23 {offsets = [3], sizes = [1], strides = [1]} : vector<16xi32> to vector<1xi32>
      %squeeze3A_265 = vector.extract %slice3A_264[0] : i32 from vector<1xi32>
      %slice3A_266 = vector.extract_strided_slice %mul3A_231 {offsets = [3], sizes = [1], strides = [1]} : vector<16xf32> to vector<1xf32>
      %squeeze3A_267 = vector.extract %slice3A_266[0] : f32 from vector<1xf32>
      %eq3A_268 = vector.broadcast %squeeze3A_265 : i32 to vector<16xi32>
      %eq3A_269 = arith.cmpi eq, %get3A_23, %eq3A_268 : vector<16xi32>
      %jit3A_270 = arith.constant 0.000000e+00 : f32
      %broadcast_in_dim3A_271 = vector.broadcast %squeeze3A_267 : f32 to vector<16xf32>
      %broadcast_in_dim3A_272 = vector.broadcast %jit3A_270 : f32 to vector<16xf32>
      %select_n3A_273 = arith.select %eq3A_269, %broadcast_in_dim3A_271, %broadcast_in_dim3A_272 : vector<16xi1>, vector<16xf32>
      %add3A_274 = arith.addf %add3A_263, %select_n3A_273 : vector<16xf32>
      %slice3A_275 = vector.extract_strided_slice %get3A_23 {offsets = [4], sizes = [1], strides = [1]} : vector<16xi32> to vector<1xi32>
      %squeeze3A_276 = vector.extract %slice3A_275[0] : i32 from vector<1xi32>
      %slice3A_277 = vector.extract_strided_slice %mul3A_231 {offsets = [4], sizes = [1], strides = [1]} : vector<16xf32> to vector<1xf32>
      %squeeze3A_278 = vector.extract %slice3A_277[0] : f32 from vector<1xf32>
      %eq3A_279 = vector.broadcast %squeeze3A_276 : i32 to vector<16xi32>
      %eq3A_280 = arith.cmpi eq, %get3A_23, %eq3A_279 : vector<16xi32>
      %jit3A_281 = arith.constant 0.000000e+00 : f32
      %broadcast_in_dim3A_282 = vector.broadcast %squeeze3A_278 : f32 to vector<16xf32>
      %broadcast_in_dim3A_283 = vector.broadcast %jit3A_281 : f32 to vector<16xf32>
      %select_n3A_284 = arith.select %eq3A_280, %broadcast_in_dim3A_282, %broadcast_in_dim3A_283 : vector<16xi1>, vector<16xf32>
      %add3A_285 = arith.addf %add3A_274, %select_n3A_284 : vector<16xf32>
      %slice3A_286 = vector.extract_strided_slice %get3A_23 {offsets = [5], sizes = [1], strides = [1]} : vector<16xi32> to vector<1xi32>
      %squeeze3A_287 = vector.extract %slice3A_286[0] : i32 from vector<1xi32>
      %slice3A_288 = vector.extract_strided_slice %mul3A_231 {offsets = [5], sizes = [1], strides = [1]} : vector<16xf32> to vector<1xf32>
      %squeeze3A_289 = vector.extract %slice3A_288[0] : f32 from vector<1xf32>
      %eq3A_290 = vector.broadcast %squeeze3A_287 : i32 to vector<16xi32>
      %eq3A_291 = arith.cmpi eq, %get3A_23, %eq3A_290 : vector<16xi32>
      %jit3A_292 = arith.constant 0.000000e+00 : f32
      %broadcast_in_dim3A_293 = vector.broadcast %squeeze3A_289 : f32 to vector<16xf32>
      %broadcast_in_dim3A_294 = vector.broadcast %jit3A_292 : f32 to vector<16xf32>
      %select_n3A_295 = arith.select %eq3A_291, %broadcast_in_dim3A_293, %broadcast_in_dim3A_294 : vector<16xi1>, vector<16xf32>
      %add3A_296 = arith.addf %add3A_285, %select_n3A_295 : vector<16xf32>
      %slice3A_297 = vector.extract_strided_slice %get3A_23 {offsets = [6], sizes = [1], strides = [1]} : vector<16xi32> to vector<1xi32>
      %squeeze3A_298 = vector.extract %slice3A_297[0] : i32 from vector<1xi32>
      %slice3A_299 = vector.extract_strided_slice %mul3A_231 {offsets = [6], sizes = [1], strides = [1]} : vector<16xf32> to vector<1xf32>
      %squeeze3A_300 = vector.extract %slice3A_299[0] : f32 from vector<1xf32>
      %eq3A_301 = vector.broadcast %squeeze3A_298 : i32 to vector<16xi32>
      %eq3A_302 = arith.cmpi eq, %get3A_23, %eq3A_301 : vector<16xi32>
      %jit3A_303 = arith.constant 0.000000e+00 : f32
      %broadcast_in_dim3A_304 = vector.broadcast %squeeze3A_300 : f32 to vector<16xf32>
      %broadcast_in_dim3A_305 = vector.broadcast %jit3A_303 : f32 to vector<16xf32>
      %select_n3A_306 = arith.select %eq3A_302, %broadcast_in_dim3A_304, %broadcast_in_dim3A_305 : vector<16xi1>, vector<16xf32>
      %add3A_307 = arith.addf %add3A_296, %select_n3A_306 : vector<16xf32>
      %slice3A_308 = vector.extract_strided_slice %get3A_23 {offsets = [7], sizes = [1], strides = [1]} : vector<16xi32> to vector<1xi32>
      %squeeze3A_309 = vector.extract %slice3A_308[0] : i32 from vector<1xi32>
      %slice3A_310 = vector.extract_strided_slice %mul3A_231 {offsets = [7], sizes = [1], strides = [1]} : vector<16xf32> to vector<1xf32>
      %squeeze3A_311 = vector.extract %slice3A_310[0] : f32 from vector<1xf32>
      %eq3A_312 = vector.broadcast %squeeze3A_309 : i32 to vector<16xi32>
      %eq3A_313 = arith.cmpi eq, %get3A_23, %eq3A_312 : vector<16xi32>
      %jit3A_314 = arith.constant 0.000000e+00 : f32
      %broadcast_in_dim3A_315 = vector.broadcast %squeeze3A_311 : f32 to vector<16xf32>
      %broadcast_in_dim3A_316 = vector.broadcast %jit3A_314 : f32 to vector<16xf32>
      %select_n3A_317 = arith.select %eq3A_313, %broadcast_in_dim3A_315, %broadcast_in_dim3A_316 : vector<16xi1>, vector<16xf32>
      %add3A_318 = arith.addf %add3A_307, %select_n3A_317 : vector<16xf32>
      %slice3A_319 = vector.extract_strided_slice %get3A_23 {offsets = [8], sizes = [1], strides = [1]} : vector<16xi32> to vector<1xi32>
      %squeeze3A_320 = vector.extract %slice3A_319[0] : i32 from vector<1xi32>
      %slice3A_321 = vector.extract_strided_slice %mul3A_231 {offsets = [8], sizes = [1], strides = [1]} : vector<16xf32> to vector<1xf32>
      %squeeze3A_322 = vector.extract %slice3A_321[0] : f32 from vector<1xf32>
      %eq3A_323 = vector.broadcast %squeeze3A_320 : i32 to vector<16xi32>
      %eq3A_324 = arith.cmpi eq, %get3A_23, %eq3A_323 : vector<16xi32>
      %jit3A_325 = arith.constant 0.000000e+00 : f32
      %broadcast_in_dim3A_326 = vector.broadcast %squeeze3A_322 : f32 to vector<16xf32>
      %broadcast_in_dim3A_327 = vector.broadcast %jit3A_325 : f32 to vector<16xf32>
      %select_n3A_328 = arith.select %eq3A_324, %broadcast_in_dim3A_326, %broadcast_in_dim3A_327 : vector<16xi1>, vector<16xf32>
      %add3A_329 = arith.addf %add3A_318, %select_n3A_328 : vector<16xf32>
      %slice3A_330 = vector.extract_strided_slice %get3A_23 {offsets = [9], sizes = [1], strides = [1]} : vector<16xi32> to vector<1xi32>
      %squeeze3A_331 = vector.extract %slice3A_330[0] : i32 from vector<1xi32>
      %slice3A_332 = vector.extract_strided_slice %mul3A_231 {offsets = [9], sizes = [1], strides = [1]} : vector<16xf32> to vector<1xf32>
      %squeeze3A_333 = vector.extract %slice3A_332[0] : f32 from vector<1xf32>
      %eq3A_334 = vector.broadcast %squeeze3A_331 : i32 to vector<16xi32>
      %eq3A_335 = arith.cmpi eq, %get3A_23, %eq3A_334 : vector<16xi32>
      %jit3A_336 = arith.constant 0.000000e+00 : f32
      %broadcast_in_dim3A_337 = vector.broadcast %squeeze3A_333 : f32 to vector<16xf32>
      %broadcast_in_dim3A_338 = vector.broadcast %jit3A_336 : f32 to vector<16xf32>
      %select_n3A_339 = arith.select %eq3A_335, %broadcast_in_dim3A_337, %broadcast_in_dim3A_338 : vector<16xi1>, vector<16xf32>
      %add3A_340 = arith.addf %add3A_329, %select_n3A_339 : vector<16xf32>
      %slice3A_341 = vector.extract_strided_slice %get3A_23 {offsets = [10], sizes = [1], strides = [1]} : vector<16xi32> to vector<1xi32>
      %squeeze3A_342 = vector.extract %slice3A_341[0] : i32 from vector<1xi32>
      %slice3A_343 = vector.extract_strided_slice %mul3A_231 {offsets = [10], sizes = [1], strides = [1]} : vector<16xf32> to vector<1xf32>
      %squeeze3A_344 = vector.extract %slice3A_343[0] : f32 from vector<1xf32>
      %eq3A_345 = vector.broadcast %squeeze3A_342 : i32 to vector<16xi32>
      %eq3A_346 = arith.cmpi eq, %get3A_23, %eq3A_345 : vector<16xi32>
      %jit3A_347 = arith.constant 0.000000e+00 : f32
      %broadcast_in_dim3A_348 = vector.broadcast %squeeze3A_344 : f32 to vector<16xf32>
      %broadcast_in_dim3A_349 = vector.broadcast %jit3A_347 : f32 to vector<16xf32>
      %select_n3A_350 = arith.select %eq3A_346, %broadcast_in_dim3A_348, %broadcast_in_dim3A_349 : vector<16xi1>, vector<16xf32>
      %add3A_351 = arith.addf %add3A_340, %select_n3A_350 : vector<16xf32>
      %slice3A_352 = vector.extract_strided_slice %get3A_23 {offsets = [11], sizes = [1], strides = [1]} : vector<16xi32> to vector<1xi32>
      %squeeze3A_353 = vector.extract %slice3A_352[0] : i32 from vector<1xi32>
      %slice3A_354 = vector.extract_strided_slice %mul3A_231 {offsets = [11], sizes = [1], strides = [1]} : vector<16xf32> to vector<1xf32>
      %squeeze3A_355 = vector.extract %slice3A_354[0] : f32 from vector<1xf32>
      %eq3A_356 = vector.broadcast %squeeze3A_353 : i32 to vector<16xi32>
      %eq3A_357 = arith.cmpi eq, %get3A_23, %eq3A_356 : vector<16xi32>
      %jit3A_358 = arith.constant 0.000000e+00 : f32
      %broadcast_in_dim3A_359 = vector.broadcast %squeeze3A_355 : f32 to vector<16xf32>
      %broadcast_in_dim3A_360 = vector.broadcast %jit3A_358 : f32 to vector<16xf32>
      %select_n3A_361 = arith.select %eq3A_357, %broadcast_in_dim3A_359, %broadcast_in_dim3A_360 : vector<16xi1>, vector<16xf32>
      %add3A_362 = arith.addf %add3A_351, %select_n3A_361 : vector<16xf32>
      %slice3A_363 = vector.extract_strided_slice %get3A_23 {offsets = [12], sizes = [1], strides = [1]} : vector<16xi32> to vector<1xi32>
      %squeeze3A_364 = vector.extract %slice3A_363[0] : i32 from vector<1xi32>
      %slice3A_365 = vector.extract_strided_slice %mul3A_231 {offsets = [12], sizes = [1], strides = [1]} : vector<16xf32> to vector<1xf32>
      %squeeze3A_366 = vector.extract %slice3A_365[0] : f32 from vector<1xf32>
      %eq3A_367 = vector.broadcast %squeeze3A_364 : i32 to vector<16xi32>
      %eq3A_368 = arith.cmpi eq, %get3A_23, %eq3A_367 : vector<16xi32>
      %jit3A_369 = arith.constant 0.000000e+00 : f32
      %broadcast_in_dim3A_370 = vector.broadcast %squeeze3A_366 : f32 to vector<16xf32>
      %broadcast_in_dim3A_371 = vector.broadcast %jit3A_369 : f32 to vector<16xf32>
      %select_n3A_372 = arith.select %eq3A_368, %broadcast_in_dim3A_370, %broadcast_in_dim3A_371 : vector<16xi1>, vector<16xf32>
      %add3A_373 = arith.addf %add3A_362, %select_n3A_372 : vector<16xf32>
      %slice3A_374 = vector.extract_strided_slice %get3A_23 {offsets = [13], sizes = [1], strides = [1]} : vector<16xi32> to vector<1xi32>
      %squeeze3A_375 = vector.extract %slice3A_374[0] : i32 from vector<1xi32>
      %slice3A_376 = vector.extract_strided_slice %mul3A_231 {offsets = [13], sizes = [1], strides = [1]} : vector<16xf32> to vector<1xf32>
      %squeeze3A_377 = vector.extract %slice3A_376[0] : f32 from vector<1xf32>
      %eq3A_378 = vector.broadcast %squeeze3A_375 : i32 to vector<16xi32>
      %eq3A_379 = arith.cmpi eq, %get3A_23, %eq3A_378 : vector<16xi32>
      %jit3A_380 = arith.constant 0.000000e+00 : f32
      %broadcast_in_dim3A_381 = vector.broadcast %squeeze3A_377 : f32 to vector<16xf32>
      %broadcast_in_dim3A_382 = vector.broadcast %jit3A_380 : f32 to vector<16xf32>
      %select_n3A_383 = arith.select %eq3A_379, %broadcast_in_dim3A_381, %broadcast_in_dim3A_382 : vector<16xi1>, vector<16xf32>
      %add3A_384 = arith.addf %add3A_373, %select_n3A_383 : vector<16xf32>
      %slice3A_385 = vector.extract_strided_slice %get3A_23 {offsets = [14], sizes = [1], strides = [1]} : vector<16xi32> to vector<1xi32>
      %squeeze3A_386 = vector.extract %slice3A_385[0] : i32 from vector<1xi32>
      %slice3A_387 = vector.extract_strided_slice %mul3A_231 {offsets = [14], sizes = [1], strides = [1]} : vector<16xf32> to vector<1xf32>
      %squeeze3A_388 = vector.extract %slice3A_387[0] : f32 from vector<1xf32>
      %eq3A_389 = vector.broadcast %squeeze3A_386 : i32 to vector<16xi32>
      %eq3A_390 = arith.cmpi eq, %get3A_23, %eq3A_389 : vector<16xi32>
      %jit3A_391 = arith.constant 0.000000e+00 : f32
      %broadcast_in_dim3A_392 = vector.broadcast %squeeze3A_388 : f32 to vector<16xf32>
      %broadcast_in_dim3A_393 = vector.broadcast %jit3A_391 : f32 to vector<16xf32>
      %select_n3A_394 = arith.select %eq3A_390, %broadcast_in_dim3A_392, %broadcast_in_dim3A_393 : vector<16xi1>, vector<16xf32>
      %add3A_395 = arith.addf %add3A_384, %select_n3A_394 : vector<16xf32>
      %slice3A_396 = vector.extract_strided_slice %get3A_23 {offsets = [15], sizes = [1], strides = [1]} : vector<16xi32> to vector<1xi32>
      %squeeze3A_397 = vector.extract %slice3A_396[0] : i32 from vector<1xi32>
      %slice3A_398 = vector.extract_strided_slice %mul3A_231 {offsets = [15], sizes = [1], strides = [1]} : vector<16xf32> to vector<1xf32>
      %squeeze3A_399 = vector.extract %slice3A_398[0] : f32 from vector<1xf32>
      %eq3A_400 = vector.broadcast %squeeze3A_397 : i32 to vector<16xi32>
      %eq3A_401 = arith.cmpi eq, %get3A_23, %eq3A_400 : vector<16xi32>
      %jit3A_402 = arith.constant 0.000000e+00 : f32
      %broadcast_in_dim3A_403 = vector.broadcast %squeeze3A_399 : f32 to vector<16xf32>
      %broadcast_in_dim3A_404 = vector.broadcast %jit3A_402 : f32 to vector<16xf32>
      %select_n3A_405 = arith.select %eq3A_401, %broadcast_in_dim3A_403, %broadcast_in_dim3A_404 : vector<16xi1>, vector<16xf32>
      %add3A_406 = arith.addf %add3A_395, %select_n3A_405 : vector<16xf32>
      %swap3A = arith.constant 0 : index
      %swap3A_407 = tpu.vector_load %arg11[%swap3A] {strides = array<i32>} : memref<16xf32, #tpu.memory_space<vmem>>, vector<16xf32>,
      %swap3A_408 = vector.shape_cast %swap3A_407 : vector<16xf32> to vector<16xf32>
      %swap3A_409 = vector.shape_cast %add3A_406 : vector<16xf32> to vector<16xf32>
      tpu.vector_store %arg11[%swap3A], %swap3A_409 {strides = array<i32>} : memref<16xf32, #tpu.memory_space<vmem>>, vector<16xf32>,
      %run_scoped3A_410 = arith.constant 2 : i32
      "tpu.region"() ({
        %run_scoped3A_411 = tpu.sem_alloc : memref<!tpu.dma_semaphore, #tpu.memory_space<semaphore_mem>>
        %dma_start3A = arith.constant 0 : i32
        %dma_start3A_412 = tpu.memref_slice %arg6[%run_scoped3A_410, %dma_start3A] : memref<4x16xf32, #tpu.memory_space<hbm>> -> memref<1x16xf32, #tpu.memory_space<hbm>>
        %dma_start3A_413 = tpu.memref_squeeze %dma_start3A_412 : memref<1x16xf32, #tpu.memory_space<hbm>> -> memref<16xf32, #tpu.memory_space<hbm>>
        %dma_start3A_414 = arith.constant 0 : i32
        %dma_start3A_415 = tpu.memref_slice %arg6[%run_scoped3A_410, %dma_start3A_414] : memref<4x16xf32, #tpu.memory_space<hbm>> -> memref<1x16xf32, #tpu.memory_space<hbm>>
        %dma_start3A_416 = tpu.memref_squeeze %dma_start3A_415 : memref<1x16xf32, #tpu.memory_space<hbm>> -> memref<16xf32, #tpu.memory_space<hbm>>
        tpu.enqueue_dma source(%arg11 : memref<16xf32, #tpu.memory_space<vmem>>) target(%dma_start3A_416 : memref<16xf32, #tpu.memory_space<hbm>>) target_semaphore(%run_scoped3A_411 : memref<!tpu.dma_semaphore, #tpu.memory_space<semaphore_mem>>)
        %dma_wait3A = arith.constant 0 : i32
        %dma_wait3A_417 = tpu.memref_slice %arg6[%run_scoped3A_410, %dma_wait3A] : memref<4x16xf32, #tpu.memory_space<hbm>> -> memref<1x16xf32, #tpu.memory_space<hbm>>
        %dma_wait3A_418 = tpu.memref_squeeze %dma_wait3A_417 : memref<1x16xf32, #tpu.memory_space<hbm>> -> memref<16xf32, #tpu.memory_space<hbm>>
        %dma_wait3A_419 = arith.constant 0 : i32
        %dma_wait3A_420 = tpu.memref_slice %arg6[%run_scoped3A_410, %dma_wait3A_419] : memref<4x16xf32, #tpu.memory_space<hbm>> -> memref<1x16xf32, #tpu.memory_space<hbm>>
        %dma_wait3A_421 = tpu.memref_squeeze %dma_wait3A_420 : memref<1x16xf32, #tpu.memory_space<hbm>> -> memref<16xf32, #tpu.memory_space<hbm>>
        tpu.wait_dma2 semaphore(%run_scoped3A_411 : memref<!tpu.dma_semaphore, #tpu.memory_space<semaphore_mem>>) src(%arg11 : memref<16xf32, #tpu.memory_space<vmem>>) dst(%dma_wait3A_421 : memref<16xf32, #tpu.memory_space<hbm>>)
        tpu.yield
      }) : () -> ()
    } else {
    }
    %eq3A_13 = arith.constant 3 : i32
    %eq3A_14 = arith.cmpi eq, %add3A, %eq3A_13 : i32
    %convert_element_type3A_15 = arith.extui %eq3A_14 : i1 to i32
    %cond3A_16 = arith.constant 0 : i32
    %cond3A_17 = arith.cmpi ne, %convert_element_type3A_15, %cond3A_16 : i32
    scf.if %cond3A_17 {
      "tpu.region"() ({
        %run_scoped3A_411 = tpu.sem_alloc : memref<!tpu.dma_semaphore, #tpu.memory_space<semaphore_mem>>
        tpu.enqueue_dma source(%arg3 : memref<16xi32, #tpu.memory_space<hbm>>) target(%arg7 : memref<16xi32, #tpu.memory_space<vmem>>) target_semaphore(%run_scoped3A_411 : memref<!tpu.dma_semaphore, #tpu.memory_space<semaphore_mem>>)
        tpu.wait_dma2 semaphore(%run_scoped3A_411 : memref<!tpu.dma_semaphore, #tpu.memory_space<semaphore_mem>>) src(%arg3 : memref<16xi32, #tpu.memory_space<hbm>>) dst(%arg7 : memref<16xi32, #tpu.memory_space<vmem>>)
        tpu.yield
      }) : () -> ()
      %get3A = arith.constant 0 : index
      %get3A_18 = tpu.vector_load %arg7[%get3A] {strides = array<i32>} : memref<16xi32, #tpu.memory_space<vmem>>, vector<16xi32>,
      %get3A_19 = vector.shape_cast %get3A_18 : vector<16xi32> to vector<16xi32>
      %iota3A = tpu.iota {dimensions = array<i32: 0>} : vector<16xi32>
      %slice3A = vector.extract_strided_slice %get3A_19 {offsets = [3], sizes = [1], strides = [1]} : vector<16xi32> to vector<1xi32>
      %squeeze3A = vector.extract %slice3A[0] : i32 from vector<1xi32>
      "tpu.region"() ({
        %run_scoped3A_411 = tpu.sem_alloc : memref<!tpu.dma_semaphore, #tpu.memory_space<semaphore_mem>>
        %dma_start3A = arith.constant 0 : i32
        %dma_start3A_412 = tpu.memref_slice %arg8[%dma_start3A] : memref<2064xf32, #tpu.memory_space<vmem>> -> memref<2048xf32, #tpu.memory_space<vmem>>
        %dma_start3A_413 = arith.constant 0 : i32
        %dma_start3A_414 = tpu.memref_slice %arg2[%squeeze3A, %dma_start3A_413] : memref<16384x2048xf32, #tpu.memory_space<hbm>> -> memref<1x2048xf32, #tpu.memory_space<hbm>>
        %dma_start3A_415 = tpu.memref_squeeze %dma_start3A_414 : memref<1x2048xf32, #tpu.memory_space<hbm>> -> memref<2048xf32, #tpu.memory_space<hbm>>
        %dma_start3A_416 = arith.constant 0 : i32
        %dma_start3A_417 = tpu.memref_slice %arg8[%dma_start3A_416] : memref<2064xf32, #tpu.memory_space<vmem>> -> memref<2048xf32, #tpu.memory_space<vmem>>
        %dma_start3A_418 = arith.constant 0 : i32
        %dma_start3A_419 = tpu.memref_slice %arg2[%squeeze3A, %dma_start3A_418] : memref<16384x2048xf32, #tpu.memory_space<hbm>> -> memref<1x2048xf32, #tpu.memory_space<hbm>>
        %dma_start3A_420 = tpu.memref_squeeze %dma_start3A_419 : memref<1x2048xf32, #tpu.memory_space<hbm>> -> memref<2048xf32, #tpu.memory_space<hbm>>
        tpu.enqueue_dma source(%dma_start3A_420 : memref<2048xf32, #tpu.memory_space<hbm>>) target(%dma_start3A_417 : memref<2048xf32, #tpu.memory_space<vmem>>) target_semaphore(%run_scoped3A_411 : memref<!tpu.dma_semaphore, #tpu.memory_space<semaphore_mem>>)
        %dma_wait3A = arith.constant 0 : i32
        %dma_wait3A_421 = tpu.memref_slice %arg8[%dma_wait3A] : memref<2064xf32, #tpu.memory_space<vmem>> -> memref<2048xf32, #tpu.memory_space<vmem>>
        %dma_wait3A_422 = arith.constant 0 : i32
        %dma_wait3A_423 = tpu.memref_slice %arg2[%squeeze3A, %dma_wait3A_422] : memref<16384x2048xf32, #tpu.memory_space<hbm>> -> memref<1x2048xf32, #tpu.memory_space<hbm>>
        %dma_wait3A_424 = tpu.memref_squeeze %dma_wait3A_423 : memref<1x2048xf32, #tpu.memory_space<hbm>> -> memref<2048xf32, #tpu.memory_space<hbm>>
        %dma_wait3A_425 = arith.constant 0 : i32
        %dma_wait3A_426 = tpu.memref_slice %arg8[%dma_wait3A_425] : memref<2064xf32, #tpu.memory_space<vmem>> -> memref<2048xf32, #tpu.memory_space<vmem>>
        %dma_wait3A_427 = arith.constant 0 : i32
        %dma_wait3A_428 = tpu.memref_slice %arg2[%squeeze3A, %dma_wait3A_427] : memref<16384x2048xf32, #tpu.memory_space<hbm>> -> memref<1x2048xf32, #tpu.memory_space<hbm>>
        %dma_wait3A_429 = tpu.memref_squeeze %dma_wait3A_428 : memref<1x2048xf32, #tpu.memory_space<hbm>> -> memref<2048xf32, #tpu.memory_space<hbm>>
        tpu.wait_dma2 semaphore(%run_scoped3A_411 : memref<!tpu.dma_semaphore, #tpu.memory_space<semaphore_mem>>) src(%dma_wait3A_429 : memref<2048xf32, #tpu.memory_space<hbm>>) dst(%dma_wait3A_426 : memref<2048xf32, #tpu.memory_space<vmem>>)
        tpu.yield
      }) : () -> ()
      %run_scoped3A = arith.constant 3 : i32
      "tpu.region"() ({
        %run_scoped3A_411 = tpu.sem_alloc : memref<!tpu.dma_semaphore, #tpu.memory_space<semaphore_mem>>
        %dma_start3A = arith.constant 0 : i32
        %dma_start3A_412 = tpu.memref_slice %arg4[%run_scoped3A, %dma_start3A] : memref<4x16xi32, #tpu.memory_space<hbm>> -> memref<1x16xi32, #tpu.memory_space<hbm>>
        %dma_start3A_413 = tpu.memref_squeeze %dma_start3A_412 : memref<1x16xi32, #tpu.memory_space<hbm>> -> memref<16xi32, #tpu.memory_space<hbm>>
        %dma_start3A_414 = arith.constant 0 : i32
        %dma_start3A_415 = tpu.memref_slice %arg4[%run_scoped3A, %dma_start3A_414] : memref<4x16xi32, #tpu.memory_space<hbm>> -> memref<1x16xi32, #tpu.memory_space<hbm>>
        %dma_start3A_416 = tpu.memref_squeeze %dma_start3A_415 : memref<1x16xi32, #tpu.memory_space<hbm>> -> memref<16xi32, #tpu.memory_space<hbm>>
        tpu.enqueue_dma source(%dma_start3A_416 : memref<16xi32, #tpu.memory_space<hbm>>) target(%arg9 : memref<16xi32, #tpu.memory_space<vmem>>) target_semaphore(%run_scoped3A_411 : memref<!tpu.dma_semaphore, #tpu.memory_space<semaphore_mem>>)
        %dma_wait3A = arith.constant 0 : i32
        %dma_wait3A_417 = tpu.memref_slice %arg4[%run_scoped3A, %dma_wait3A] : memref<4x16xi32, #tpu.memory_space<hbm>> -> memref<1x16xi32, #tpu.memory_space<hbm>>
        %dma_wait3A_418 = tpu.memref_squeeze %dma_wait3A_417 : memref<1x16xi32, #tpu.memory_space<hbm>> -> memref<16xi32, #tpu.memory_space<hbm>>
        %dma_wait3A_419 = arith.constant 0 : i32
        %dma_wait3A_420 = tpu.memref_slice %arg4[%run_scoped3A, %dma_wait3A_419] : memref<4x16xi32, #tpu.memory_space<hbm>> -> memref<1x16xi32, #tpu.memory_space<hbm>>
        %dma_wait3A_421 = tpu.memref_squeeze %dma_wait3A_420 : memref<1x16xi32, #tpu.memory_space<hbm>> -> memref<16xi32, #tpu.memory_space<hbm>>
        tpu.wait_dma2 semaphore(%run_scoped3A_411 : memref<!tpu.dma_semaphore, #tpu.memory_space<semaphore_mem>>) src(%dma_wait3A_421 : memref<16xi32, #tpu.memory_space<hbm>>) dst(%arg9 : memref<16xi32, #tpu.memory_space<vmem>>)
        tpu.yield
      }) : () -> ()
      %run_scoped3A_20 = arith.constant 3 : i32
      "tpu.region"() ({
        %run_scoped3A_411 = tpu.sem_alloc : memref<!tpu.dma_semaphore, #tpu.memory_space<semaphore_mem>>
        %dma_start3A = arith.constant 0 : i32
        %dma_start3A_412 = tpu.memref_slice %arg5[%run_scoped3A_20, %dma_start3A] : memref<4x16xf32, #tpu.memory_space<hbm>> -> memref<1x16xf32, #tpu.memory_space<hbm>>
        %dma_start3A_413 = tpu.memref_squeeze %dma_start3A_412 : memref<1x16xf32, #tpu.memory_space<hbm>> -> memref<16xf32, #tpu.memory_space<hbm>>
        %dma_start3A_414 = arith.constant 0 : i32
        %dma_start3A_415 = tpu.memref_slice %arg5[%run_scoped3A_20, %dma_start3A_414] : memref<4x16xf32, #tpu.memory_space<hbm>> -> memref<1x16xf32, #tpu.memory_space<hbm>>
        %dma_start3A_416 = tpu.memref_squeeze %dma_start3A_415 : memref<1x16xf32, #tpu.memory_space<hbm>> -> memref<16xf32, #tpu.memory_space<hbm>>
        tpu.enqueue_dma source(%dma_start3A_416 : memref<16xf32, #tpu.memory_space<hbm>>) target(%arg10 : memref<16xf32, #tpu.memory_space<vmem>>) target_semaphore(%run_scoped3A_411 : memref<!tpu.dma_semaphore, #tpu.memory_space<semaphore_mem>>)
        %dma_wait3A = arith.constant 0 : i32
        %dma_wait3A_417 = tpu.memref_slice %arg5[%run_scoped3A_20, %dma_wait3A] : memref<4x16xf32, #tpu.memory_space<hbm>> -> memref<1x16xf32, #tpu.memory_space<hbm>>
        %dma_wait3A_418 = tpu.memref_squeeze %dma_wait3A_417 : memref<1x16xf32, #tpu.memory_space<hbm>> -> memref<16xf32, #tpu.memory_space<hbm>>
        %dma_wait3A_419 = arith.constant 0 : i32
        %dma_wait3A_420 = tpu.memref_slice %arg5[%run_scoped3A_20, %dma_wait3A_419] : memref<4x16xf32, #tpu.memory_space<hbm>> -> memref<1x16xf32, #tpu.memory_space<hbm>>
        %dma_wait3A_421 = tpu.memref_squeeze %dma_wait3A_420 : memref<1x16xf32, #tpu.memory_space<hbm>> -> memref<16xf32, #tpu.memory_space<hbm>>
        tpu.wait_dma2 semaphore(%run_scoped3A_411 : memref<!tpu.dma_semaphore, #tpu.memory_space<semaphore_mem>>) src(%dma_wait3A_421 : memref<16xf32, #tpu.memory_space<hbm>>) dst(%arg10 : memref<16xf32, #tpu.memory_space<vmem>>)
        tpu.yield
      }) : () -> ()
      %get3A_21 = arith.constant 0 : index
      %get3A_22 = tpu.vector_load %arg9[%get3A_21] {strides = array<i32>} : memref<16xi32, #tpu.memory_space<vmem>>, vector<16xi32>,
      %get3A_23 = vector.shape_cast %get3A_22 : vector<16xi32> to vector<16xi32>
      %broadcast_in_dim3A = arith.constant 0.000000e+00 : f32
      %broadcast_in_dim3A_24 = vector.broadcast %broadcast_in_dim3A : f32 to vector<16xf32>
      %slice3A_25 = vector.extract_strided_slice %get3A_23 {offsets = [0], sizes = [1], strides = [1]} : vector<16xi32> to vector<1xi32>
      %squeeze3A_26 = vector.extract %slice3A_25[0] : i32 from vector<1xi32>
      %get3A_27 = arith.index_cast %squeeze3A_26 : i32 to index
      %get3A_28 = tpu.vector_load %arg8[%get3A_27] {strides = array<i32>} : memref<2064xf32, #tpu.memory_space<vmem>>, vector<16xf32>,
      %get3A_29 = vector.shape_cast %get3A_28 : vector<16xf32> to vector<16xf32>
      %slice3A_30 = vector.extract_strided_slice %get3A_29 {offsets = [0], sizes = [1], strides = [1]} : vector<16xf32> to vector<1xf32>
      %squeeze3A_31 = vector.extract %slice3A_30[0] : f32 from vector<1xf32>
      %eq3A_32 = arith.constant 0 : i32
      %eq3A_33 = vector.broadcast %eq3A_32 : i32 to vector<16xi32>
      %eq3A_34 = arith.cmpi eq, %iota3A, %eq3A_33 : vector<16xi32>
      %broadcast_in_dim3A_35 = vector.broadcast %squeeze3A_31 : f32 to vector<16xf32>
      %select_n3A = arith.select %eq3A_34, %broadcast_in_dim3A_35, %broadcast_in_dim3A_24 : vector<16xi1>, vector<16xf32>
      %slice3A_36 = vector.extract_strided_slice %get3A_23 {offsets = [1], sizes = [1], strides = [1]} : vector<16xi32> to vector<1xi32>
      %squeeze3A_37 = vector.extract %slice3A_36[0] : i32 from vector<1xi32>
      %get3A_38 = arith.index_cast %squeeze3A_37 : i32 to index
      %get3A_39 = tpu.vector_load %arg8[%get3A_38] {strides = array<i32>} : memref<2064xf32, #tpu.memory_space<vmem>>, vector<16xf32>,
      %get3A_40 = vector.shape_cast %get3A_39 : vector<16xf32> to vector<16xf32>
      %slice3A_41 = vector.extract_strided_slice %get3A_40 {offsets = [0], sizes = [1], strides = [1]} : vector<16xf32> to vector<1xf32>
      %squeeze3A_42 = vector.extract %slice3A_41[0] : f32 from vector<1xf32>
      %eq3A_43 = arith.constant 1 : i32
      %eq3A_44 = vector.broadcast %eq3A_43 : i32 to vector<16xi32>
      %eq3A_45 = arith.cmpi eq, %iota3A, %eq3A_44 : vector<16xi32>
      %broadcast_in_dim3A_46 = vector.broadcast %squeeze3A_42 : f32 to vector<16xf32>
      %select_n3A_47 = arith.select %eq3A_45, %broadcast_in_dim3A_46, %select_n3A : vector<16xi1>, vector<16xf32>
      %slice3A_48 = vector.extract_strided_slice %get3A_23 {offsets = [2], sizes = [1], strides = [1]} : vector<16xi32> to vector<1xi32>
      %squeeze3A_49 = vector.extract %slice3A_48[0] : i32 from vector<1xi32>
      %get3A_50 = arith.index_cast %squeeze3A_49 : i32 to index
      %get3A_51 = tpu.vector_load %arg8[%get3A_50] {strides = array<i32>} : memref<2064xf32, #tpu.memory_space<vmem>>, vector<16xf32>,
      %get3A_52 = vector.shape_cast %get3A_51 : vector<16xf32> to vector<16xf32>
      %slice3A_53 = vector.extract_strided_slice %get3A_52 {offsets = [0], sizes = [1], strides = [1]} : vector<16xf32> to vector<1xf32>
      %squeeze3A_54 = vector.extract %slice3A_53[0] : f32 from vector<1xf32>
      %eq3A_55 = arith.constant 2 : i32
      %eq3A_56 = vector.broadcast %eq3A_55 : i32 to vector<16xi32>
      %eq3A_57 = arith.cmpi eq, %iota3A, %eq3A_56 : vector<16xi32>
      %broadcast_in_dim3A_58 = vector.broadcast %squeeze3A_54 : f32 to vector<16xf32>
      %select_n3A_59 = arith.select %eq3A_57, %broadcast_in_dim3A_58, %select_n3A_47 : vector<16xi1>, vector<16xf32>
      %slice3A_60 = vector.extract_strided_slice %get3A_23 {offsets = [3], sizes = [1], strides = [1]} : vector<16xi32> to vector<1xi32>
      %squeeze3A_61 = vector.extract %slice3A_60[0] : i32 from vector<1xi32>
      %get3A_62 = arith.index_cast %squeeze3A_61 : i32 to index
      %get3A_63 = tpu.vector_load %arg8[%get3A_62] {strides = array<i32>} : memref<2064xf32, #tpu.memory_space<vmem>>, vector<16xf32>,
      %get3A_64 = vector.shape_cast %get3A_63 : vector<16xf32> to vector<16xf32>
      %slice3A_65 = vector.extract_strided_slice %get3A_64 {offsets = [0], sizes = [1], strides = [1]} : vector<16xf32> to vector<1xf32>
      %squeeze3A_66 = vector.extract %slice3A_65[0] : f32 from vector<1xf32>
      %eq3A_67 = arith.constant 3 : i32
      %eq3A_68 = vector.broadcast %eq3A_67 : i32 to vector<16xi32>
      %eq3A_69 = arith.cmpi eq, %iota3A, %eq3A_68 : vector<16xi32>
      %broadcast_in_dim3A_70 = vector.broadcast %squeeze3A_66 : f32 to vector<16xf32>
      %select_n3A_71 = arith.select %eq3A_69, %broadcast_in_dim3A_70, %select_n3A_59 : vector<16xi1>, vector<16xf32>
      %slice3A_72 = vector.extract_strided_slice %get3A_23 {offsets = [4], sizes = [1], strides = [1]} : vector<16xi32> to vector<1xi32>
      %squeeze3A_73 = vector.extract %slice3A_72[0] : i32 from vector<1xi32>
      %get3A_74 = arith.index_cast %squeeze3A_73 : i32 to index
      %get3A_75 = tpu.vector_load %arg8[%get3A_74] {strides = array<i32>} : memref<2064xf32, #tpu.memory_space<vmem>>, vector<16xf32>,
      %get3A_76 = vector.shape_cast %get3A_75 : vector<16xf32> to vector<16xf32>
      %slice3A_77 = vector.extract_strided_slice %get3A_76 {offsets = [0], sizes = [1], strides = [1]} : vector<16xf32> to vector<1xf32>
      %squeeze3A_78 = vector.extract %slice3A_77[0] : f32 from vector<1xf32>
      %eq3A_79 = arith.constant 4 : i32
      %eq3A_80 = vector.broadcast %eq3A_79 : i32 to vector<16xi32>
      %eq3A_81 = arith.cmpi eq, %iota3A, %eq3A_80 : vector<16xi32>
      %broadcast_in_dim3A_82 = vector.broadcast %squeeze3A_78 : f32 to vector<16xf32>
      %select_n3A_83 = arith.select %eq3A_81, %broadcast_in_dim3A_82, %select_n3A_71 : vector<16xi1>, vector<16xf32>
      %slice3A_84 = vector.extract_strided_slice %get3A_23 {offsets = [5], sizes = [1], strides = [1]} : vector<16xi32> to vector<1xi32>
      %squeeze3A_85 = vector.extract %slice3A_84[0] : i32 from vector<1xi32>
      %get3A_86 = arith.index_cast %squeeze3A_85 : i32 to index
      %get3A_87 = tpu.vector_load %arg8[%get3A_86] {strides = array<i32>} : memref<2064xf32, #tpu.memory_space<vmem>>, vector<16xf32>,
      %get3A_88 = vector.shape_cast %get3A_87 : vector<16xf32> to vector<16xf32>
      %slice3A_89 = vector.extract_strided_slice %get3A_88 {offsets = [0], sizes = [1], strides = [1]} : vector<16xf32> to vector<1xf32>
      %squeeze3A_90 = vector.extract %slice3A_89[0] : f32 from vector<1xf32>
      %eq3A_91 = arith.constant 5 : i32
      %eq3A_92 = vector.broadcast %eq3A_91 : i32 to vector<16xi32>
      %eq3A_93 = arith.cmpi eq, %iota3A, %eq3A_92 : vector<16xi32>
      %broadcast_in_dim3A_94 = vector.broadcast %squeeze3A_90 : f32 to vector<16xf32>
      %select_n3A_95 = arith.select %eq3A_93, %broadcast_in_dim3A_94, %select_n3A_83 : vector<16xi1>, vector<16xf32>
      %slice3A_96 = vector.extract_strided_slice %get3A_23 {offsets = [6], sizes = [1], strides = [1]} : vector<16xi32> to vector<1xi32>
      %squeeze3A_97 = vector.extract %slice3A_96[0] : i32 from vector<1xi32>
      %get3A_98 = arith.index_cast %squeeze3A_97 : i32 to index
      %get3A_99 = tpu.vector_load %arg8[%get3A_98] {strides = array<i32>} : memref<2064xf32, #tpu.memory_space<vmem>>, vector<16xf32>,
      %get3A_100 = vector.shape_cast %get3A_99 : vector<16xf32> to vector<16xf32>
      %slice3A_101 = vector.extract_strided_slice %get3A_100 {offsets = [0], sizes = [1], strides = [1]} : vector<16xf32> to vector<1xf32>
      %squeeze3A_102 = vector.extract %slice3A_101[0] : f32 from vector<1xf32>
      %eq3A_103 = arith.constant 6 : i32
      %eq3A_104 = vector.broadcast %eq3A_103 : i32 to vector<16xi32>
      %eq3A_105 = arith.cmpi eq, %iota3A, %eq3A_104 : vector<16xi32>
      %broadcast_in_dim3A_106 = vector.broadcast %squeeze3A_102 : f32 to vector<16xf32>
      %select_n3A_107 = arith.select %eq3A_105, %broadcast_in_dim3A_106, %select_n3A_95 : vector<16xi1>, vector<16xf32>
      %slice3A_108 = vector.extract_strided_slice %get3A_23 {offsets = [7], sizes = [1], strides = [1]} : vector<16xi32> to vector<1xi32>
      %squeeze3A_109 = vector.extract %slice3A_108[0] : i32 from vector<1xi32>
      %get3A_110 = arith.index_cast %squeeze3A_109 : i32 to index
      %get3A_111 = tpu.vector_load %arg8[%get3A_110] {strides = array<i32>} : memref<2064xf32, #tpu.memory_space<vmem>>, vector<16xf32>,
      %get3A_112 = vector.shape_cast %get3A_111 : vector<16xf32> to vector<16xf32>
      %slice3A_113 = vector.extract_strided_slice %get3A_112 {offsets = [0], sizes = [1], strides = [1]} : vector<16xf32> to vector<1xf32>
      %squeeze3A_114 = vector.extract %slice3A_113[0] : f32 from vector<1xf32>
      %eq3A_115 = arith.constant 7 : i32
      %eq3A_116 = vector.broadcast %eq3A_115 : i32 to vector<16xi32>
      %eq3A_117 = arith.cmpi eq, %iota3A, %eq3A_116 : vector<16xi32>
      %broadcast_in_dim3A_118 = vector.broadcast %squeeze3A_114 : f32 to vector<16xf32>
      %select_n3A_119 = arith.select %eq3A_117, %broadcast_in_dim3A_118, %select_n3A_107 : vector<16xi1>, vector<16xf32>
      %slice3A_120 = vector.extract_strided_slice %get3A_23 {offsets = [8], sizes = [1], strides = [1]} : vector<16xi32> to vector<1xi32>
      %squeeze3A_121 = vector.extract %slice3A_120[0] : i32 from vector<1xi32>
      %get3A_122 = arith.index_cast %squeeze3A_121 : i32 to index
      %get3A_123 = tpu.vector_load %arg8[%get3A_122] {strides = array<i32>} : memref<2064xf32, #tpu.memory_space<vmem>>, vector<16xf32>,
      %get3A_124 = vector.shape_cast %get3A_123 : vector<16xf32> to vector<16xf32>
      %slice3A_125 = vector.extract_strided_slice %get3A_124 {offsets = [0], sizes = [1], strides = [1]} : vector<16xf32> to vector<1xf32>
      %squeeze3A_126 = vector.extract %slice3A_125[0] : f32 from vector<1xf32>
      %eq3A_127 = arith.constant 8 : i32
      %eq3A_128 = vector.broadcast %eq3A_127 : i32 to vector<16xi32>
      %eq3A_129 = arith.cmpi eq, %iota3A, %eq3A_128 : vector<16xi32>
      %broadcast_in_dim3A_130 = vector.broadcast %squeeze3A_126 : f32 to vector<16xf32>
      %select_n3A_131 = arith.select %eq3A_129, %broadcast_in_dim3A_130, %select_n3A_119 : vector<16xi1>, vector<16xf32>
      %slice3A_132 = vector.extract_strided_slice %get3A_23 {offsets = [9], sizes = [1], strides = [1]} : vector<16xi32> to vector<1xi32>
      %squeeze3A_133 = vector.extract %slice3A_132[0] : i32 from vector<1xi32>
      %get3A_134 = arith.index_cast %squeeze3A_133 : i32 to index
      %get3A_135 = tpu.vector_load %arg8[%get3A_134] {strides = array<i32>} : memref<2064xf32, #tpu.memory_space<vmem>>, vector<16xf32>,
      %get3A_136 = vector.shape_cast %get3A_135 : vector<16xf32> to vector<16xf32>
      %slice3A_137 = vector.extract_strided_slice %get3A_136 {offsets = [0], sizes = [1], strides = [1]} : vector<16xf32> to vector<1xf32>
      %squeeze3A_138 = vector.extract %slice3A_137[0] : f32 from vector<1xf32>
      %eq3A_139 = arith.constant 9 : i32
      %eq3A_140 = vector.broadcast %eq3A_139 : i32 to vector<16xi32>
      %eq3A_141 = arith.cmpi eq, %iota3A, %eq3A_140 : vector<16xi32>
      %broadcast_in_dim3A_142 = vector.broadcast %squeeze3A_138 : f32 to vector<16xf32>
      %select_n3A_143 = arith.select %eq3A_141, %broadcast_in_dim3A_142, %select_n3A_131 : vector<16xi1>, vector<16xf32>
      %slice3A_144 = vector.extract_strided_slice %get3A_23 {offsets = [10], sizes = [1], strides = [1]} : vector<16xi32> to vector<1xi32>
      %squeeze3A_145 = vector.extract %slice3A_144[0] : i32 from vector<1xi32>
      %get3A_146 = arith.index_cast %squeeze3A_145 : i32 to index
      %get3A_147 = tpu.vector_load %arg8[%get3A_146] {strides = array<i32>} : memref<2064xf32, #tpu.memory_space<vmem>>, vector<16xf32>,
      %get3A_148 = vector.shape_cast %get3A_147 : vector<16xf32> to vector<16xf32>
      %slice3A_149 = vector.extract_strided_slice %get3A_148 {offsets = [0], sizes = [1], strides = [1]} : vector<16xf32> to vector<1xf32>
      %squeeze3A_150 = vector.extract %slice3A_149[0] : f32 from vector<1xf32>
      %eq3A_151 = arith.constant 10 : i32
      %eq3A_152 = vector.broadcast %eq3A_151 : i32 to vector<16xi32>
      %eq3A_153 = arith.cmpi eq, %iota3A, %eq3A_152 : vector<16xi32>
      %broadcast_in_dim3A_154 = vector.broadcast %squeeze3A_150 : f32 to vector<16xf32>
      %select_n3A_155 = arith.select %eq3A_153, %broadcast_in_dim3A_154, %select_n3A_143 : vector<16xi1>, vector<16xf32>
      %slice3A_156 = vector.extract_strided_slice %get3A_23 {offsets = [11], sizes = [1], strides = [1]} : vector<16xi32> to vector<1xi32>
      %squeeze3A_157 = vector.extract %slice3A_156[0] : i32 from vector<1xi32>
      %get3A_158 = arith.index_cast %squeeze3A_157 : i32 to index
      %get3A_159 = tpu.vector_load %arg8[%get3A_158] {strides = array<i32>} : memref<2064xf32, #tpu.memory_space<vmem>>, vector<16xf32>,
      %get3A_160 = vector.shape_cast %get3A_159 : vector<16xf32> to vector<16xf32>
      %slice3A_161 = vector.extract_strided_slice %get3A_160 {offsets = [0], sizes = [1], strides = [1]} : vector<16xf32> to vector<1xf32>
      %squeeze3A_162 = vector.extract %slice3A_161[0] : f32 from vector<1xf32>
      %eq3A_163 = arith.constant 11 : i32
      %eq3A_164 = vector.broadcast %eq3A_163 : i32 to vector<16xi32>
      %eq3A_165 = arith.cmpi eq, %iota3A, %eq3A_164 : vector<16xi32>
      %broadcast_in_dim3A_166 = vector.broadcast %squeeze3A_162 : f32 to vector<16xf32>
      %select_n3A_167 = arith.select %eq3A_165, %broadcast_in_dim3A_166, %select_n3A_155 : vector<16xi1>, vector<16xf32>
      %slice3A_168 = vector.extract_strided_slice %get3A_23 {offsets = [12], sizes = [1], strides = [1]} : vector<16xi32> to vector<1xi32>
      %squeeze3A_169 = vector.extract %slice3A_168[0] : i32 from vector<1xi32>
      %get3A_170 = arith.index_cast %squeeze3A_169 : i32 to index
      %get3A_171 = tpu.vector_load %arg8[%get3A_170] {strides = array<i32>} : memref<2064xf32, #tpu.memory_space<vmem>>, vector<16xf32>,
      %get3A_172 = vector.shape_cast %get3A_171 : vector<16xf32> to vector<16xf32>
      %slice3A_173 = vector.extract_strided_slice %get3A_172 {offsets = [0], sizes = [1], strides = [1]} : vector<16xf32> to vector<1xf32>
      %squeeze3A_174 = vector.extract %slice3A_173[0] : f32 from vector<1xf32>
      %eq3A_175 = arith.constant 12 : i32
      %eq3A_176 = vector.broadcast %eq3A_175 : i32 to vector<16xi32>
      %eq3A_177 = arith.cmpi eq, %iota3A, %eq3A_176 : vector<16xi32>
      %broadcast_in_dim3A_178 = vector.broadcast %squeeze3A_174 : f32 to vector<16xf32>
      %select_n3A_179 = arith.select %eq3A_177, %broadcast_in_dim3A_178, %select_n3A_167 : vector<16xi1>, vector<16xf32>
      %slice3A_180 = vector.extract_strided_slice %get3A_23 {offsets = [13], sizes = [1], strides = [1]} : vector<16xi32> to vector<1xi32>
      %squeeze3A_181 = vector.extract %slice3A_180[0] : i32 from vector<1xi32>
      %get3A_182 = arith.index_cast %squeeze3A_181 : i32 to index
      %get3A_183 = tpu.vector_load %arg8[%get3A_182] {strides = array<i32>} : memref<2064xf32, #tpu.memory_space<vmem>>, vector<16xf32>,
      %get3A_184 = vector.shape_cast %get3A_183 : vector<16xf32> to vector<16xf32>
      %slice3A_185 = vector.extract_strided_slice %get3A_184 {offsets = [0], sizes = [1], strides = [1]} : vector<16xf32> to vector<1xf32>
      %squeeze3A_186 = vector.extract %slice3A_185[0] : f32 from vector<1xf32>
      %eq3A_187 = arith.constant 13 : i32
      %eq3A_188 = vector.broadcast %eq3A_187 : i32 to vector<16xi32>
      %eq3A_189 = arith.cmpi eq, %iota3A, %eq3A_188 : vector<16xi32>
      %broadcast_in_dim3A_190 = vector.broadcast %squeeze3A_186 : f32 to vector<16xf32>
      %select_n3A_191 = arith.select %eq3A_189, %broadcast_in_dim3A_190, %select_n3A_179 : vector<16xi1>, vector<16xf32>
      %slice3A_192 = vector.extract_strided_slice %get3A_23 {offsets = [14], sizes = [1], strides = [1]} : vector<16xi32> to vector<1xi32>
      %squeeze3A_193 = vector.extract %slice3A_192[0] : i32 from vector<1xi32>
      %get3A_194 = arith.index_cast %squeeze3A_193 : i32 to index
      %get3A_195 = tpu.vector_load %arg8[%get3A_194] {strides = array<i32>} : memref<2064xf32, #tpu.memory_space<vmem>>, vector<16xf32>,
      %get3A_196 = vector.shape_cast %get3A_195 : vector<16xf32> to vector<16xf32>
      %slice3A_197 = vector.extract_strided_slice %get3A_196 {offsets = [0], sizes = [1], strides = [1]} : vector<16xf32> to vector<1xf32>
      %squeeze3A_198 = vector.extract %slice3A_197[0] : f32 from vector<1xf32>
      %eq3A_199 = arith.constant 14 : i32
      %eq3A_200 = vector.broadcast %eq3A_199 : i32 to vector<16xi32>
      %eq3A_201 = arith.cmpi eq, %iota3A, %eq3A_200 : vector<16xi32>
      %broadcast_in_dim3A_202 = vector.broadcast %squeeze3A_198 : f32 to vector<16xf32>
      %select_n3A_203 = arith.select %eq3A_201, %broadcast_in_dim3A_202, %select_n3A_191 : vector<16xi1>, vector<16xf32>
      %slice3A_204 = vector.extract_strided_slice %get3A_23 {offsets = [15], sizes = [1], strides = [1]} : vector<16xi32> to vector<1xi32>
      %squeeze3A_205 = vector.extract %slice3A_204[0] : i32 from vector<1xi32>
      %get3A_206 = arith.index_cast %squeeze3A_205 : i32 to index
      %get3A_207 = tpu.vector_load %arg8[%get3A_206] {strides = array<i32>} : memref<2064xf32, #tpu.memory_space<vmem>>, vector<16xf32>,
      %get3A_208 = vector.shape_cast %get3A_207 : vector<16xf32> to vector<16xf32>
      %slice3A_209 = vector.extract_strided_slice %get3A_208 {offsets = [0], sizes = [1], strides = [1]} : vector<16xf32> to vector<1xf32>
      %squeeze3A_210 = vector.extract %slice3A_209[0] : f32 from vector<1xf32>
      %eq3A_211 = arith.constant 15 : i32
      %eq3A_212 = vector.broadcast %eq3A_211 : i32 to vector<16xi32>
      %eq3A_213 = arith.cmpi eq, %iota3A, %eq3A_212 : vector<16xi32>
      %broadcast_in_dim3A_214 = vector.broadcast %squeeze3A_210 : f32 to vector<16xf32>
      %select_n3A_215 = arith.select %eq3A_213, %broadcast_in_dim3A_214, %select_n3A_203 : vector<16xi1>, vector<16xf32>
      %get3A_216 = arith.constant 0 : index
      %get3A_217 = tpu.vector_load %arg10[%get3A_216] {strides = array<i32>} : memref<16xf32, #tpu.memory_space<vmem>>, vector<16xf32>,
      %get3A_218 = vector.shape_cast %get3A_217 : vector<16xf32> to vector<16xf32>
      %sign3A = tpu.bitcast %select_n3A_215 : vector<16xf32> -> vector<16xi32>
      %sign3A_219 = arith.constant -2147483648 : i32
      %sign3A_220 = vector.broadcast %sign3A_219 : i32 to vector<16xi32>
      %sign3A_221 = arith.andi %sign3A, %sign3A_220 : vector<16xi32>
      %sign3A_222 = arith.constant 1065353216 : i32
      %sign3A_223 = vector.broadcast %sign3A_222 : i32 to vector<16xi32>
      %sign3A_224 = arith.ori %sign3A_223, %sign3A_221 : vector<16xi32>
      %sign3A_225 = tpu.bitcast %sign3A_224 : vector<16xi32> -> vector<16xf32>
      %sign3A_226 = math.absf %select_n3A_215 : vector<16xf32>
      %sign3A_227 = arith.constant 0.000000e+00 : f32
      %sign3A_228 = vector.broadcast %sign3A_227 : f32 to vector<16xf32>
      %sign3A_229 = arith.cmpf ogt, %sign3A_226, %sign3A_228 : vector<16xf32>
      %sign3A_230 = arith.select %sign3A_229, %sign3A_225, %select_n3A_215 : vector<16xi1>, vector<16xf32>
      %mul3A_231 = arith.mulf %get3A_218, %sign3A_230 : vector<16xf32>
      %slice3A_232 = vector.extract_strided_slice %get3A_23 {offsets = [0], sizes = [1], strides = [1]} : vector<16xi32> to vector<1xi32>
      %squeeze3A_233 = vector.extract %slice3A_232[0] : i32 from vector<1xi32>
      %slice3A_234 = vector.extract_strided_slice %mul3A_231 {offsets = [0], sizes = [1], strides = [1]} : vector<16xf32> to vector<1xf32>
      %squeeze3A_235 = vector.extract %slice3A_234[0] : f32 from vector<1xf32>
      %eq3A_236 = vector.broadcast %squeeze3A_233 : i32 to vector<16xi32>
      %eq3A_237 = arith.cmpi eq, %get3A_23, %eq3A_236 : vector<16xi32>
      %jit3A = arith.constant 0.000000e+00 : f32
      %broadcast_in_dim3A_238 = vector.broadcast %squeeze3A_235 : f32 to vector<16xf32>
      %broadcast_in_dim3A_239 = vector.broadcast %jit3A : f32 to vector<16xf32>
      %select_n3A_240 = arith.select %eq3A_237, %broadcast_in_dim3A_238, %broadcast_in_dim3A_239 : vector<16xi1>, vector<16xf32>
      %add3A_241 = arith.addf %select_n3A_215, %select_n3A_240 : vector<16xf32>
      %slice3A_242 = vector.extract_strided_slice %get3A_23 {offsets = [1], sizes = [1], strides = [1]} : vector<16xi32> to vector<1xi32>
      %squeeze3A_243 = vector.extract %slice3A_242[0] : i32 from vector<1xi32>
      %slice3A_244 = vector.extract_strided_slice %mul3A_231 {offsets = [1], sizes = [1], strides = [1]} : vector<16xf32> to vector<1xf32>
      %squeeze3A_245 = vector.extract %slice3A_244[0] : f32 from vector<1xf32>
      %eq3A_246 = vector.broadcast %squeeze3A_243 : i32 to vector<16xi32>
      %eq3A_247 = arith.cmpi eq, %get3A_23, %eq3A_246 : vector<16xi32>
      %jit3A_248 = arith.constant 0.000000e+00 : f32
      %broadcast_in_dim3A_249 = vector.broadcast %squeeze3A_245 : f32 to vector<16xf32>
      %broadcast_in_dim3A_250 = vector.broadcast %jit3A_248 : f32 to vector<16xf32>
      %select_n3A_251 = arith.select %eq3A_247, %broadcast_in_dim3A_249, %broadcast_in_dim3A_250 : vector<16xi1>, vector<16xf32>
      %add3A_252 = arith.addf %add3A_241, %select_n3A_251 : vector<16xf32>
      %slice3A_253 = vector.extract_strided_slice %get3A_23 {offsets = [2], sizes = [1], strides = [1]} : vector<16xi32> to vector<1xi32>
      %squeeze3A_254 = vector.extract %slice3A_253[0] : i32 from vector<1xi32>
      %slice3A_255 = vector.extract_strided_slice %mul3A_231 {offsets = [2], sizes = [1], strides = [1]} : vector<16xf32> to vector<1xf32>
      %squeeze3A_256 = vector.extract %slice3A_255[0] : f32 from vector<1xf32>
      %eq3A_257 = vector.broadcast %squeeze3A_254 : i32 to vector<16xi32>
      %eq3A_258 = arith.cmpi eq, %get3A_23, %eq3A_257 : vector<16xi32>
      %jit3A_259 = arith.constant 0.000000e+00 : f32
      %broadcast_in_dim3A_260 = vector.broadcast %squeeze3A_256 : f32 to vector<16xf32>
      %broadcast_in_dim3A_261 = vector.broadcast %jit3A_259 : f32 to vector<16xf32>
      %select_n3A_262 = arith.select %eq3A_258, %broadcast_in_dim3A_260, %broadcast_in_dim3A_261 : vector<16xi1>, vector<16xf32>
      %add3A_263 = arith.addf %add3A_252, %select_n3A_262 : vector<16xf32>
      %slice3A_264 = vector.extract_strided_slice %get3A_23 {offsets = [3], sizes = [1], strides = [1]} : vector<16xi32> to vector<1xi32>
      %squeeze3A_265 = vector.extract %slice3A_264[0] : i32 from vector<1xi32>
      %slice3A_266 = vector.extract_strided_slice %mul3A_231 {offsets = [3], sizes = [1], strides = [1]} : vector<16xf32> to vector<1xf32>
      %squeeze3A_267 = vector.extract %slice3A_266[0] : f32 from vector<1xf32>
      %eq3A_268 = vector.broadcast %squeeze3A_265 : i32 to vector<16xi32>
      %eq3A_269 = arith.cmpi eq, %get3A_23, %eq3A_268 : vector<16xi32>
      %jit3A_270 = arith.constant 0.000000e+00 : f32
      %broadcast_in_dim3A_271 = vector.broadcast %squeeze3A_267 : f32 to vector<16xf32>
      %broadcast_in_dim3A_272 = vector.broadcast %jit3A_270 : f32 to vector<16xf32>
      %select_n3A_273 = arith.select %eq3A_269, %broadcast_in_dim3A_271, %broadcast_in_dim3A_272 : vector<16xi1>, vector<16xf32>
      %add3A_274 = arith.addf %add3A_263, %select_n3A_273 : vector<16xf32>
      %slice3A_275 = vector.extract_strided_slice %get3A_23 {offsets = [4], sizes = [1], strides = [1]} : vector<16xi32> to vector<1xi32>
      %squeeze3A_276 = vector.extract %slice3A_275[0] : i32 from vector<1xi32>
      %slice3A_277 = vector.extract_strided_slice %mul3A_231 {offsets = [4], sizes = [1], strides = [1]} : vector<16xf32> to vector<1xf32>
      %squeeze3A_278 = vector.extract %slice3A_277[0] : f32 from vector<1xf32>
      %eq3A_279 = vector.broadcast %squeeze3A_276 : i32 to vector<16xi32>
      %eq3A_280 = arith.cmpi eq, %get3A_23, %eq3A_279 : vector<16xi32>
      %jit3A_281 = arith.constant 0.000000e+00 : f32
      %broadcast_in_dim3A_282 = vector.broadcast %squeeze3A_278 : f32 to vector<16xf32>
      %broadcast_in_dim3A_283 = vector.broadcast %jit3A_281 : f32 to vector<16xf32>
      %select_n3A_284 = arith.select %eq3A_280, %broadcast_in_dim3A_282, %broadcast_in_dim3A_283 : vector<16xi1>, vector<16xf32>
      %add3A_285 = arith.addf %add3A_274, %select_n3A_284 : vector<16xf32>
      %slice3A_286 = vector.extract_strided_slice %get3A_23 {offsets = [5], sizes = [1], strides = [1]} : vector<16xi32> to vector<1xi32>
      %squeeze3A_287 = vector.extract %slice3A_286[0] : i32 from vector<1xi32>
      %slice3A_288 = vector.extract_strided_slice %mul3A_231 {offsets = [5], sizes = [1], strides = [1]} : vector<16xf32> to vector<1xf32>
      %squeeze3A_289 = vector.extract %slice3A_288[0] : f32 from vector<1xf32>
      %eq3A_290 = vector.broadcast %squeeze3A_287 : i32 to vector<16xi32>
      %eq3A_291 = arith.cmpi eq, %get3A_23, %eq3A_290 : vector<16xi32>
      %jit3A_292 = arith.constant 0.000000e+00 : f32
      %broadcast_in_dim3A_293 = vector.broadcast %squeeze3A_289 : f32 to vector<16xf32>
      %broadcast_in_dim3A_294 = vector.broadcast %jit3A_292 : f32 to vector<16xf32>
      %select_n3A_295 = arith.select %eq3A_291, %broadcast_in_dim3A_293, %broadcast_in_dim3A_294 : vector<16xi1>, vector<16xf32>
      %add3A_296 = arith.addf %add3A_285, %select_n3A_295 : vector<16xf32>
      %slice3A_297 = vector.extract_strided_slice %get3A_23 {offsets = [6], sizes = [1], strides = [1]} : vector<16xi32> to vector<1xi32>
      %squeeze3A_298 = vector.extract %slice3A_297[0] : i32 from vector<1xi32>
      %slice3A_299 = vector.extract_strided_slice %mul3A_231 {offsets = [6], sizes = [1], strides = [1]} : vector<16xf32> to vector<1xf32>
      %squeeze3A_300 = vector.extract %slice3A_299[0] : f32 from vector<1xf32>
      %eq3A_301 = vector.broadcast %squeeze3A_298 : i32 to vector<16xi32>
      %eq3A_302 = arith.cmpi eq, %get3A_23, %eq3A_301 : vector<16xi32>
      %jit3A_303 = arith.constant 0.000000e+00 : f32
      %broadcast_in_dim3A_304 = vector.broadcast %squeeze3A_300 : f32 to vector<16xf32>
      %broadcast_in_dim3A_305 = vector.broadcast %jit3A_303 : f32 to vector<16xf32>
      %select_n3A_306 = arith.select %eq3A_302, %broadcast_in_dim3A_304, %broadcast_in_dim3A_305 : vector<16xi1>, vector<16xf32>
      %add3A_307 = arith.addf %add3A_296, %select_n3A_306 : vector<16xf32>
      %slice3A_308 = vector.extract_strided_slice %get3A_23 {offsets = [7], sizes = [1], strides = [1]} : vector<16xi32> to vector<1xi32>
      %squeeze3A_309 = vector.extract %slice3A_308[0] : i32 from vector<1xi32>
      %slice3A_310 = vector.extract_strided_slice %mul3A_231 {offsets = [7], sizes = [1], strides = [1]} : vector<16xf32> to vector<1xf32>
      %squeeze3A_311 = vector.extract %slice3A_310[0] : f32 from vector<1xf32>
      %eq3A_312 = vector.broadcast %squeeze3A_309 : i32 to vector<16xi32>
      %eq3A_313 = arith.cmpi eq, %get3A_23, %eq3A_312 : vector<16xi32>
      %jit3A_314 = arith.constant 0.000000e+00 : f32
      %broadcast_in_dim3A_315 = vector.broadcast %squeeze3A_311 : f32 to vector<16xf32>
      %broadcast_in_dim3A_316 = vector.broadcast %jit3A_314 : f32 to vector<16xf32>
      %select_n3A_317 = arith.select %eq3A_313, %broadcast_in_dim3A_315, %broadcast_in_dim3A_316 : vector<16xi1>, vector<16xf32>
      %add3A_318 = arith.addf %add3A_307, %select_n3A_317 : vector<16xf32>
      %slice3A_319 = vector.extract_strided_slice %get3A_23 {offsets = [8], sizes = [1], strides = [1]} : vector<16xi32> to vector<1xi32>
      %squeeze3A_320 = vector.extract %slice3A_319[0] : i32 from vector<1xi32>
      %slice3A_321 = vector.extract_strided_slice %mul3A_231 {offsets = [8], sizes = [1], strides = [1]} : vector<16xf32> to vector<1xf32>
      %squeeze3A_322 = vector.extract %slice3A_321[0] : f32 from vector<1xf32>
      %eq3A_323 = vector.broadcast %squeeze3A_320 : i32 to vector<16xi32>
      %eq3A_324 = arith.cmpi eq, %get3A_23, %eq3A_323 : vector<16xi32>
      %jit3A_325 = arith.constant 0.000000e+00 : f32
      %broadcast_in_dim3A_326 = vector.broadcast %squeeze3A_322 : f32 to vector<16xf32>
      %broadcast_in_dim3A_327 = vector.broadcast %jit3A_325 : f32 to vector<16xf32>
      %select_n3A_328 = arith.select %eq3A_324, %broadcast_in_dim3A_326, %broadcast_in_dim3A_327 : vector<16xi1>, vector<16xf32>
      %add3A_329 = arith.addf %add3A_318, %select_n3A_328 : vector<16xf32>
      %slice3A_330 = vector.extract_strided_slice %get3A_23 {offsets = [9], sizes = [1], strides = [1]} : vector<16xi32> to vector<1xi32>
      %squeeze3A_331 = vector.extract %slice3A_330[0] : i32 from vector<1xi32>
      %slice3A_332 = vector.extract_strided_slice %mul3A_231 {offsets = [9], sizes = [1], strides = [1]} : vector<16xf32> to vector<1xf32>
      %squeeze3A_333 = vector.extract %slice3A_332[0] : f32 from vector<1xf32>
      %eq3A_334 = vector.broadcast %squeeze3A_331 : i32 to vector<16xi32>
      %eq3A_335 = arith.cmpi eq, %get3A_23, %eq3A_334 : vector<16xi32>
      %jit3A_336 = arith.constant 0.000000e+00 : f32
      %broadcast_in_dim3A_337 = vector.broadcast %squeeze3A_333 : f32 to vector<16xf32>
      %broadcast_in_dim3A_338 = vector.broadcast %jit3A_336 : f32 to vector<16xf32>
      %select_n3A_339 = arith.select %eq3A_335, %broadcast_in_dim3A_337, %broadcast_in_dim3A_338 : vector<16xi1>, vector<16xf32>
      %add3A_340 = arith.addf %add3A_329, %select_n3A_339 : vector<16xf32>
      %slice3A_341 = vector.extract_strided_slice %get3A_23 {offsets = [10], sizes = [1], strides = [1]} : vector<16xi32> to vector<1xi32>
      %squeeze3A_342 = vector.extract %slice3A_341[0] : i32 from vector<1xi32>
      %slice3A_343 = vector.extract_strided_slice %mul3A_231 {offsets = [10], sizes = [1], strides = [1]} : vector<16xf32> to vector<1xf32>
      %squeeze3A_344 = vector.extract %slice3A_343[0] : f32 from vector<1xf32>
      %eq3A_345 = vector.broadcast %squeeze3A_342 : i32 to vector<16xi32>
      %eq3A_346 = arith.cmpi eq, %get3A_23, %eq3A_345 : vector<16xi32>
      %jit3A_347 = arith.constant 0.000000e+00 : f32
      %broadcast_in_dim3A_348 = vector.broadcast %squeeze3A_344 : f32 to vector<16xf32>
      %broadcast_in_dim3A_349 = vector.broadcast %jit3A_347 : f32 to vector<16xf32>
      %select_n3A_350 = arith.select %eq3A_346, %broadcast_in_dim3A_348, %broadcast_in_dim3A_349 : vector<16xi1>, vector<16xf32>
      %add3A_351 = arith.addf %add3A_340, %select_n3A_350 : vector<16xf32>
      %slice3A_352 = vector.extract_strided_slice %get3A_23 {offsets = [11], sizes = [1], strides = [1]} : vector<16xi32> to vector<1xi32>
      %squeeze3A_353 = vector.extract %slice3A_352[0] : i32 from vector<1xi32>
      %slice3A_354 = vector.extract_strided_slice %mul3A_231 {offsets = [11], sizes = [1], strides = [1]} : vector<16xf32> to vector<1xf32>
      %squeeze3A_355 = vector.extract %slice3A_354[0] : f32 from vector<1xf32>
      %eq3A_356 = vector.broadcast %squeeze3A_353 : i32 to vector<16xi32>
      %eq3A_357 = arith.cmpi eq, %get3A_23, %eq3A_356 : vector<16xi32>
      %jit3A_358 = arith.constant 0.000000e+00 : f32
      %broadcast_in_dim3A_359 = vector.broadcast %squeeze3A_355 : f32 to vector<16xf32>
      %broadcast_in_dim3A_360 = vector.broadcast %jit3A_358 : f32 to vector<16xf32>
      %select_n3A_361 = arith.select %eq3A_357, %broadcast_in_dim3A_359, %broadcast_in_dim3A_360 : vector<16xi1>, vector<16xf32>
      %add3A_362 = arith.addf %add3A_351, %select_n3A_361 : vector<16xf32>
      %slice3A_363 = vector.extract_strided_slice %get3A_23 {offsets = [12], sizes = [1], strides = [1]} : vector<16xi32> to vector<1xi32>
      %squeeze3A_364 = vector.extract %slice3A_363[0] : i32 from vector<1xi32>
      %slice3A_365 = vector.extract_strided_slice %mul3A_231 {offsets = [12], sizes = [1], strides = [1]} : vector<16xf32> to vector<1xf32>
      %squeeze3A_366 = vector.extract %slice3A_365[0] : f32 from vector<1xf32>
      %eq3A_367 = vector.broadcast %squeeze3A_364 : i32 to vector<16xi32>
      %eq3A_368 = arith.cmpi eq, %get3A_23, %eq3A_367 : vector<16xi32>
      %jit3A_369 = arith.constant 0.000000e+00 : f32
      %broadcast_in_dim3A_370 = vector.broadcast %squeeze3A_366 : f32 to vector<16xf32>
      %broadcast_in_dim3A_371 = vector.broadcast %jit3A_369 : f32 to vector<16xf32>
      %select_n3A_372 = arith.select %eq3A_368, %broadcast_in_dim3A_370, %broadcast_in_dim3A_371 : vector<16xi1>, vector<16xf32>
      %add3A_373 = arith.addf %add3A_362, %select_n3A_372 : vector<16xf32>
      %slice3A_374 = vector.extract_strided_slice %get3A_23 {offsets = [13], sizes = [1], strides = [1]} : vector<16xi32> to vector<1xi32>
      %squeeze3A_375 = vector.extract %slice3A_374[0] : i32 from vector<1xi32>
      %slice3A_376 = vector.extract_strided_slice %mul3A_231 {offsets = [13], sizes = [1], strides = [1]} : vector<16xf32> to vector<1xf32>
      %squeeze3A_377 = vector.extract %slice3A_376[0] : f32 from vector<1xf32>
      %eq3A_378 = vector.broadcast %squeeze3A_375 : i32 to vector<16xi32>
      %eq3A_379 = arith.cmpi eq, %get3A_23, %eq3A_378 : vector<16xi32>
      %jit3A_380 = arith.constant 0.000000e+00 : f32
      %broadcast_in_dim3A_381 = vector.broadcast %squeeze3A_377 : f32 to vector<16xf32>
      %broadcast_in_dim3A_382 = vector.broadcast %jit3A_380 : f32 to vector<16xf32>
      %select_n3A_383 = arith.select %eq3A_379, %broadcast_in_dim3A_381, %broadcast_in_dim3A_382 : vector<16xi1>, vector<16xf32>
      %add3A_384 = arith.addf %add3A_373, %select_n3A_383 : vector<16xf32>
      %slice3A_385 = vector.extract_strided_slice %get3A_23 {offsets = [14], sizes = [1], strides = [1]} : vector<16xi32> to vector<1xi32>
      %squeeze3A_386 = vector.extract %slice3A_385[0] : i32 from vector<1xi32>
      %slice3A_387 = vector.extract_strided_slice %mul3A_231 {offsets = [14], sizes = [1], strides = [1]} : vector<16xf32> to vector<1xf32>
      %squeeze3A_388 = vector.extract %slice3A_387[0] : f32 from vector<1xf32>
      %eq3A_389 = vector.broadcast %squeeze3A_386 : i32 to vector<16xi32>
      %eq3A_390 = arith.cmpi eq, %get3A_23, %eq3A_389 : vector<16xi32>
      %jit3A_391 = arith.constant 0.000000e+00 : f32
      %broadcast_in_dim3A_392 = vector.broadcast %squeeze3A_388 : f32 to vector<16xf32>
      %broadcast_in_dim3A_393 = vector.broadcast %jit3A_391 : f32 to vector<16xf32>
      %select_n3A_394 = arith.select %eq3A_390, %broadcast_in_dim3A_392, %broadcast_in_dim3A_393 : vector<16xi1>, vector<16xf32>
      %add3A_395 = arith.addf %add3A_384, %select_n3A_394 : vector<16xf32>
      %slice3A_396 = vector.extract_strided_slice %get3A_23 {offsets = [15], sizes = [1], strides = [1]} : vector<16xi32> to vector<1xi32>
      %squeeze3A_397 = vector.extract %slice3A_396[0] : i32 from vector<1xi32>
      %slice3A_398 = vector.extract_strided_slice %mul3A_231 {offsets = [15], sizes = [1], strides = [1]} : vector<16xf32> to vector<1xf32>
      %squeeze3A_399 = vector.extract %slice3A_398[0] : f32 from vector<1xf32>
      %eq3A_400 = vector.broadcast %squeeze3A_397 : i32 to vector<16xi32>
      %eq3A_401 = arith.cmpi eq, %get3A_23, %eq3A_400 : vector<16xi32>
      %jit3A_402 = arith.constant 0.000000e+00 : f32
      %broadcast_in_dim3A_403 = vector.broadcast %squeeze3A_399 : f32 to vector<16xf32>
      %broadcast_in_dim3A_404 = vector.broadcast %jit3A_402 : f32 to vector<16xf32>
      %select_n3A_405 = arith.select %eq3A_401, %broadcast_in_dim3A_403, %broadcast_in_dim3A_404 : vector<16xi1>, vector<16xf32>
      %add3A_406 = arith.addf %add3A_395, %select_n3A_405 : vector<16xf32>
      %swap3A = arith.constant 0 : index
      %swap3A_407 = tpu.vector_load %arg11[%swap3A] {strides = array<i32>} : memref<16xf32, #tpu.memory_space<vmem>>, vector<16xf32>,
      %swap3A_408 = vector.shape_cast %swap3A_407 : vector<16xf32> to vector<16xf32>
      %swap3A_409 = vector.shape_cast %add3A_406 : vector<16xf32> to vector<16xf32>
      tpu.vector_store %arg11[%swap3A], %swap3A_409 {strides = array<i32>} : memref<16xf32, #tpu.memory_space<vmem>>, vector<16xf32>,
      %run_scoped3A_410 = arith.constant 3 : i32
      "tpu.region"() ({
        %run_scoped3A_411 = tpu.sem_alloc : memref<!tpu.dma_semaphore, #tpu.memory_space<semaphore_mem>>
        %dma_start3A = arith.constant 0 : i32
        %dma_start3A_412 = tpu.memref_slice %arg6[%run_scoped3A_410, %dma_start3A] : memref<4x16xf32, #tpu.memory_space<hbm>> -> memref<1x16xf32, #tpu.memory_space<hbm>>
        %dma_start3A_413 = tpu.memref_squeeze %dma_start3A_412 : memref<1x16xf32, #tpu.memory_space<hbm>> -> memref<16xf32, #tpu.memory_space<hbm>>
        %dma_start3A_414 = arith.constant 0 : i32
        %dma_start3A_415 = tpu.memref_slice %arg6[%run_scoped3A_410, %dma_start3A_414] : memref<4x16xf32, #tpu.memory_space<hbm>> -> memref<1x16xf32, #tpu.memory_space<hbm>>
        %dma_start3A_416 = tpu.memref_squeeze %dma_start3A_415 : memref<1x16xf32, #tpu.memory_space<hbm>> -> memref<16xf32, #tpu.memory_space<hbm>>
        tpu.enqueue_dma source(%arg11 : memref<16xf32, #tpu.memory_space<vmem>>) target(%dma_start3A_416 : memref<16xf32, #tpu.memory_space<hbm>>) target_semaphore(%run_scoped3A_411 : memref<!tpu.dma_semaphore, #tpu.memory_space<semaphore_mem>>)
        %dma_wait3A = arith.constant 0 : i32
        %dma_wait3A_417 = tpu.memref_slice %arg6[%run_scoped3A_410, %dma_wait3A] : memref<4x16xf32, #tpu.memory_space<hbm>> -> memref<1x16xf32, #tpu.memory_space<hbm>>
        %dma_wait3A_418 = tpu.memref_squeeze %dma_wait3A_417 : memref<1x16xf32, #tpu.memory_space<hbm>> -> memref<16xf32, #tpu.memory_space<hbm>>
        %dma_wait3A_419 = arith.constant 0 : i32
        %dma_wait3A_420 = tpu.memref_slice %arg6[%run_scoped3A_410, %dma_wait3A_419] : memref<4x16xf32, #tpu.memory_space<hbm>> -> memref<1x16xf32, #tpu.memory_space<hbm>>
        %dma_wait3A_421 = tpu.memref_squeeze %dma_wait3A_420 : memref<1x16xf32, #tpu.memory_space<hbm>> -> memref<16xf32, #tpu.memory_space<hbm>>
        tpu.wait_dma2 semaphore(%run_scoped3A_411 : memref<!tpu.dma_semaphore, #tpu.memory_space<semaphore_mem>>) src(%arg11 : memref<16xf32, #tpu.memory_space<vmem>>) dst(%dma_wait3A_421 : memref<16xf32, #tpu.memory_space<hbm>>)
        tpu.yield
      }) : () -> ()
    } else {
    }
    return
  }
}

module attributes {stable_mosaic.version = 14 : i64} {
  func.func @_tc_apply_body(%arg0: i32, %arg1: memref<4xi32, #tpu.memory_space<smem>>, %arg2: memref<4x16xi32, #tpu.memory_space<smem>>, %arg3: memref<4x16xf32, #tpu.memory_space<smem>>, %arg4: memref<1x8x2048xf32, #tpu.memory_space<vmem>>, %arg5: memref<1x8x2048xf32, #tpu.memory_space<vmem>>) attributes {dimension_semantics = [#tpu.dimension_semantics<arbitrary>], iteration_bounds = array<i64: 4>, scalar_prefetch = 1 : i64, scratch_operands = 0 : i64, tpu.core_type = #tpu.core_type<tc>, window_params = [{transform_indices = @transform_0, window_bounds = array<i64: 4, 16>}, {transform_indices = @transform_1, window_bounds = array<i64: 4, 16>}, {transform_indices = @transform_2, window_bounds = array<i64: 1, 8, 2048>}, {transform_indices = @transform_3, window_bounds = array<i64: 1, 8, 2048>}]} {
    %get3A = arith.index_cast %arg0 : i32 to index
    %get3A_0 = memref.load %arg1[%get3A] : memref<4xi32, #tpu.memory_space<smem>>
    %jit3A = arith.constant 8 : i32
    %eq3A = arith.constant 0 : i32
    %eq3A_1 = arith.cmpi eq, %jit3A, %eq3A : i32
    %jit3A_2 = arith.constant 1 : i32
    %select_n3A = arith.select %eq3A_1, %jit3A_2, %jit3A : i32
    %rem3A = arith.remsi %get3A_0, %select_n3A : i32
    %ne3A = arith.constant 0 : i32
    %ne3A_3 = arith.cmpi ne, %rem3A, %ne3A : i32
    %lt3A = arith.constant 0 : i32
    %lt3A_4 = arith.cmpi slt, %rem3A, %lt3A : i32
    %lt3A_5 = arith.constant 0 : i32
    %lt3A_6 = arith.cmpi slt, %select_n3A, %lt3A_5 : i32
    %ne3A_7 = arith.xori %lt3A_4, %lt3A_6 : i1
    %and3A = arith.andi %ne3A_7, %ne3A_3 : i1
    %add3A = arith.addi %rem3A, %select_n3A : i32
    %select_n3A_8 = arith.select %and3A, %add3A, %rem3A : i32
    %get3A_9 = arith.constant 0 : index
    %get3A_10 = arith.index_cast %select_n3A_8 : i32 to index
    %get3A_11 = arith.constant 0 : index
    %get3A_12 = vector.load %arg4[%get3A_9, %get3A_10, %get3A_11] : memref<1x8x2048xf32, #tpu.memory_space<vmem>>, vector<1x1x2048xf32>
    %get3A_13 = vector.shape_cast %get3A_12 : vector<1x1x2048xf32> to vector<1x2048xf32>
    %iota3A = tpu.iota {dimensions = array<i32: 1>} : vector<1x2048xi32>
    %get3A_14 = arith.index_cast %arg0 : i32 to index
    %get3A_15 = arith.constant 0 : index
    %get3A_16 = memref.load %arg2[%get3A_14, %get3A_15] : memref<4x16xi32, #tpu.memory_space<smem>>
    %eq3A_17 = vector.broadcast %get3A_16 : i32 to vector<1x2048xi32>
    %eq3A_18 = arith.cmpi eq, %iota3A, %eq3A_17 : vector<1x2048xi32>
    %get3A_19 = arith.index_cast %arg0 : i32 to index
    %get3A_20 = arith.constant 0 : index
    %get3A_21 = memref.load %arg3[%get3A_19, %get3A_20] : memref<4x16xf32, #tpu.memory_space<smem>>
    %broadcast_in_dim3A = vector.broadcast %get3A_21 : f32 to vector<1x2048xf32>
    %select_n3A_22 = arith.select %eq3A_18, %broadcast_in_dim3A, %get3A_13 : vector<1x2048xi1>, vector<1x2048xf32>
    %get3A_23 = arith.index_cast %arg0 : i32 to index
    %get3A_24 = arith.constant 1 : index
    %get3A_25 = memref.load %arg2[%get3A_23, %get3A_24] : memref<4x16xi32, #tpu.memory_space<smem>>
    %eq3A_26 = vector.broadcast %get3A_25 : i32 to vector<1x2048xi32>
    %eq3A_27 = arith.cmpi eq, %iota3A, %eq3A_26 : vector<1x2048xi32>
    %get3A_28 = arith.index_cast %arg0 : i32 to index
    %get3A_29 = arith.constant 1 : index
    %get3A_30 = memref.load %arg3[%get3A_28, %get3A_29] : memref<4x16xf32, #tpu.memory_space<smem>>
    %broadcast_in_dim3A_31 = vector.broadcast %get3A_30 : f32 to vector<1x2048xf32>
    %select_n3A_32 = arith.select %eq3A_27, %broadcast_in_dim3A_31, %select_n3A_22 : vector<1x2048xi1>, vector<1x2048xf32>
    %get3A_33 = arith.index_cast %arg0 : i32 to index
    %get3A_34 = arith.constant 2 : index
    %get3A_35 = memref.load %arg2[%get3A_33, %get3A_34] : memref<4x16xi32, #tpu.memory_space<smem>>
    %eq3A_36 = vector.broadcast %get3A_35 : i32 to vector<1x2048xi32>
    %eq3A_37 = arith.cmpi eq, %iota3A, %eq3A_36 : vector<1x2048xi32>
    %get3A_38 = arith.index_cast %arg0 : i32 to index
    %get3A_39 = arith.constant 2 : index
    %get3A_40 = memref.load %arg3[%get3A_38, %get3A_39] : memref<4x16xf32, #tpu.memory_space<smem>>
    %broadcast_in_dim3A_41 = vector.broadcast %get3A_40 : f32 to vector<1x2048xf32>
    %select_n3A_42 = arith.select %eq3A_37, %broadcast_in_dim3A_41, %select_n3A_32 : vector<1x2048xi1>, vector<1x2048xf32>
    %get3A_43 = arith.index_cast %arg0 : i32 to index
    %get3A_44 = arith.constant 3 : index
    %get3A_45 = memref.load %arg2[%get3A_43, %get3A_44] : memref<4x16xi32, #tpu.memory_space<smem>>
    %eq3A_46 = vector.broadcast %get3A_45 : i32 to vector<1x2048xi32>
    %eq3A_47 = arith.cmpi eq, %iota3A, %eq3A_46 : vector<1x2048xi32>
    %get3A_48 = arith.index_cast %arg0 : i32 to index
    %get3A_49 = arith.constant 3 : index
    %get3A_50 = memref.load %arg3[%get3A_48, %get3A_49] : memref<4x16xf32, #tpu.memory_space<smem>>
    %broadcast_in_dim3A_51 = vector.broadcast %get3A_50 : f32 to vector<1x2048xf32>
    %select_n3A_52 = arith.select %eq3A_47, %broadcast_in_dim3A_51, %select_n3A_42 : vector<1x2048xi1>, vector<1x2048xf32>
    %get3A_53 = arith.index_cast %arg0 : i32 to index
    %get3A_54 = arith.constant 4 : index
    %get3A_55 = memref.load %arg2[%get3A_53, %get3A_54] : memref<4x16xi32, #tpu.memory_space<smem>>
    %eq3A_56 = vector.broadcast %get3A_55 : i32 to vector<1x2048xi32>
    %eq3A_57 = arith.cmpi eq, %iota3A, %eq3A_56 : vector<1x2048xi32>
    %get3A_58 = arith.index_cast %arg0 : i32 to index
    %get3A_59 = arith.constant 4 : index
    %get3A_60 = memref.load %arg3[%get3A_58, %get3A_59] : memref<4x16xf32, #tpu.memory_space<smem>>
    %broadcast_in_dim3A_61 = vector.broadcast %get3A_60 : f32 to vector<1x2048xf32>
    %select_n3A_62 = arith.select %eq3A_57, %broadcast_in_dim3A_61, %select_n3A_52 : vector<1x2048xi1>, vector<1x2048xf32>
    %get3A_63 = arith.index_cast %arg0 : i32 to index
    %get3A_64 = arith.constant 5 : index
    %get3A_65 = memref.load %arg2[%get3A_63, %get3A_64] : memref<4x16xi32, #tpu.memory_space<smem>>
    %eq3A_66 = vector.broadcast %get3A_65 : i32 to vector<1x2048xi32>
    %eq3A_67 = arith.cmpi eq, %iota3A, %eq3A_66 : vector<1x2048xi32>
    %get3A_68 = arith.index_cast %arg0 : i32 to index
    %get3A_69 = arith.constant 5 : index
    %get3A_70 = memref.load %arg3[%get3A_68, %get3A_69] : memref<4x16xf32, #tpu.memory_space<smem>>
    %broadcast_in_dim3A_71 = vector.broadcast %get3A_70 : f32 to vector<1x2048xf32>
    %select_n3A_72 = arith.select %eq3A_67, %broadcast_in_dim3A_71, %select_n3A_62 : vector<1x2048xi1>, vector<1x2048xf32>
    %get3A_73 = arith.index_cast %arg0 : i32 to index
    %get3A_74 = arith.constant 6 : index
    %get3A_75 = memref.load %arg2[%get3A_73, %get3A_74] : memref<4x16xi32, #tpu.memory_space<smem>>
    %eq3A_76 = vector.broadcast %get3A_75 : i32 to vector<1x2048xi32>
    %eq3A_77 = arith.cmpi eq, %iota3A, %eq3A_76 : vector<1x2048xi32>
    %get3A_78 = arith.index_cast %arg0 : i32 to index
    %get3A_79 = arith.constant 6 : index
    %get3A_80 = memref.load %arg3[%get3A_78, %get3A_79] : memref<4x16xf32, #tpu.memory_space<smem>>
    %broadcast_in_dim3A_81 = vector.broadcast %get3A_80 : f32 to vector<1x2048xf32>
    %select_n3A_82 = arith.select %eq3A_77, %broadcast_in_dim3A_81, %select_n3A_72 : vector<1x2048xi1>, vector<1x2048xf32>
    %get3A_83 = arith.index_cast %arg0 : i32 to index
    %get3A_84 = arith.constant 7 : index
    %get3A_85 = memref.load %arg2[%get3A_83, %get3A_84] : memref<4x16xi32, #tpu.memory_space<smem>>
    %eq3A_86 = vector.broadcast %get3A_85 : i32 to vector<1x2048xi32>
    %eq3A_87 = arith.cmpi eq, %iota3A, %eq3A_86 : vector<1x2048xi32>
    %get3A_88 = arith.index_cast %arg0 : i32 to index
    %get3A_89 = arith.constant 7 : index
    %get3A_90 = memref.load %arg3[%get3A_88, %get3A_89] : memref<4x16xf32, #tpu.memory_space<smem>>
    %broadcast_in_dim3A_91 = vector.broadcast %get3A_90 : f32 to vector<1x2048xf32>
    %select_n3A_92 = arith.select %eq3A_87, %broadcast_in_dim3A_91, %select_n3A_82 : vector<1x2048xi1>, vector<1x2048xf32>
    %get3A_93 = arith.index_cast %arg0 : i32 to index
    %get3A_94 = arith.constant 8 : index
    %get3A_95 = memref.load %arg2[%get3A_93, %get3A_94] : memref<4x16xi32, #tpu.memory_space<smem>>
    %eq3A_96 = vector.broadcast %get3A_95 : i32 to vector<1x2048xi32>
    %eq3A_97 = arith.cmpi eq, %iota3A, %eq3A_96 : vector<1x2048xi32>
    %get3A_98 = arith.index_cast %arg0 : i32 to index
    %get3A_99 = arith.constant 8 : index
    %get3A_100 = memref.load %arg3[%get3A_98, %get3A_99] : memref<4x16xf32, #tpu.memory_space<smem>>
    %broadcast_in_dim3A_101 = vector.broadcast %get3A_100 : f32 to vector<1x2048xf32>
    %select_n3A_102 = arith.select %eq3A_97, %broadcast_in_dim3A_101, %select_n3A_92 : vector<1x2048xi1>, vector<1x2048xf32>
    %get3A_103 = arith.index_cast %arg0 : i32 to index
    %get3A_104 = arith.constant 9 : index
    %get3A_105 = memref.load %arg2[%get3A_103, %get3A_104] : memref<4x16xi32, #tpu.memory_space<smem>>
    %eq3A_106 = vector.broadcast %get3A_105 : i32 to vector<1x2048xi32>
    %eq3A_107 = arith.cmpi eq, %iota3A, %eq3A_106 : vector<1x2048xi32>
    %get3A_108 = arith.index_cast %arg0 : i32 to index
    %get3A_109 = arith.constant 9 : index
    %get3A_110 = memref.load %arg3[%get3A_108, %get3A_109] : memref<4x16xf32, #tpu.memory_space<smem>>
    %broadcast_in_dim3A_111 = vector.broadcast %get3A_110 : f32 to vector<1x2048xf32>
    %select_n3A_112 = arith.select %eq3A_107, %broadcast_in_dim3A_111, %select_n3A_102 : vector<1x2048xi1>, vector<1x2048xf32>
    %get3A_113 = arith.index_cast %arg0 : i32 to index
    %get3A_114 = arith.constant 10 : index
    %get3A_115 = memref.load %arg2[%get3A_113, %get3A_114] : memref<4x16xi32, #tpu.memory_space<smem>>
    %eq3A_116 = vector.broadcast %get3A_115 : i32 to vector<1x2048xi32>
    %eq3A_117 = arith.cmpi eq, %iota3A, %eq3A_116 : vector<1x2048xi32>
    %get3A_118 = arith.index_cast %arg0 : i32 to index
    %get3A_119 = arith.constant 10 : index
    %get3A_120 = memref.load %arg3[%get3A_118, %get3A_119] : memref<4x16xf32, #tpu.memory_space<smem>>
    %broadcast_in_dim3A_121 = vector.broadcast %get3A_120 : f32 to vector<1x2048xf32>
    %select_n3A_122 = arith.select %eq3A_117, %broadcast_in_dim3A_121, %select_n3A_112 : vector<1x2048xi1>, vector<1x2048xf32>
    %get3A_123 = arith.index_cast %arg0 : i32 to index
    %get3A_124 = arith.constant 11 : index
    %get3A_125 = memref.load %arg2[%get3A_123, %get3A_124] : memref<4x16xi32, #tpu.memory_space<smem>>
    %eq3A_126 = vector.broadcast %get3A_125 : i32 to vector<1x2048xi32>
    %eq3A_127 = arith.cmpi eq, %iota3A, %eq3A_126 : vector<1x2048xi32>
    %get3A_128 = arith.index_cast %arg0 : i32 to index
    %get3A_129 = arith.constant 11 : index
    %get3A_130 = memref.load %arg3[%get3A_128, %get3A_129] : memref<4x16xf32, #tpu.memory_space<smem>>
    %broadcast_in_dim3A_131 = vector.broadcast %get3A_130 : f32 to vector<1x2048xf32>
    %select_n3A_132 = arith.select %eq3A_127, %broadcast_in_dim3A_131, %select_n3A_122 : vector<1x2048xi1>, vector<1x2048xf32>
    %get3A_133 = arith.index_cast %arg0 : i32 to index
    %get3A_134 = arith.constant 12 : index
    %get3A_135 = memref.load %arg2[%get3A_133, %get3A_134] : memref<4x16xi32, #tpu.memory_space<smem>>
    %eq3A_136 = vector.broadcast %get3A_135 : i32 to vector<1x2048xi32>
    %eq3A_137 = arith.cmpi eq, %iota3A, %eq3A_136 : vector<1x2048xi32>
    %get3A_138 = arith.index_cast %arg0 : i32 to index
    %get3A_139 = arith.constant 12 : index
    %get3A_140 = memref.load %arg3[%get3A_138, %get3A_139] : memref<4x16xf32, #tpu.memory_space<smem>>
    %broadcast_in_dim3A_141 = vector.broadcast %get3A_140 : f32 to vector<1x2048xf32>
    %select_n3A_142 = arith.select %eq3A_137, %broadcast_in_dim3A_141, %select_n3A_132 : vector<1x2048xi1>, vector<1x2048xf32>
    %get3A_143 = arith.index_cast %arg0 : i32 to index
    %get3A_144 = arith.constant 13 : index
    %get3A_145 = memref.load %arg2[%get3A_143, %get3A_144] : memref<4x16xi32, #tpu.memory_space<smem>>
    %eq3A_146 = vector.broadcast %get3A_145 : i32 to vector<1x2048xi32>
    %eq3A_147 = arith.cmpi eq, %iota3A, %eq3A_146 : vector<1x2048xi32>
    %get3A_148 = arith.index_cast %arg0 : i32 to index
    %get3A_149 = arith.constant 13 : index
    %get3A_150 = memref.load %arg3[%get3A_148, %get3A_149] : memref<4x16xf32, #tpu.memory_space<smem>>
    %broadcast_in_dim3A_151 = vector.broadcast %get3A_150 : f32 to vector<1x2048xf32>
    %select_n3A_152 = arith.select %eq3A_147, %broadcast_in_dim3A_151, %select_n3A_142 : vector<1x2048xi1>, vector<1x2048xf32>
    %get3A_153 = arith.index_cast %arg0 : i32 to index
    %get3A_154 = arith.constant 14 : index
    %get3A_155 = memref.load %arg2[%get3A_153, %get3A_154] : memref<4x16xi32, #tpu.memory_space<smem>>
    %eq3A_156 = vector.broadcast %get3A_155 : i32 to vector<1x2048xi32>
    %eq3A_157 = arith.cmpi eq, %iota3A, %eq3A_156 : vector<1x2048xi32>
    %get3A_158 = arith.index_cast %arg0 : i32 to index
    %get3A_159 = arith.constant 14 : index
    %get3A_160 = memref.load %arg3[%get3A_158, %get3A_159] : memref<4x16xf32, #tpu.memory_space<smem>>
    %broadcast_in_dim3A_161 = vector.broadcast %get3A_160 : f32 to vector<1x2048xf32>
    %select_n3A_162 = arith.select %eq3A_157, %broadcast_in_dim3A_161, %select_n3A_152 : vector<1x2048xi1>, vector<1x2048xf32>
    %get3A_163 = arith.index_cast %arg0 : i32 to index
    %get3A_164 = arith.constant 15 : index
    %get3A_165 = memref.load %arg2[%get3A_163, %get3A_164] : memref<4x16xi32, #tpu.memory_space<smem>>
    %eq3A_166 = vector.broadcast %get3A_165 : i32 to vector<1x2048xi32>
    %eq3A_167 = arith.cmpi eq, %iota3A, %eq3A_166 : vector<1x2048xi32>
    %get3A_168 = arith.index_cast %arg0 : i32 to index
    %get3A_169 = arith.constant 15 : index
    %get3A_170 = memref.load %arg3[%get3A_168, %get3A_169] : memref<4x16xf32, #tpu.memory_space<smem>>
    %broadcast_in_dim3A_171 = vector.broadcast %get3A_170 : f32 to vector<1x2048xf32>
    %select_n3A_172 = arith.select %eq3A_167, %broadcast_in_dim3A_171, %select_n3A_162 : vector<1x2048xi1>, vector<1x2048xf32>
    %get3A_173 = arith.constant 0 : index
    %get3A_174 = arith.constant 0 : index
    %get3A_175 = arith.constant 0 : index
    %get3A_176 = vector.load %arg4[%get3A_173, %get3A_174, %get3A_175] : memref<1x8x2048xf32, #tpu.memory_space<vmem>>, vector<1x8x2048xf32>
    %get3A_177 = vector.shape_cast %get3A_176 : vector<1x8x2048xf32> to vector<8x2048xf32>
    %swap3A = arith.constant 0 : index
    %swap3A_178 = arith.constant 0 : index
    %swap3A_179 = arith.constant 0 : index
    %swap3A_180 = vector.load %arg5[%swap3A, %swap3A_178, %swap3A_179] : memref<1x8x2048xf32, #tpu.memory_space<vmem>>, vector<1x8x2048xf32>
    %swap3A_181 = vector.shape_cast %swap3A_180 : vector<1x8x2048xf32> to vector<8x2048xf32>
    %swap3A_182 = vector.shape_cast %get3A_177 : vector<8x2048xf32> to vector<1x8x2048xf32>
    tpu.vector_store %arg5[%swap3A, %swap3A_178, %swap3A_179], %swap3A_182 {strides = array<i32>} : memref<1x8x2048xf32, #tpu.memory_space<vmem>>, vector<1x8x2048xf32>,
    %swap3A_183 = arith.constant 0 : index
    %swap3A_184 = arith.index_cast %select_n3A_8 : i32 to index
    %swap3A_185 = arith.constant 0 : index
    %swap3A_186 = vector.load %arg5[%swap3A_183, %swap3A_184, %swap3A_185] : memref<1x8x2048xf32, #tpu.memory_space<vmem>>, vector<1x1x2048xf32>
    %swap3A_187 = vector.shape_cast %swap3A_186 : vector<1x1x2048xf32> to vector<1x2048xf32>
    %swap3A_188 = vector.shape_cast %select_n3A_172 : vector<1x2048xf32> to vector<1x1x2048xf32>
    tpu.vector_store %arg5[%swap3A_183, %swap3A_184, %swap3A_185], %swap3A_188 {strides = array<i32>} : memref<1x8x2048xf32, #tpu.memory_space<vmem>>, vector<1x1x2048xf32>,
    return
  }
  func.func @transform_0(%arg0: i32, %arg1: memref<4xi32, #tpu.memory_space<smem>>) -> (i32, i32) {
    %c0_i32 = arith.constant 0 : i32
    %c0_i32_0 = arith.constant 0 : i32
    %c0_i32_1 = arith.constant 0 : i32
    return %c0_i32, %c0_i32_0 : i32, i32
  }
  func.func @transform_1(%arg0: i32, %arg1: memref<4xi32, #tpu.memory_space<smem>>) -> (i32, i32) {
    %c0_i32 = arith.constant 0 : i32
    %c0_i32_0 = arith.constant 0 : i32
    %c0_i32_1 = arith.constant 0 : i32
    return %c0_i32, %c0_i32_0 : i32, i32
  }
  func.func @transform_2(%arg0: i32, %arg1: memref<4xi32, #tpu.memory_space<smem>>) -> (i32, i32, i32) {
    %get3A = arith.index_cast %arg0 : i32 to index
    %get3A_0 = memref.load %arg1[%get3A] : memref<4xi32, #tpu.memory_space<smem>>
    %jit3A = arith.constant 8 : i32
    %div3A = arith.divsi %get3A_0, %jit3A : i32
    %sign3A = arith.constant 0 : i32
    %sign3A_1 = arith.cmpi sgt, %get3A_0, %sign3A : i32
    %sign3A_2 = arith.extui %sign3A_1 : i1 to i32
    %sign3A_3 = arith.constant 0 : i32
    %sign3A_4 = arith.cmpi slt, %get3A_0, %sign3A_3 : i32
    %sign3A_5 = arith.extui %sign3A_4 : i1 to i32
    %sign3A_6 = arith.subi %sign3A_2, %sign3A_5 : i32
    %sign3A_7 = arith.constant 0 : i32
    %sign3A_8 = arith.cmpi sgt, %jit3A, %sign3A_7 : i32
    %sign3A_9 = arith.extui %sign3A_8 : i1 to i32
    %sign3A_10 = arith.constant 0 : i32
    %sign3A_11 = arith.cmpi slt, %jit3A, %sign3A_10 : i32
    %sign3A_12 = arith.extui %sign3A_11 : i1 to i32
    %sign3A_13 = arith.subi %sign3A_9, %sign3A_12 : i32
    %ne3A = arith.cmpi ne, %sign3A_6, %sign3A_13 : i32
    %rem3A = arith.remsi %get3A_0, %jit3A : i32
    %ne3A_14 = arith.constant 0 : i32
    %ne3A_15 = arith.cmpi ne, %rem3A, %ne3A_14 : i32
    %and3A = arith.andi %ne3A, %ne3A_15 : i1
    %sub3A = arith.constant 1 : i32
    %sub3A_16 = arith.subi %div3A, %sub3A : i32
    %select_n3A = arith.select %and3A, %sub3A_16, %div3A : i32
    %c0_i32 = arith.constant 0 : i32
    %c0_i32_17 = arith.constant 0 : i32
    return %arg0, %select_n3A, %c0_i32 : i32, i32, i32
  }
  func.func @transform_3(%arg0: i32, %arg1: memref<4xi32, #tpu.memory_space<smem>>) -> (i32, i32, i32) {
    %get3A = arith.index_cast %arg0 : i32 to index
    %get3A_0 = memref.load %arg1[%get3A] : memref<4xi32, #tpu.memory_space<smem>>
    %jit3A = arith.constant 8 : i32
    %div3A = arith.divsi %get3A_0, %jit3A : i32
    %sign3A = arith.constant 0 : i32
    %sign3A_1 = arith.cmpi sgt, %get3A_0, %sign3A : i32
    %sign3A_2 = arith.extui %sign3A_1 : i1 to i32
    %sign3A_3 = arith.constant 0 : i32
    %sign3A_4 = arith.cmpi slt, %get3A_0, %sign3A_3 : i32
    %sign3A_5 = arith.extui %sign3A_4 : i1 to i32
    %sign3A_6 = arith.subi %sign3A_2, %sign3A_5 : i32
    %sign3A_7 = arith.constant 0 : i32
    %sign3A_8 = arith.cmpi sgt, %jit3A, %sign3A_7 : i32
    %sign3A_9 = arith.extui %sign3A_8 : i1 to i32
    %sign3A_10 = arith.constant 0 : i32
    %sign3A_11 = arith.cmpi slt, %jit3A, %sign3A_10 : i32
    %sign3A_12 = arith.extui %sign3A_11 : i1 to i32
    %sign3A_13 = arith.subi %sign3A_9, %sign3A_12 : i32
    %ne3A = arith.cmpi ne, %sign3A_6, %sign3A_13 : i32
    %rem3A = arith.remsi %get3A_0, %jit3A : i32
    %ne3A_14 = arith.constant 0 : i32
    %ne3A_15 = arith.cmpi ne, %rem3A, %ne3A_14 : i32
    %and3A = arith.andi %ne3A, %ne3A_15 : i1
    %sub3A = arith.constant 1 : i32
    %sub3A_16 = arith.subi %div3A, %sub3A : i32
    %select_n3A = arith.select %and3A, %sub3A_16, %div3A : i32
    %c0_i32 = arith.constant 0 : i32
    %c0_i32_17 = arith.constant 0 : i32
    return %arg0, %select_n3A, %c0_i32 : i32, i32, i32
  }
}

</mosaic_0001>

<sc_bundles>
// kernel: kernel.4.cloned.1.call-start
scs
__scs_entry_jumppad:
0x0: {  	(pc) =	sbr.rel $0x88, $3  }
0x1: {  	(tag) =	ssettag $0x0;
	lr =	simm.s32 $0x1  }
0x2: {  	[smem:$0x3F9D] =	sst lr;
	_ =	strace $0xD0000000  }
0x3: {  	_ = 	snop  }
0x4: {  	_ = 	snop  }
0x5: {  	_ = 	snop  }
0x6: {  	_ = 	snop  }
0x7: {  	_ = 	snop  }
__scs_overlays_trampoline_lowered:
0x8: {  	[smem:$0x3FAC] =	sst s0  }
0x9: {  	[smem:$0x3FAD] =	sst s1  }
0xa: {  	[smem:$0x3FAE] =	sst s2  }
0xb: {  	[smem:$0x3FAF] =	sst s3  }
0xc: {  	[smem:$0x3FB0] =	sst s4  }
0xd: {  	[smem:$0x3FB1] =	sst s5  }
0xe: {  	[smem:$0x3FB2] =	sst s6  }
0xf: {  	[smem:$0x3FB3] =	sst s7  }
0x10: {  	[smem:$0x3FB4] =	sst s8  }
0x11: {  	[smem:$0x3FB5] =	sst s9;
	s0 =	simm.s32 @!p0 $0x0  }
0x12: {  	s1 =	sld [smem:$0x3F9B];
	s0 =	simm.s32 @p0 $0x1  }
0x13: {  	[smem:$0x3FB6] =	sst s0;
	s0 =	simm.s32 @!p1 $0x0  }
0x14: {  	s2 =	sld [smem:$0x3F9A];
	s0 =	simm.s32 @p1 $0x1  }
0x15: {  	[smem:$0x3FB7] =	sst s0;
	s0 =	simm.s32 @!p2 $0x0  }
0x16: {  	s3 =	sld [smem:$0x3FDB];
	s0 =	simm.s32 @p2 $0x1  }
0x17: {  	s4 =	simm.s32 $0x1BF5;
	[smem:$0x3FB9] =	sst s0  }
0x18: {  	s0 =	sld [smem:$0x3F9C];
	_ =	swait.ge [sflag:s4], $0x0  }
0x19: {  	s7 =	sld [smem:$0x3F9D]  }
0x1a: {  	s8 =	sadd.s32 $0xFFFFE003, lr  }
0x1b: {  	s9 =	sadd.s32 $0xFFFFFEF7, lr;
	s5 =	simm.s32 $0xFFFFFFFF;
	p2 =	slt.u32 s8, $0xFFFFF086  }
0x1c: {  	p1 =	slt.u32 s9, $0xF7A;
	s5 =	simm.s32 @!p2 $0x0  }
0x1d: {  	s5 =	simm.s32 @p1 $0x1;
	p0 =	seq.s32 s7, s2  }
0x1e: {  	s7 =	smul.u32 @!p0 $0xF7A, s2;
	p2 =	seq.s32 @!p0 s5, $0x0  }
0x1f: {  	s9 =	smul.u32 $0xF7A, s1;
	s8 =	simm.s32 @!p0 $0x1BF5;
	p2 =	por !p2, p0  }
0x20: {  	[sflag:s8] =	ssyncset.s32 @!p0 $0xFFFFF086;
	s6 =	sadd.s32 @!p0 s3, s7;
	s7 =	simm.s32 @!p0 $0x108  }
0x21: {  	s3 =	sadd.s32 s3, s9;
	s6 =	sadd.s32 @!p0 $0x88, s6;
	s7 =	simm.s32 @p2 $0x1082  }
0x22: {  	[simem:s7], [sflag:s8] =	dma.local @!p0 [hbm:s6], $0xF7A  }
0x23: {  	s9 =	sor.u32 $0xD0000000, s2;
	s6 =	simm.s32 $0x108;
	_ =	swait.ge @!p0 [sflag:s8], $0x0  }
0x24: {  	s3 =	sadd.s32 $0x88, s3;
	s6 =	simm.s32 @!p1 $0x1082;
	[sflag:s4] =	ssyncset.s32 $0xFFFFF086  }
0x25: {  	[simem:s6], [sflag:s4] =	dma.local [hbm:s3], $0xF7A  }
0x26: {  	[smem:$0x3F9D] =	sst s1;
	(tag) =	ssettag s2;
	_ =	strace s9  }
0x27: {  	s1 =	sld [smem:$0x3FAD]  }
0x28: {  	s2 =	sld [smem:$0x3FAE]  }
0x29: {  	s4 =	sld [smem:$0x3FB0]  }
0x2a: {  	p0 =	seq.s32 s5, $0x0;
	s5 =	sld [smem:$0x3FB1]  }
0x2b: {  	s6 =	sld [smem:$0x3FB2]  }
0x2c: {  	s7 =	sld [smem:$0x3FB3]  }
0x2d: {  	s3 =	simm.s32 $0x108;
	s8 =	sld [smem:$0x3FB4]  }
0x2e: {  	s3 =	simm.s32 @!p0 $0x1082;
	s9 =	sld [smem:$0x3FB5]  }
0x2f: {  	lr =	sadd.s32 s0, s3;
	s0 =	sld [smem:$0x3FAC]  }
0x30: {  	s3 =	sld [smem:$0x3FAF]  }
0x31: {  	[smem:$0x3FB8] =	sst s10  }
0x32: {  	s10 =	sld [smem:$0x3FB6];
	_ =	sdelay $0x3  }
0x33: {  	p0 =	seq.s32 s10, $0x1;
	s10 =	sld [smem:$0x3FB8];
	_ =	sdelay $0x3  }
0x34: {  	[smem:$0x3FB8] =	sst s10  }
0x35: {  	s10 =	sld [smem:$0x3FB7];
	_ =	sdelay $0x3  }
0x36: {  	p1 =	seq.s32 s10, $0x1;
	s10 =	sld [smem:$0x3FB8];
	_ =	sdelay $0x3  }
0x37: {  	[smem:$0x3FB8] =	sst s10  }
0x38: {  	s10 =	sld [smem:$0x3FB9]  }
0x39: {  	_ = 	snop;
	(pc) =	sbr.ind lr, $3  }
0x3a: {  	_ = 	snop  }
0x3b: {  	_ = 	snop  }
0x3c: {  	p2 =	seq.s32 s10, $0x1;
	s10 =	sld [smem:$0x3FB8]  }
0x3d: {  	_ =	shalt  }
0x3e: {  	_ =	shalt  }
0x3f: {  	_ =	shalt  }
0x40: {  	_ =	shalt  }
0x41: {  	_ =	shalt  }
0x42: {  	_ =	shalt  }
0x43: {  	_ =	shalt  }
0x44: {  	_ =	shalt  }
0x45: {  	_ =	shalt  }
0x46: {  	_ =	shalt  }
0x47: {  	_ =	shalt  }
0x48: {  	_ =	shalt  }
0x49: {  	_ =	shalt  }
0x4a: {  	_ =	shalt  }
0x4b: {  	_ =	shalt  }
0x4c: {  	_ =	shalt  }
0x4d: {  	_ =	shalt  }
0x4e: {  	_ =	shalt  }
0x4f: {  	_ =	shalt  }
0x50: {  	_ =	shalt  }
0x51: {  	_ =	shalt  }
0x52: {  	_ =	shalt  }
0x53: {  	_ =	shalt  }
0x54: {  	_ =	shalt  }
0x55: {  	_ =	shalt  }
0x56: {  	_ =	shalt  }
0x57: {  	_ =	shalt  }
0x58: {  	_ =	shalt  }
0x59: {  	_ =	shalt  }
0x5a: {  	_ =	shalt  }
0x5b: {  	_ =	shalt  }
0x5c: {  	_ =	shalt  }
0x5d: {  	_ =	shalt  }
0x5e: {  	_ =	shalt  }
0x5f: {  	_ =	shalt  }
0x60: {  	_ =	shalt  }
0x61: {  	_ =	shalt  }
0x62: {  	_ =	shalt  }
0x63: {  	_ =	shalt  }
0x64: {  	_ =	shalt  }
0x65: {  	_ =	shalt  }
0x66: {  	_ =	shalt  }
0x67: {  	_ =	shalt  }
0x68: {  	_ =	shalt  }
0x69: {  	_ =	shalt  }
0x6a: {  	_ =	shalt  }
0x6b: {  	_ =	shalt  }
0x6c: {  	_ =	shalt  }
0x6d: {  	_ =	shalt  }
0x6e: {  	_ =	shalt  }
0x6f: {  	_ =	shalt  }
0x70: {  	_ =	shalt  }
0x71: {  	_ =	shalt  }
0x72: {  	_ =	shalt  }
0x73: {  	_ =	shalt  }
0x74: {  	_ =	shalt  }
0x75: {  	_ =	shalt  }
0x76: {  	_ =	shalt  }
0x77: {  	_ =	shalt  }
0x78: {  	_ =	shalt  }
0x79: {  	_ =	shalt  }
0x7a: {  	_ =	shalt  }
0x7b: {  	_ =	shalt  }
0x7c: {  	_ =	shalt  }
0x7d: {  	_ =	shalt  }
0x7e: {  	_ =	shalt  }
0x7f: {  	_ =	shalt  }
0x80: {  	_ =	shalt  }
0x81: {  	_ =	shalt  }
0x82: {  	_ =	shalt  }
0x83: {  	_ =	shalt  }
0x84: {  	_ =	shalt  }
0x85: {  	_ =	shalt  }
0x86: {  	_ =	shalt  }
0x87: {  	_ =	shalt  }
.Lfunc_end0:
.L_simem_size_0:
called_computation_lowered:
.L_overlay_start_0:
0x88: {  	s2 =	sld [smem:$0x3FD9]  }
0x89: {  	s3 =	sld [smem:$0x3FFE];
	_ =	sdelay $0x1  }
0x8a: {  	s1 =	srdreg.scid  }
0x8b: {  	s0 =	sand.u32 $0x1, s1  }
0x8c: {  	s17 =	sshll.u32 s0, $0xA;
	s2 =	sadd.s32 s3, s2  }
0x8d: {  	s2 =	sadd.s32 s2, s17  }
0x8e: {  	[smem:$0x3FC4] =	sst s2  }
0x8f: {  	_ = 	snop  }
0x90: {  	s2 =	sld [smem:$0x3FC7]  }
0x91: {  	s18 =	sld [smem:$0x3FC6]  }
0x92: {  	s4 =	sld [smem:$0x3FD0];
	(tm) =	ssettm $0x1  }
0x93: {  	s5 =	sld [smem:$0x3FFB];
	_ =	sdelay $0x3  }
0x94: {  	_ =	strace s5  }
0x95: {  	s5 =	sld [smem:$0x3FFC];
	_ =	sdelay $0x3  }
0x96: {  	_ =	strace s5  }
0x97: {  	s5 =	sld [smem:$0x3FFD];
	_ =	sdelay $0x3  }
0x98: {  	_ =	strace s5  }
0x99: {  	_ =	strace $0x8FFFFFFF  }
0x9a: {  	s19 =	sld [smem:$0x3FDB];
	_ =	sdelay $0x1  }
0x9b: {  	s6 =	simm.s32 $_scs_section_size  }
0x9c: {  	s7 =	simm.s32 $_size__tile_overlayer_lowered;
	s8 =	simm.s32 $_tile_overlayer_lowered  }
0x9d: {  	s22 =	simm.s32 $0x1BFF;
	s21 =	sshll.u32 s8, $0x1;
	s5 =	sadd.s32 s6, s19  }
0x9e: {  	s9 =	simm.s32 $0x0;
	s20 =	sshll.u32 s7, $0x1;
	s7 =	sadd.s32 s21, s5  }
0x9f: {  	[timem:s9], [sflag:s22] =	dma.local [hbm:s7], s20  }
0xa0: {  	_ =	swait.ge [sflag:s22], s20  }
0xa1: {  	s6 =	ssub.s32 $0x0, s20;
	[sflag:s22] =	ssyncset.done $0x0  }
0xa2: {  	[sflag:s22] =	ssyncadd.s32 s6;
	_ =	sdelay $0x1  }
0xa3: {  	s23 =	simm.s32 $0x1B8B  }
0xa4: {  	_ =	swait.ge [sflag:s23], $0x1  }
0xa5: {  	[sflag:s23] =	ssyncset.done $0x0  }
0xa6: {  	s25 =	simm.s32 $0x1B8E;
	s24 =	sld [smem:$0x3FFE];
	[sflag:s23] =	ssyncadd.s32 $0xFFFFFFFF  }
0xa7: {  	s26 =	simm.s32 $execute0_lowered;
	[smem:$0x3FD2] =	sst s25  }
0xa8: {  	s7 =	sshll.u32 s26, $0x1;
	_ =	strace $0x80000046;
	[dreg:$0x1] =	wrdreg $0xFFFFFFFF  }
0xa9: {  	s28 =	simm.s32 $_size_execute0_lowered;
	s5 =	sadd.s32 s5, s7;
	[dreg:$0x0] =	wrdreg $0x0  }
0xaa: {  	s7 =	sshll.u32 s28, $0x1;
	[dreg:$0x2] =	wrdreg s5  }
0xab: {  	[dreg:$0x3] =	wrdreg s7  }
0xac: {  	[dreg:$0x4] =	wrdreg $0xC0  }
0xad: {  	_ =	task [dreg:s9], $0x5FFFF  }
0xae: {  	[dreg:$0x1] =	wrdreg $0xFFFFFFFF  }
0xaf: {  	[dreg:$0x0] =	wrdreg $0x60  }
0xb0: {  	[dreg:$0x2] =	wrdreg s4  }
0xb1: {  	[dreg:$0x3] =	wrdreg s24  }
0xb2: {  	[dreg:$0x4] =	wrdreg s2  }
0xb3: {  	[dreg:$0x5] =	wrdreg s18  }
0xb4: {  	[dreg:$0x6] =	wrdreg $0x9  }
0xb5: {  	_ =	task.clear_ibuf [dreg:s9], $0x7FFFF;
	_ =	strace $0x90000046  }
0xb6: {  	s29 =	simm.s32 $0x9;
	_ =	strace $0x80000048  }
0xb7: {  	_ =	swait.ge [sflag:s29], $0x1  }
0xb8: {  	[sflag:s29] =	ssyncadd.s32 $0xFFFFFFFF  }
0xb9: {  	_ =	strace $0x90000048  }
0xba: {  	_ =	sfence  }
0xbb: {  	s30 =	sld [smem:$0x0];
	_ =	sdelay $0x2  }
0xbc: {  	s31 =	sshll.u32 s1, $0xD;
	s1 =	sshrl.u32 s1, $0x2  }
0xbd: {  	s3 =	sand.u32 $0x4000, s31;
	s1 =	sadd.s32 s1, s30  }
0xbe: {  	s0 =	sor.u32 s3, s0;
	s1 =	sshll.u32 s1, $0x11  }
0xbf: {  	s0 =	sor.u32 s1, s0  }
0xc0: {  	s0 =	sadd.s32 $0x8F2B, s0  }
0xc1: {  	[sflag:s0] =	ssyncadd.remote.s32 $0x1  }
0xc2: {  	_ =	sfence.sel $0xFFFF  }
0xc3: {  	[dreg:$0x0] =	wrdreg $0xFFFFFFFF;
	(pc) =	sbr.abs _section_cstart, $3  }
0xc4: {  	[dreg:$0x1] =	wrdreg $0xFFFFFFFF  }
0xc5: {  	_ =	task.clear_ibuf [dreg:s9], $0x2FFFF;
	_ =	strace $0x9FFFFFFF  }
0xc6: {  	(tm) =	ssettm $0x7FFFFFFF  }
0xc7: {  	_ =	shalt  }
tec
execute0_lowered:
.L_overlay_start_1:
0x0: {  	(tag) =	ssettag $0x1  }
0x1: {  	s1 =	rddreg [dreg:$0x0]  }
0x2: {  	s16 =	rddreg [dreg:$0x1]  }
0x3: {  	s2 =	rddreg [dreg:$0x2]  }
0x4: {  	s3 =	rddreg [dreg:$0x3]  }
0x5: {  	s0 =	rddreg [dreg:$0x4];
	s4 =	simm.s32 $0x0;
	s5 =	srdreg.scid  }
0x6: {  	s18 =	simm.s32 $0x1;
	s19 =	simm.s32 $0x400;
	s20 =	simm.s32 $0x80  }
0x7: {  	s21 =	simm.s32 $0x900;
	s22 =	simm.s32 $0x980;
	s23 =	simm.s32 $0xA00  }
0x8: {  	[smem:$0x7FF] =	sst s4;
	s8 =	sand.u32 $0x1, s5;
	s5 =	stileid.u32  }
0x9: {  	s6 =	sadd.s32 $0xA00, s16;
	s7 =	sadd.s32 $0xC00, s16;
	s12 =	sadd.s32 $0x20, s3  }
0xa: {  	s13 =	sadd.s32 $0xC20, s16;
	s14 =	sadd.s32 $0x10, s2;
	s15 =	sadd.s32 $0x10, s3  }
0xb: {  	vm1 =	vmmov $0x3;
	_ =	strace $0x80000047;
	s9 =	ssub.s32 $0x2, s8;
	s11 =	sshll.u32 s5, $0x1  }
.Ltmp0:
0xc: {  	vm2 =	vmmov $0x7;
	vm3 =	vmmov $0xf;
	vm4 =	vmmov $0x1f;
	s10 =	sshrl.u32 s9, $0x1;
	s24 =	sor.u32 s8, s11;
	(pc) =	sbr.rel .LBB2_1-.Ltmp0, $4  }
0xd: {  	vm5 =	vmmov $0x3f;
	vm6 =	vmmov $0x7f;
	vm7 =	vmmov $0xff;
	s8 =	sadd.s32 $0x30, s2;
	s11 =	sadd.s32 $0x20, s2;
	s17 =	ssub.s32 s9, s10  }
0xe: {  	vm8 =	vmmov $0x1ff;
	vm9 =	vmmov $0x3ff;
	vm10 =	vmmov $0x7ff;
	s9 =	sadd.s32 $0x30, s3;
	s10 =	sadd.s32 $0xC30, s16;
	s16 =	sadd.s32 $0xC10, s16  }
0xf: {  	vm11 =	vmmov $0xfff;
	vm12 =	vmmov $0x1fff;
	v0 =	vimm.f32 $1.000000000e+00;
	p0 =	sgt.s32 s24, $0x1;
	p1 =	seq.s32 s24, $0x0;
	p2 =	seq.s32 s24, $0x1  }
0x10: {  	vm13 =	vmmov $0x3fff;
	vm14 =	vmmov $0x7fff;
	v0 =	vand.u32 $0x7FFFFFFF, v0;
	p3 =	seq.s32 s24, $0x2;
	p4 =	seq.s32 s24, $0x3;
	s17 =	smax.u32 s17, $0x1  }
.LBB2_9:
0x11: {  	[tilespmem:s4], [sflag:$0x1] =	stream.linear.gather [hbm4b:s6+s4], $0x80, $0x38;
	[tilespmem:$0xA80] =	vst v63  }
0x12: {  	_ =	swait.ge [sflag:s18], $0x80  }
0x13: {  	[sflag:s18] =	ssyncset.done $0x0  }
0x14: {  	[sflag:s18] =	ssyncadd.s32 $0xFFFFFF80  }
0x15: {  	v1 =	vld [tilespmem:$0x0];
	_ =	sdelay $0x4  }
0x16: {  	(v2sf) =	vpush v1, $0x2;
	_ =	sdelay $0xe  }
0x17: {  	s24 =	spop (v2sf)  }
0x18: {  	s25 =	sshll.u32 s24, $0xB;
	s24 =	sshll.u32 s24, $0x7  }
0x19: {  	s25 =	sand.u32 $0xFFFFC000, s25;
	s24 =	sand.u32 $0x380, s24  }
0x1a: {  	s24 =	sor.u32 s24, s25  }
0x1b: {  	s24 =	sshrl.u32 s24, $0x3  }
0x1c: {  	s24 =	sadd.s32 s1, s24  }
0x1d: {  	[tilespmem:s20], [sflag:$0x1] =	stream.strided.gather [hbm4b:s24+s20], $0x800, s19, s20, $0x38;
	[tilespmem:$0xA80] =	vst v63  }
0x1e: {  	_ =	swait.ge [sflag:s18], $0x800  }
0x1f: {  	[sflag:s18] =	ssyncset.done $0x0  }
0x20: {  	[sflag:s18] =	ssyncadd.s32 $0xFFFFF800  }
0x21: {  	[tilespmem:s21], [sflag:$0x1] =	stream.linear.gather [hbm4b:s11+s4], $0x80, $0x38;
	[tilespmem:$0xA80] =	vst v63  }
0x22: {  	_ =	swait.ge [sflag:s18], $0x80  }
0x23: {  	[sflag:s18] =	ssyncset.done $0x0  }
0x24: {  	[sflag:s18] =	ssyncadd.s32 $0xFFFFFF80  }
0x25: {  	[tilespmem:s22], [sflag:$0x1] =	stream.linear.gather [hbm4b:s12+s4], $0x80, $0x38;
	[tilespmem:$0xA80] =	vst v63  }
0x26: {  	_ =	swait.ge [sflag:s18], $0x80  }
0x27: {  	[sflag:s18] =	ssyncset.done $0x0  }
0x28: {  	[sflag:s18] =	ssyncadd.s32 $0xFFFFFF80  }
0x29: {  	v1 =	vld [tilespmem:$0x900];
	_ =	sdelay $0x4  }
0x2a: {  	v2 =	vadd.s32 $0x80, v1  }
0x2b: {  	(v2sf) =	vpush v2, $0x1  }
0x2c: {  	(v2sf) =	vpush v2, $0x0  }
0x2d: {  	(v2sf) =	vpush v2, $0x3  }
0x2e: {  	(v2sf) =	vpush v2, $0x2  }
0x2f: {  	(v2sf) =	vpush v2, $0x5  }
0x30: {  	(v2sf) =	vpush v2, $0x4  }
0x31: {  	(v2sf) =	vpush v2, $0x7  }
0x32: {  	(v2sf) =	vpush v2, $0x6  }
0x33: {  	(v2sf) =	vpush v2, $0x9  }
0x34: {  	(v2sf) =	vpush v2, $0x8  }
0x35: {  	(v2sf) =	vpush v2, $0xB  }
0x36: {  	(v2sf) =	vpush v2, $0xA  }
0x37: {  	(v2sf) =	vpush v2, $0xD  }
0x38: {  	(v2sf) =	vpush v2, $0xC  }
0x39: {  	(v2sf) =	vpush v2, $0xF  }
0x3a: {  	s31 =	spop (v2sf);
	(v2sf) =	vpush v2, $0xE  }
0x3b: {  	s26 =	spop (v2sf)  }
0x3c: {  	v3 =	vld.msk [tilespmem:s31+$0x0 ss:$0x0], $0xffff;
	s28 =	spop (v2sf)  }
0x3d: {  	v2 =	vld [tilespmem:s26+$0x0];
	s29 =	spop (v2sf)  }
0x3e: {  	v4 =	vld.msk [tilespmem:s29+$0x0 ss:$0x0], $0xffff;
	s30 =	spop (v2sf)  }
0x3f: {  	v5 =	vld.msk [tilespmem:s28+$0x0 ss:$0x0], $0xffff;
	s31 =	spop (v2sf)  }
0x40: {  	v6 =	vld.msk [tilespmem:s31+$0x0 ss:$0x0], $0xffff;
	s26 =	spop (v2sf)  }
0x41: {  	vm0 =	vcmask $0x704;
	v7 =	vld.msk [tilespmem:s30+$0x0 ss:$0x0], $0xffff;
	s28 =	spop (v2sf)  }
0x42: {  	v2 =	vsel vm0, v3, v2;
	v3 =	vld.msk [tilespmem:s28+$0x0 ss:$0x0], $0xffff;
	s29 =	spop (v2sf)  }
0x43: {  	v10 =	vld.msk [tilespmem:s26+$0x0 ss:$0x0], $0xffff;
	v2 =	vsel vm1, v2, v4;
	s30 =	spop (v2sf)  }
0x44: {  	v2 =	vsel vm2, v2, v5;
	v11 =	vld.msk [tilespmem:s30+$0x0 ss:$0x0], $0xffff;
	s31 =	spop (v2sf)  }
0x45: {  	v12 =	vld.msk [tilespmem:s29+$0x0 ss:$0x0], $0xffff;
	v2 =	vsel vm3, v2, v6;
	s26 =	spop (v2sf)  }
0x46: {  	v2 =	vsel vm4, v2, v7;
	v13 =	vld.msk [tilespmem:s26+$0x0 ss:$0x0], $0xffff;
	s28 =	spop (v2sf)  }
0x47: {  	v2 =	vsel vm5, v2, v3;
	v3 =	vld.msk [tilespmem:s31+$0x0 ss:$0x0], $0xffff;
	s29 =	spop (v2sf)  }
0x48: {  	v2 =	vsel vm6, v2, v10;
	v14 =	vld.msk [tilespmem:s29+$0x0 ss:$0x0], $0xffff;
	s30 =	spop (v2sf)  }
0x49: {  	v15 =	vld.msk [tilespmem:s28+$0x0 ss:$0x0], $0xffff;
	v2 =	vsel vm7, v2, v11;
	s31 =	spop (v2sf)  }
0x4a: {  	v2 =	vsel vm8, v2, v12;
	v16 =	vld.msk [tilespmem:s31+$0x0 ss:$0x0], $0xffff  }
0x4b: {  	v17 =	vld.msk [tilespmem:s30+$0x0 ss:$0x0], $0xffff;
	v2 =	vsel vm9, v2, v13  }
0x4c: {  	v2 =	vsel vm10, v2, v3  }
0x4d: {  	v2 =	vsel vm11, v2, v14  }
0x4e: {  	v2 =	vsel vm12, v2, v15  }
0x4f: {  	v3 =	vld [tilespmem:$0x980];
	v2 =	vsel vm13, v2, v16  }
0x50: {  	v2 =	vsel vm14, v2, v17  }
0x51: {  	v18 =	vand.u32 $0x80000000, v2;
	vm0 =	vlt.f32 v2, $0.0e+00;
	vm15 =	vgt.f32 v2, $0.0e+00  }
0x52: {  	vm0 =	vmor vm15, vm0;
	v4 =	vor.u32 v18, v0  }
0x53: {  	v4 =	vsel vm0, v4, v2  }
0x54: {  	v3 =	vmul.f32 v4, v3  }
0x55: {  	v19 =	vbroadcast v1, $0x0  }
0x56: {  	v20 =	vbroadcast v3, $0x0  }
0x57: {  	v21 =	vbroadcast v1, $0x1;
	vm0 =	veq.s32 v1, v19  }
0x58: {  	v22 =	vbroadcast v3, $0x1;
	v5 =	vnsel vm0, $0x0, v20  }
0x59: {  	v23 =	vbroadcast v1, $0x2;
	vm0 =	veq.s32 v1, v21;
	v2 =	vadd.f32 v5, v2  }
0x5a: {  	v25 =	vbroadcast v3, $0x2;
	v24 =	vnsel vm0, $0x0, v22  }
0x5b: {  	v26 =	vbroadcast v1, $0x3;
	vm0 =	veq.s32 v1, v23;
	v2 =	vadd.f32 v2, v24  }
0x5c: {  	v28 =	vbroadcast v3, $0x3;
	v27 =	vnsel vm0, $0x0, v25  }
0x5d: {  	v29 =	vbroadcast v1, $0x4;
	vm0 =	veq.s32 v1, v26;
	v2 =	vadd.f32 v2, v27  }
0x5e: {  	v31 =	vbroadcast v3, $0x4;
	v30 =	vnsel vm0, $0x0, v28  }
0x5f: {  	v32 =	vbroadcast v1, $0x5;
	vm0 =	veq.s32 v1, v29;
	v2 =	vadd.f32 v2, v30  }
0x60: {  	v34 =	vbroadcast v3, $0x5;
	v33 =	vnsel vm0, $0x0, v31  }
0x61: {  	v35 =	vbroadcast v1, $0x6;
	vm0 =	veq.s32 v1, v32;
	v2 =	vadd.f32 v2, v33  }
0x62: {  	v37 =	vbroadcast v3, $0x6;
	v36 =	vnsel vm0, $0x0, v34  }
0x63: {  	v38 =	vbroadcast v1, $0x7;
	vm0 =	veq.s32 v1, v35;
	v2 =	vadd.f32 v2, v36  }
0x64: {  	v40 =	vbroadcast v3, $0x7;
	v39 =	vnsel vm0, $0x0, v37  }
0x65: {  	v41 =	vbroadcast v1, $0x8;
	vm0 =	veq.s32 v1, v38;
	v2 =	vadd.f32 v2, v39  }
0x66: {  	v43 =	vbroadcast v3, $0x8;
	v42 =	vnsel vm0, $0x0, v40  }
0x67: {  	v44 =	vbroadcast v1, $0x9;
	vm0 =	veq.s32 v1, v41;
	v2 =	vadd.f32 v2, v42  }
0x68: {  	v46 =	vbroadcast v3, $0x9;
	v45 =	vnsel vm0, $0x0, v43  }
0x69: {  	v47 =	vbroadcast v1, $0xA;
	vm0 =	veq.s32 v1, v44;
	v2 =	vadd.f32 v2, v45  }
0x6a: {  	v49 =	vbroadcast v3, $0xA;
	v48 =	vnsel vm0, $0x0, v46  }
0x6b: {  	v50 =	vbroadcast v1, $0xB;
	vm0 =	veq.s32 v1, v47;
	v2 =	vadd.f32 v2, v48  }
0x6c: {  	v52 =	vbroadcast v3, $0xB;
	v51 =	vnsel vm0, $0x0, v49  }
0x6d: {  	v53 =	vbroadcast v1, $0xC;
	vm0 =	veq.s32 v1, v50;
	v2 =	vadd.f32 v2, v51  }
0x6e: {  	v55 =	vbroadcast v3, $0xC;
	v54 =	vnsel vm0, $0x0, v52  }
0x6f: {  	v56 =	vbroadcast v1, $0xD;
	vm0 =	veq.s32 v1, v53;
	v2 =	vadd.f32 v2, v54  }
0x70: {  	v58 =	vbroadcast v3, $0xD;
	v57 =	vnsel vm0, $0x0, v55  }
0x71: {  	v59 =	vbroadcast v1, $0xE;
	vm0 =	veq.s32 v1, v56;
	v2 =	vadd.f32 v2, v57  }
0x72: {  	v61 =	vbroadcast v3, $0xE;
	v60 =	vnsel vm0, $0x0, v58  }
0x73: {  	v62 =	vbroadcast v1, $0xF;
	vm0 =	veq.s32 v1, v59;
	v2 =	vadd.f32 v2, v60  }
0x74: {  	v3 =	vbroadcast v3, $0xF;
	v63 =	vnsel vm0, $0x0, v61  }
0x75: {  	vm0 =	veq.s32 v1, v62;
	v2 =	vadd.f32 v2, v63  }
0x76: {  	v1 =	vnsel vm0, $0x0, v3  }
0x77: {  	v1 =	vadd.f32 v2, v1;
	_ =	sdelay $0x1  }
0x78: {  	[tilespmem:$0xA00] =	vst v1  }
0x79: {  	[hbm4b:s13+s4] =	stream.linear.scatter [tilespmem:s23], [sflag:$0x1], $0x80, $0x38;
	[tilespmem:$0xA80] =	vst v63  }
.LBB2_10:
0x7a: {  	_ =	swait.ge [sflag:s18], $0x80  }
0x7b: {  	[sflag:s18] =	ssyncset.done $0x0  }
0x7c: {  	[sflag:s18] =	ssyncadd.s32 $0xFFFFFF80  }
.LBB2_11:
0x7d: {  	s17 =	sadd.s32 $0xFFFFFFFF, s17  }
0x7e: {  	p5 =	sne.s32 s17, $0x0  }
.Ltmp1:
0x7f: {  	_ = 	snop;
	(pc) =	sbr.rel @!p5 .LBB2_12-.Ltmp1, $1  }
0x80: {  	_ =	sdelay $0x3  }
.LBB2_1:
.Ltmp2:
0x81: {  	(pc) =	sbr.rel @p0 .LBB2_5-.Ltmp2, $1  }
0x82: {  	_ =	sdelay $0x3  }
.Ltmp3:
0x83: {  	(pc) =	sbr.rel @p1 .LBB2_8-.Ltmp3, $1  }
0x84: {  	_ =	sdelay $0x3  }
.Ltmp4:
0x85: {  	(pc) =	sbr.rel @!p2 .LBB2_11-.Ltmp4, $1  }
0x86: {  	_ =	sdelay $0x3  }
0x87: {  	[tilespmem:s4], [sflag:$0x1] =	stream.linear.gather [hbm4b:s6+s4], $0x80, $0x38;
	[tilespmem:$0xA80] =	vst v63  }
0x88: {  	_ =	swait.ge [sflag:s18], $0x80  }
0x89: {  	[sflag:s18] =	ssyncset.done $0x0  }
0x8a: {  	[sflag:s18] =	ssyncadd.s32 $0xFFFFFF80  }
0x8b: {  	v1 =	vld [tilespmem:$0x0];
	_ =	sdelay $0x4  }
0x8c: {  	(v2sf) =	vpush v1, $0x1;
	_ =	sdelay $0xe  }
0x8d: {  	s24 =	spop (v2sf)  }
0x8e: {  	s25 =	sshll.u32 s24, $0xB;
	s24 =	sshll.u32 s24, $0x7  }
0x8f: {  	s25 =	sand.u32 $0xFFFFC000, s25;
	s24 =	sand.u32 $0x380, s24  }
0x90: {  	s24 =	sor.u32 s24, s25  }
0x91: {  	s24 =	sshrl.u32 s24, $0x3  }
0x92: {  	s24 =	sadd.s32 s1, s24  }
0x93: {  	[tilespmem:s20], [sflag:$0x1] =	stream.strided.gather [hbm4b:s24+s20], $0x800, s19, s20, $0x38;
	[tilespmem:$0xA80] =	vst v63  }
0x94: {  	_ =	swait.ge [sflag:s18], $0x800  }
0x95: {  	[sflag:s18] =	ssyncset.done $0x0  }
0x96: {  	[sflag:s18] =	ssyncadd.s32 $0xFFFFF800  }
0x97: {  	[tilespmem:s21], [sflag:$0x1] =	stream.linear.gather [hbm4b:s14+s4], $0x80, $0x38;
	[tilespmem:$0xA80] =	vst v63  }
0x98: {  	_ =	swait.ge [sflag:s18], $0x80  }
0x99: {  	[sflag:s18] =	ssyncset.done $0x0  }
0x9a: {  	[sflag:s18] =	ssyncadd.s32 $0xFFFFFF80  }
0x9b: {  	[tilespmem:s22], [sflag:$0x1] =	stream.linear.gather [hbm4b:s15+s4], $0x80, $0x38;
	[tilespmem:$0xA80] =	vst v63  }
0x9c: {  	_ =	swait.ge [sflag:s18], $0x80  }
0x9d: {  	[sflag:s18] =	ssyncset.done $0x0  }
0x9e: {  	[sflag:s18] =	ssyncadd.s32 $0xFFFFFF80  }
0x9f: {  	v1 =	vld [tilespmem:$0x900];
	_ =	sdelay $0x4  }
0xa0: {  	v2 =	vadd.s32 $0x80, v1  }
0xa1: {  	(v2sf) =	vpush v2, $0x1  }
0xa2: {  	(v2sf) =	vpush v2, $0x0  }
0xa3: {  	(v2sf) =	vpush v2, $0x3  }
0xa4: {  	(v2sf) =	vpush v2, $0x2  }
0xa5: {  	(v2sf) =	vpush v2, $0x5  }
0xa6: {  	(v2sf) =	vpush v2, $0x4  }
0xa7: {  	(v2sf) =	vpush v2, $0x7  }
0xa8: {  	(v2sf) =	vpush v2, $0x6  }
0xa9: {  	(v2sf) =	vpush v2, $0x9  }
0xaa: {  	(v2sf) =	vpush v2, $0x8  }
0xab: {  	(v2sf) =	vpush v2, $0xB  }
0xac: {  	(v2sf) =	vpush v2, $0xA  }
0xad: {  	(v2sf) =	vpush v2, $0xD  }
0xae: {  	(v2sf) =	vpush v2, $0xC  }
0xaf: {  	(v2sf) =	vpush v2, $0xF  }
0xb0: {  	s31 =	spop (v2sf);
	(v2sf) =	vpush v2, $0xE  }
0xb1: {  	s26 =	spop (v2sf)  }
0xb2: {  	v3 =	vld.msk [tilespmem:s31+$0x0 ss:$0x0], $0xffff;
	s28 =	spop (v2sf)  }
0xb3: {  	v2 =	vld [tilespmem:s26+$0x0];
	s29 =	spop (v2sf)  }
0xb4: {  	v4 =	vld.msk [tilespmem:s29+$0x0 ss:$0x0], $0xffff;
	s30 =	spop (v2sf)  }
0xb5: {  	v5 =	vld.msk [tilespmem:s28+$0x0 ss:$0x0], $0xffff;
	s31 =	spop (v2sf)  }
0xb6: {  	v6 =	vld.msk [tilespmem:s31+$0x0 ss:$0x0], $0xffff;
	s26 =	spop (v2sf)  }
0xb7: {  	vm0 =	vcmask $0x704;
	v7 =	vld.msk [tilespmem:s30+$0x0 ss:$0x0], $0xffff;
	s28 =	spop (v2sf)  }
0xb8: {  	v2 =	vsel vm0, v3, v2;
	v3 =	vld.msk [tilespmem:s28+$0x0 ss:$0x0], $0xffff;
	s29 =	spop (v2sf)  }
0xb9: {  	v10 =	vld.msk [tilespmem:s26+$0x0 ss:$0x0], $0xffff;
	v2 =	vsel vm1, v2, v4;
	s30 =	spop (v2sf)  }
0xba: {  	v2 =	vsel vm2, v2, v5;
	v11 =	vld.msk [tilespmem:s30+$0x0 ss:$0x0], $0xffff;
	s31 =	spop (v2sf)  }
0xbb: {  	v12 =	vld.msk [tilespmem:s29+$0x0 ss:$0x0], $0xffff;
	v2 =	vsel vm3, v2, v6;
	s26 =	spop (v2sf)  }
0xbc: {  	v2 =	vsel vm4, v2, v7;
	v13 =	vld.msk [tilespmem:s26+$0x0 ss:$0x0], $0xffff;
	s28 =	spop (v2sf)  }
0xbd: {  	v2 =	vsel vm5, v2, v3;
	v3 =	vld.msk [tilespmem:s31+$0x0 ss:$0x0], $0xffff;
	s29 =	spop (v2sf)  }
0xbe: {  	v2 =	vsel vm6, v2, v10;
	v14 =	vld.msk [tilespmem:s29+$0x0 ss:$0x0], $0xffff;
	s30 =	spop (v2sf)  }
0xbf: {  	v15 =	vld.msk [tilespmem:s28+$0x0 ss:$0x0], $0xffff;
	v2 =	vsel vm7, v2, v11;
	s31 =	spop (v2sf)  }
0xc0: {  	v2 =	vsel vm8, v2, v12;
	v16 =	vld.msk [tilespmem:s31+$0x0 ss:$0x0], $0xffff  }
0xc1: {  	v17 =	vld.msk [tilespmem:s30+$0x0 ss:$0x0], $0xffff;
	v2 =	vsel vm9, v2, v13  }
0xc2: {  	v2 =	vsel vm10, v2, v3  }
0xc3: {  	v2 =	vsel vm11, v2, v14  }
0xc4: {  	v2 =	vsel vm12, v2, v15  }
0xc5: {  	v3 =	vld [tilespmem:$0x980];
	v2 =	vsel vm13, v2, v16  }
0xc6: {  	v2 =	vsel vm14, v2, v17  }
0xc7: {  	v18 =	vand.u32 $0x80000000, v2;
	vm0 =	vlt.f32 v2, $0.0e+00;
	vm15 =	vgt.f32 v2, $0.0e+00  }
0xc8: {  	vm0 =	vmor vm15, vm0;
	v4 =	vor.u32 v18, v0  }
0xc9: {  	v4 =	vsel vm0, v4, v2  }
0xca: {  	v3 =	vmul.f32 v4, v3  }
0xcb: {  	v19 =	vbroadcast v1, $0x0  }
0xcc: {  	v20 =	vbroadcast v3, $0x0  }
0xcd: {  	v21 =	vbroadcast v1, $0x1;
	vm0 =	veq.s32 v1, v19  }
0xce: {  	v22 =	vbroadcast v3, $0x1;
	v5 =	vnsel vm0, $0x0, v20  }
0xcf: {  	v23 =	vbroadcast v1, $0x2;
	vm0 =	veq.s32 v1, v21;
	v2 =	vadd.f32 v5, v2  }
0xd0: {  	v25 =	vbroadcast v3, $0x2;
	v24 =	vnsel vm0, $0x0, v22  }
0xd1: {  	v26 =	vbroadcast v1, $0x3;
	vm0 =	veq.s32 v1, v23;
	v2 =	vadd.f32 v2, v24  }
0xd2: {  	v28 =	vbroadcast v3, $0x3;
	v27 =	vnsel vm0, $0x0, v25  }
0xd3: {  	v29 =	vbroadcast v1, $0x4;
	vm0 =	veq.s32 v1, v26;
	v2 =	vadd.f32 v2, v27  }
0xd4: {  	v31 =	vbroadcast v3, $0x4;
	v30 =	vnsel vm0, $0x0, v28  }
0xd5: {  	v32 =	vbroadcast v1, $0x5;
	vm0 =	veq.s32 v1, v29;
	v2 =	vadd.f32 v2, v30  }
0xd6: {  	v34 =	vbroadcast v3, $0x5;
	v33 =	vnsel vm0, $0x0, v31  }
0xd7: {  	v35 =	vbroadcast v1, $0x6;
	vm0 =	veq.s32 v1, v32;
	v2 =	vadd.f32 v2, v33  }
0xd8: {  	v37 =	vbroadcast v3, $0x6;
	v36 =	vnsel vm0, $0x0, v34  }
0xd9: {  	v38 =	vbroadcast v1, $0x7;
	vm0 =	veq.s32 v1, v35;
	v2 =	vadd.f32 v2, v36  }
0xda: {  	v40 =	vbroadcast v3, $0x7;
	v39 =	vnsel vm0, $0x0, v37  }
0xdb: {  	v41 =	vbroadcast v1, $0x8;
	vm0 =	veq.s32 v1, v38;
	v2 =	vadd.f32 v2, v39  }
0xdc: {  	v43 =	vbroadcast v3, $0x8;
	v42 =	vnsel vm0, $0x0, v40  }
0xdd: {  	v44 =	vbroadcast v1, $0x9;
	vm0 =	veq.s32 v1, v41;
	v2 =	vadd.f32 v2, v42  }
0xde: {  	v46 =	vbroadcast v3, $0x9;
	v45 =	vnsel vm0, $0x0, v43  }
0xdf: {  	v47 =	vbroadcast v1, $0xA;
	vm0 =	veq.s32 v1, v44;
	v2 =	vadd.f32 v2, v45  }
0xe0: {  	v49 =	vbroadcast v3, $0xA;
	v48 =	vnsel vm0, $0x0, v46  }
0xe1: {  	v50 =	vbroadcast v1, $0xB;
	vm0 =	veq.s32 v1, v47;
	v2 =	vadd.f32 v2, v48  }
0xe2: {  	v52 =	vbroadcast v3, $0xB;
	v51 =	vnsel vm0, $0x0, v49  }
0xe3: {  	v53 =	vbroadcast v1, $0xC;
	vm0 =	veq.s32 v1, v50;
	v2 =	vadd.f32 v2, v51  }
0xe4: {  	v55 =	vbroadcast v3, $0xC;
	v54 =	vnsel vm0, $0x0, v52  }
0xe5: {  	v56 =	vbroadcast v1, $0xD;
	vm0 =	veq.s32 v1, v53;
	v2 =	vadd.f32 v2, v54  }
0xe6: {  	v58 =	vbroadcast v3, $0xD;
	v57 =	vnsel vm0, $0x0, v55  }
0xe7: {  	v59 =	vbroadcast v1, $0xE;
	vm0 =	veq.s32 v1, v56;
	v2 =	vadd.f32 v2, v57  }
0xe8: {  	v61 =	vbroadcast v3, $0xE;
	v60 =	vnsel vm0, $0x0, v58  }
0xe9: {  	v62 =	vbroadcast v1, $0xF;
	vm0 =	veq.s32 v1, v59;
	v2 =	vadd.f32 v2, v60  }
0xea: {  	v3 =	vbroadcast v3, $0xF;
	v63 =	vnsel vm0, $0x0, v61  }
0xeb: {  	vm0 =	veq.s32 v1, v62;
	v2 =	vadd.f32 v2, v63  }
.Ltmp5:
0xec: {  	v1 =	vnsel vm0, $0x0, v3;
	(pc) =	sbr.rel .LBB2_10-.Ltmp5, $3  }
0xed: {  	v1 =	vadd.f32 v2, v1;
	_ =	sdelay $0x1  }
0xee: {  	[tilespmem:$0xA00] =	vst v1  }
0xef: {  	[hbm4b:s16+s4] =	stream.linear.scatter [tilespmem:s23], [sflag:$0x1], $0x80, $0x38;
	[tilespmem:$0xA80] =	vst v63  }
.LBB2_5:
.Ltmp6:
0xf0: {  	(pc) =	sbr.rel @p3 .LBB2_9-.Ltmp6, $1  }
0xf1: {  	_ =	sdelay $0x3  }
.Ltmp7:
0xf2: {  	(pc) =	sbr.rel @!p4 .LBB2_11-.Ltmp7, $1  }
0xf3: {  	_ =	sdelay $0x3  }
0xf4: {  	[tilespmem:s4], [sflag:$0x1] =	stream.linear.gather [hbm4b:s6+s4], $0x80, $0x38;
	[tilespmem:$0xA80] =	vst v63  }
0xf5: {  	_ =	swait.ge [sflag:s18], $0x80  }
0xf6: {  	[sflag:s18] =	ssyncset.done $0x0  }
0xf7: {  	[sflag:s18] =	ssyncadd.s32 $0xFFFFFF80  }
0xf8: {  	v1 =	vld [tilespmem:$0x0];
	_ =	sdelay $0x4  }
0xf9: {  	(v2sf) =	vpush v1, $0x3;
	_ =	sdelay $0xe  }
0xfa: {  	s24 =	spop (v2sf)  }
0xfb: {  	s25 =	sshll.u32 s24, $0xB;
	s24 =	sshll.u32 s24, $0x7  }
0xfc: {  	s25 =	sand.u32 $0xFFFFC000, s25;
	s24 =	sand.u32 $0x380, s24  }
0xfd: {  	s24 =	sor.u32 s24, s25  }
0xfe: {  	s24 =	sshrl.u32 s24, $0x3  }
0xff: {  	s24 =	sadd.s32 s1, s24  }
0x100: {  	[tilespmem:s20], [sflag:$0x1] =	stream.strided.gather [hbm4b:s24+s20], $0x800, s19, s20, $0x38;
	[tilespmem:$0xA80] =	vst v63  }
0x101: {  	_ =	swait.ge [sflag:s18], $0x800  }
0x102: {  	[sflag:s18] =	ssyncset.done $0x0  }
0x103: {  	[sflag:s18] =	ssyncadd.s32 $0xFFFFF800  }
0x104: {  	[tilespmem:s21], [sflag:$0x1] =	stream.linear.gather [hbm4b:s8+s4], $0x80, $0x38;
	[tilespmem:$0xA80] =	vst v63  }
0x105: {  	_ =	swait.ge [sflag:s18], $0x80  }
0x106: {  	[sflag:s18] =	ssyncset.done $0x0  }
0x107: {  	[sflag:s18] =	ssyncadd.s32 $0xFFFFFF80  }
0x108: {  	[tilespmem:s22], [sflag:$0x1] =	stream.linear.gather [hbm4b:s9+s4], $0x80, $0x38;
	[tilespmem:$0xA80] =	vst v63  }
0x109: {  	_ =	swait.ge [sflag:s18], $0x80  }
0x10a: {  	[sflag:s18] =	ssyncset.done $0x0  }
0x10b: {  	[sflag:s18] =	ssyncadd.s32 $0xFFFFFF80  }
0x10c: {  	v1 =	vld [tilespmem:$0x900];
	_ =	sdelay $0x4  }
0x10d: {  	v2 =	vadd.s32 $0x80, v1  }
0x10e: {  	(v2sf) =	vpush v2, $0x1  }
0x10f: {  	(v2sf) =	vpush v2, $0x0  }
0x110: {  	(v2sf) =	vpush v2, $0x3  }
0x111: {  	(v2sf) =	vpush v2, $0x2  }
0x112: {  	(v2sf) =	vpush v2, $0x5  }
0x113: {  	(v2sf) =	vpush v2, $0x4  }
0x114: {  	(v2sf) =	vpush v2, $0x7  }
0x115: {  	(v2sf) =	vpush v2, $0x6  }
0x116: {  	(v2sf) =	vpush v2, $0x9  }
0x117: {  	(v2sf) =	vpush v2, $0x8  }
0x118: {  	(v2sf) =	vpush v2, $0xB  }
0x119: {  	(v2sf) =	vpush v2, $0xA  }
0x11a: {  	(v2sf) =	vpush v2, $0xD  }
0x11b: {  	(v2sf) =	vpush v2, $0xC  }
0x11c: {  	(v2sf) =	vpush v2, $0xF  }
0x11d: {  	s31 =	spop (v2sf);
	(v2sf) =	vpush v2, $0xE  }
0x11e: {  	s26 =	spop (v2sf)  }
0x11f: {  	v3 =	vld.msk [tilespmem:s31+$0x0 ss:$0x0], $0xffff;
	s28 =	spop (v2sf)  }
0x120: {  	v2 =	vld [tilespmem:s26+$0x0];
	s29 =	spop (v2sf)  }
0x121: {  	v4 =	vld.msk [tilespmem:s29+$0x0 ss:$0x0], $0xffff;
	s30 =	spop (v2sf)  }
0x122: {  	v5 =	vld.msk [tilespmem:s28+$0x0 ss:$0x0], $0xffff;
	s31 =	spop (v2sf)  }
0x123: {  	v6 =	vld.msk [tilespmem:s31+$0x0 ss:$0x0], $0xffff;
	s26 =	spop (v2sf)  }
0x124: {  	vm0 =	vcmask $0x704;
	v7 =	vld.msk [tilespmem:s30+$0x0 ss:$0x0], $0xffff;
	s28 =	spop (v2sf)  }
0x125: {  	v2 =	vsel vm0, v3, v2;
	v3 =	vld.msk [tilespmem:s28+$0x0 ss:$0x0], $0xffff;
	s29 =	spop (v2sf)  }
0x126: {  	v10 =	vld.msk [tilespmem:s26+$0x0 ss:$0x0], $0xffff;
	v2 =	vsel vm1, v2, v4;
	s30 =	spop (v2sf)  }
0x127: {  	v2 =	vsel vm2, v2, v5;
	v11 =	vld.msk [tilespmem:s30+$0x0 ss:$0x0], $0xffff;
	s31 =	spop (v2sf)  }
0x128: {  	v12 =	vld.msk [tilespmem:s29+$0x0 ss:$0x0], $0xffff;
	v2 =	vsel vm3, v2, v6;
	s26 =	spop (v2sf)  }
0x129: {  	v2 =	vsel vm4, v2, v7;
	v13 =	vld.msk [tilespmem:s26+$0x0 ss:$0x0], $0xffff;
	s28 =	spop (v2sf)  }
0x12a: {  	v2 =	vsel vm5, v2, v3;
	v3 =	vld.msk [tilespmem:s31+$0x0 ss:$0x0], $0xffff;
	s29 =	spop (v2sf)  }
0x12b: {  	v2 =	vsel vm6, v2, v10;
	v14 =	vld.msk [tilespmem:s29+$0x0 ss:$0x0], $0xffff;
	s30 =	spop (v2sf)  }
0x12c: {  	v15 =	vld.msk [tilespmem:s28+$0x0 ss:$0x0], $0xffff;
	v2 =	vsel vm7, v2, v11;
	s31 =	spop (v2sf)  }
0x12d: {  	v2 =	vsel vm8, v2, v12;
	v16 =	vld.msk [tilespmem:s31+$0x0 ss:$0x0], $0xffff  }
0x12e: {  	v17 =	vld.msk [tilespmem:s30+$0x0 ss:$0x0], $0xffff;
	v2 =	vsel vm9, v2, v13  }
0x12f: {  	v2 =	vsel vm10, v2, v3  }
0x130: {  	v2 =	vsel vm11, v2, v14  }
0x131: {  	v2 =	vsel vm12, v2, v15  }
0x132: {  	v3 =	vld [tilespmem:$0x980];
	v2 =	vsel vm13, v2, v16  }
0x133: {  	v2 =	vsel vm14, v2, v17  }
0x134: {  	v18 =	vand.u32 $0x80000000, v2;
	vm0 =	vlt.f32 v2, $0.0e+00;
	vm15 =	vgt.f32 v2, $0.0e+00  }
0x135: {  	vm0 =	vmor vm15, vm0;
	v4 =	vor.u32 v18, v0  }
0x136: {  	v4 =	vsel vm0, v4, v2  }
0x137: {  	v3 =	vmul.f32 v4, v3  }
0x138: {  	v19 =	vbroadcast v1, $0x0  }
0x139: {  	v20 =	vbroadcast v3, $0x0  }
0x13a: {  	v21 =	vbroadcast v1, $0x1;
	vm0 =	veq.s32 v1, v19  }
0x13b: {  	v22 =	vbroadcast v3, $0x1;
	v5 =	vnsel vm0, $0x0, v20  }
0x13c: {  	v23 =	vbroadcast v1, $0x2;
	vm0 =	veq.s32 v1, v21;
	v2 =	vadd.f32 v5, v2  }
0x13d: {  	v25 =	vbroadcast v3, $0x2;
	v24 =	vnsel vm0, $0x0, v22  }
0x13e: {  	v26 =	vbroadcast v1, $0x3;
	vm0 =	veq.s32 v1, v23;
	v2 =	vadd.f32 v2, v24  }
0x13f: {  	v28 =	vbroadcast v3, $0x3;
	v27 =	vnsel vm0, $0x0, v25  }
0x140: {  	v29 =	vbroadcast v1, $0x4;
	vm0 =	veq.s32 v1, v26;
	v2 =	vadd.f32 v2, v27  }
0x141: {  	v31 =	vbroadcast v3, $0x4;
	v30 =	vnsel vm0, $0x0, v28  }
0x142: {  	v32 =	vbroadcast v1, $0x5;
	vm0 =	veq.s32 v1, v29;
	v2 =	vadd.f32 v2, v30  }
0x143: {  	v34 =	vbroadcast v3, $0x5;
	v33 =	vnsel vm0, $0x0, v31  }
0x144: {  	v35 =	vbroadcast v1, $0x6;
	vm0 =	veq.s32 v1, v32;
	v2 =	vadd.f32 v2, v33  }
0x145: {  	v37 =	vbroadcast v3, $0x6;
	v36 =	vnsel vm0, $0x0, v34  }
0x146: {  	v38 =	vbroadcast v1, $0x7;
	vm0 =	veq.s32 v1, v35;
	v2 =	vadd.f32 v2, v36  }
0x147: {  	v40 =	vbroadcast v3, $0x7;
	v39 =	vnsel vm0, $0x0, v37  }
0x148: {  	v41 =	vbroadcast v1, $0x8;
	vm0 =	veq.s32 v1, v38;
	v2 =	vadd.f32 v2, v39  }
0x149: {  	v43 =	vbroadcast v3, $0x8;
	v42 =	vnsel vm0, $0x0, v40  }
0x14a: {  	v44 =	vbroadcast v1, $0x9;
	vm0 =	veq.s32 v1, v41;
	v2 =	vadd.f32 v2, v42  }
0x14b: {  	v46 =	vbroadcast v3, $0x9;
	v45 =	vnsel vm0, $0x0, v43  }
0x14c: {  	v47 =	vbroadcast v1, $0xA;
	vm0 =	veq.s32 v1, v44;
	v2 =	vadd.f32 v2, v45  }
0x14d: {  	v49 =	vbroadcast v3, $0xA;
	v48 =	vnsel vm0, $0x0, v46  }
0x14e: {  	v50 =	vbroadcast v1, $0xB;
	vm0 =	veq.s32 v1, v47;
	v2 =	vadd.f32 v2, v48  }
0x14f: {  	v52 =	vbroadcast v3, $0xB;
	v51 =	vnsel vm0, $0x0, v49  }
0x150: {  	v53 =	vbroadcast v1, $0xC;
	vm0 =	veq.s32 v1, v50;
	v2 =	vadd.f32 v2, v51  }
0x151: {  	v55 =	vbroadcast v3, $0xC;
	v54 =	vnsel vm0, $0x0, v52  }
0x152: {  	v56 =	vbroadcast v1, $0xD;
	vm0 =	veq.s32 v1, v53;
	v2 =	vadd.f32 v2, v54  }
0x153: {  	v58 =	vbroadcast v3, $0xD;
	v57 =	vnsel vm0, $0x0, v55  }
0x154: {  	v59 =	vbroadcast v1, $0xE;
	vm0 =	veq.s32 v1, v56;
	v2 =	vadd.f32 v2, v57  }
0x155: {  	v61 =	vbroadcast v3, $0xE;
	v60 =	vnsel vm0, $0x0, v58  }
0x156: {  	v62 =	vbroadcast v1, $0xF;
	vm0 =	veq.s32 v1, v59;
	v2 =	vadd.f32 v2, v60  }
0x157: {  	v3 =	vbroadcast v3, $0xF;
	v63 =	vnsel vm0, $0x0, v61  }
0x158: {  	vm0 =	veq.s32 v1, v62;
	v2 =	vadd.f32 v2, v63  }
.Ltmp8:
0x159: {  	v1 =	vnsel vm0, $0x0, v3;
	(pc) =	sbr.rel .LBB2_10-.Ltmp8, $3  }
0x15a: {  	v1 =	vadd.f32 v2, v1;
	_ =	sdelay $0x1  }
0x15b: {  	[tilespmem:$0xA00] =	vst v1  }
0x15c: {  	[hbm4b:s10+s4] =	stream.linear.scatter [tilespmem:s23], [sflag:$0x1], $0x80, $0x38;
	[tilespmem:$0xA80] =	vst v63  }
.LBB2_8:
0x15d: {  	[tilespmem:s4], [sflag:$0x1] =	stream.linear.gather [hbm4b:s6+s4], $0x80, $0x38;
	[tilespmem:$0xA80] =	vst v63  }
0x15e: {  	_ =	swait.ge [sflag:s18], $0x80  }
0x15f: {  	[sflag:s18] =	ssyncset.done $0x0  }
0x160: {  	[sflag:s18] =	ssyncadd.s32 $0xFFFFFF80  }
0x161: {  	v1 =	vld [tilespmem:$0x0];
	_ =	sdelay $0x4  }
0x162: {  	(v2sf) =	vpush v1, $0x0;
	_ =	sdelay $0xe  }
0x163: {  	s24 =	spop (v2sf)  }
0x164: {  	s25 =	sshll.u32 s24, $0xB;
	s24 =	sshll.u32 s24, $0x7  }
0x165: {  	s25 =	sand.u32 $0xFFFFC000, s25;
	s24 =	sand.u32 $0x380, s24  }
0x166: {  	s24 =	sor.u32 s24, s25  }
0x167: {  	s24 =	sshrl.u32 s24, $0x3  }
0x168: {  	s24 =	sadd.s32 s1, s24  }
0x169: {  	[tilespmem:s20], [sflag:$0x1] =	stream.strided.gather [hbm4b:s24+s20], $0x800, s19, s20, $0x38;
	[tilespmem:$0xA80] =	vst v63  }
0x16a: {  	_ =	swait.ge [sflag:s18], $0x800  }
0x16b: {  	[sflag:s18] =	ssyncset.done $0x0  }
0x16c: {  	[sflag:s18] =	ssyncadd.s32 $0xFFFFF800  }
0x16d: {  	[tilespmem:s21], [sflag:$0x1] =	stream.linear.gather [hbm4b:s2+s4], $0x80, $0x38;
	[tilespmem:$0xA80] =	vst v63  }
0x16e: {  	_ =	swait.ge [sflag:s18], $0x80  }
0x16f: {  	[sflag:s18] =	ssyncset.done $0x0  }
0x170: {  	[sflag:s18] =	ssyncadd.s32 $0xFFFFFF80  }
0x171: {  	[tilespmem:s22], [sflag:$0x1] =	stream.linear.gather [hbm4b:s3+s4], $0x80, $0x38;
	[tilespmem:$0xA80] =	vst v63  }
0x172: {  	_ =	swait.ge [sflag:s18], $0x80  }
0x173: {  	[sflag:s18] =	ssyncset.done $0x0  }
0x174: {  	[sflag:s18] =	ssyncadd.s32 $0xFFFFFF80  }
0x175: {  	v1 =	vld [tilespmem:$0x900];
	_ =	sdelay $0x4  }
0x176: {  	v2 =	vadd.s32 $0x80, v1  }
0x177: {  	(v2sf) =	vpush v2, $0x1  }
0x178: {  	(v2sf) =	vpush v2, $0x0  }
0x179: {  	(v2sf) =	vpush v2, $0x3  }
0x17a: {  	(v2sf) =	vpush v2, $0x2  }
0x17b: {  	(v2sf) =	vpush v2, $0x5  }
0x17c: {  	(v2sf) =	vpush v2, $0x4  }
0x17d: {  	(v2sf) =	vpush v2, $0x7  }
0x17e: {  	(v2sf) =	vpush v2, $0x6  }
0x17f: {  	(v2sf) =	vpush v2, $0x9  }
0x180: {  	(v2sf) =	vpush v2, $0x8  }
0x181: {  	(v2sf) =	vpush v2, $0xB  }
0x182: {  	(v2sf) =	vpush v2, $0xA  }
0x183: {  	(v2sf) =	vpush v2, $0xD  }
0x184: {  	(v2sf) =	vpush v2, $0xC  }
0x185: {  	(v2sf) =	vpush v2, $0xF  }
0x186: {  	s31 =	spop (v2sf);
	(v2sf) =	vpush v2, $0xE  }
0x187: {  	s26 =	spop (v2sf)  }
0x188: {  	v3 =	vld.msk [tilespmem:s31+$0x0 ss:$0x0], $0xffff;
	s28 =	spop (v2sf)  }
0x189: {  	v2 =	vld [tilespmem:s26+$0x0];
	s29 =	spop (v2sf)  }
0x18a: {  	v4 =	vld.msk [tilespmem:s29+$0x0 ss:$0x0], $0xffff;
	s30 =	spop (v2sf)  }
0x18b: {  	v5 =	vld.msk [tilespmem:s28+$0x0 ss:$0x0], $0xffff;
	s31 =	spop (v2sf)  }
0x18c: {  	v6 =	vld.msk [tilespmem:s31+$0x0 ss:$0x0], $0xffff;
	s26 =	spop (v2sf)  }
0x18d: {  	vm0 =	vcmask $0x704;
	v7 =	vld.msk [tilespmem:s30+$0x0 ss:$0x0], $0xffff;
	s28 =	spop (v2sf)  }
0x18e: {  	v2 =	vsel vm0, v3, v2;
	v3 =	vld.msk [tilespmem:s28+$0x0 ss:$0x0], $0xffff;
	s29 =	spop (v2sf)  }
0x18f: {  	v10 =	vld.msk [tilespmem:s26+$0x0 ss:$0x0], $0xffff;
	v2 =	vsel vm1, v2, v4;
	s30 =	spop (v2sf)  }
0x190: {  	v2 =	vsel vm2, v2, v5;
	v11 =	vld.msk [tilespmem:s30+$0x0 ss:$0x0], $0xffff;
	s31 =	spop (v2sf)  }
0x191: {  	v12 =	vld.msk [tilespmem:s29+$0x0 ss:$0x0], $0xffff;
	v2 =	vsel vm3, v2, v6;
	s26 =	spop (v2sf)  }
0x192: {  	v2 =	vsel vm4, v2, v7;
	v13 =	vld.msk [tilespmem:s26+$0x0 ss:$0x0], $0xffff;
	s28 =	spop (v2sf)  }
0x193: {  	v2 =	vsel vm5, v2, v3;
	v3 =	vld.msk [tilespmem:s31+$0x0 ss:$0x0], $0xffff;
	s29 =	spop (v2sf)  }
0x194: {  	v2 =	vsel vm6, v2, v10;
	v14 =	vld.msk [tilespmem:s29+$0x0 ss:$0x0], $0xffff;
	s30 =	spop (v2sf)  }
0x195: {  	v15 =	vld.msk [tilespmem:s28+$0x0 ss:$0x0], $0xffff;
	v2 =	vsel vm7, v2, v11;
	s31 =	spop (v2sf)  }
0x196: {  	v2 =	vsel vm8, v2, v12;
	v16 =	vld.msk [tilespmem:s31+$0x0 ss:$0x0], $0xffff  }
0x197: {  	v17 =	vld.msk [tilespmem:s30+$0x0 ss:$0x0], $0xffff;
	v2 =	vsel vm9, v2, v13  }
0x198: {  	v2 =	vsel vm10, v2, v3  }
0x199: {  	v2 =	vsel vm11, v2, v14  }
0x19a: {  	v2 =	vsel vm12, v2, v15  }
0x19b: {  	v3 =	vld [tilespmem:$0x980];
	v2 =	vsel vm13, v2, v16  }
0x19c: {  	v2 =	vsel vm14, v2, v17  }
0x19d: {  	v18 =	vand.u32 $0x80000000, v2;
	vm15 =	vlt.f32 v2, $0.0e+00;
	vm0 =	vgt.f32 v2, $0.0e+00  }
0x19e: {  	vm0 =	vmor vm0, vm15;
	v4 =	vor.u32 v18, v0  }
0x19f: {  	v4 =	vsel vm0, v4, v2  }
0x1a0: {  	v3 =	vmul.f32 v4, v3  }
0x1a1: {  	v19 =	vbroadcast v1, $0x0  }
0x1a2: {  	v20 =	vbroadcast v3, $0x0  }
0x1a3: {  	v21 =	vbroadcast v1, $0x1;
	vm0 =	veq.s32 v1, v19  }
0x1a4: {  	v22 =	vbroadcast v3, $0x1;
	v5 =	vnsel vm0, $0x0, v20  }
0x1a5: {  	v23 =	vbroadcast v1, $0x2;
	vm0 =	veq.s32 v1, v21;
	v2 =	vadd.f32 v5, v2  }
0x1a6: {  	v25 =	vbroadcast v3, $0x2;
	v24 =	vnsel vm0, $0x0, v22  }
0x1a7: {  	v26 =	vbroadcast v1, $0x3;
	vm0 =	veq.s32 v1, v23;
	v2 =	vadd.f32 v2, v24  }
0x1a8: {  	v28 =	vbroadcast v3, $0x3;
	v27 =	vnsel vm0, $0x0, v25  }
0x1a9: {  	v29 =	vbroadcast v1, $0x4;
	vm0 =	veq.s32 v1, v26;
	v2 =	vadd.f32 v2, v27  }
0x1aa: {  	v31 =	vbroadcast v3, $0x4;
	v30 =	vnsel vm0, $0x0, v28  }
0x1ab: {  	v32 =	vbroadcast v1, $0x5;
	vm0 =	veq.s32 v1, v29;
	v2 =	vadd.f32 v2, v30  }
0x1ac: {  	v34 =	vbroadcast v3, $0x5;
	v33 =	vnsel vm0, $0x0, v31  }
0x1ad: {  	v35 =	vbroadcast v1, $0x6;
	vm0 =	veq.s32 v1, v32;
	v2 =	vadd.f32 v2, v33  }
0x1ae: {  	v37 =	vbroadcast v3, $0x6;
	v36 =	vnsel vm0, $0x0, v34  }
0x1af: {  	v38 =	vbroadcast v1, $0x7;
	vm0 =	veq.s32 v1, v35;
	v2 =	vadd.f32 v2, v36  }
0x1b0: {  	v40 =	vbroadcast v3, $0x7;
	v39 =	vnsel vm0, $0x0, v37  }
0x1b1: {  	v41 =	vbroadcast v1, $0x8;
	vm0 =	veq.s32 v1, v38;
	v2 =	vadd.f32 v2, v39  }
0x1b2: {  	v43 =	vbroadcast v3, $0x8;
	v42 =	vnsel vm0, $0x0, v40  }
0x1b3: {  	v44 =	vbroadcast v1, $0x9;
	vm0 =	veq.s32 v1, v41;
	v2 =	vadd.f32 v2, v42  }
0x1b4: {  	v46 =	vbroadcast v3, $0x9;
	v45 =	vnsel vm0, $0x0, v43  }
0x1b5: {  	v47 =	vbroadcast v1, $0xA;
	vm0 =	veq.s32 v1, v44;
	v2 =	vadd.f32 v2, v45  }
0x1b6: {  	v49 =	vbroadcast v3, $0xA;
	v48 =	vnsel vm0, $0x0, v46  }
0x1b7: {  	v50 =	vbroadcast v1, $0xB;
	vm0 =	veq.s32 v1, v47;
	v2 =	vadd.f32 v2, v48  }
0x1b8: {  	v52 =	vbroadcast v3, $0xB;
	v51 =	vnsel vm0, $0x0, v49  }
0x1b9: {  	v53 =	vbroadcast v1, $0xC;
	vm0 =	veq.s32 v1, v50;
	v2 =	vadd.f32 v2, v51  }
0x1ba: {  	v55 =	vbroadcast v3, $0xC;
	v54 =	vnsel vm0, $0x0, v52  }
0x1bb: {  	v56 =	vbroadcast v1, $0xD;
	vm0 =	veq.s32 v1, v53;
	v2 =	vadd.f32 v2, v54  }
0x1bc: {  	v58 =	vbroadcast v3, $0xD;
	v57 =	vnsel vm0, $0x0, v55  }
0x1bd: {  	v59 =	vbroadcast v1, $0xE;
	vm0 =	veq.s32 v1, v56;
	v2 =	vadd.f32 v2, v57  }
0x1be: {  	v61 =	vbroadcast v3, $0xE;
	v60 =	vnsel vm0, $0x0, v58  }
0x1bf: {  	v62 =	vbroadcast v1, $0xF;
	vm0 =	veq.s32 v1, v59;
	v2 =	vadd.f32 v2, v60  }
0x1c0: {  	v3 =	vbroadcast v3, $0xF;
	v63 =	vnsel vm0, $0x0, v61  }
0x1c1: {  	vm0 =	veq.s32 v1, v62;
	v2 =	vadd.f32 v2, v63  }
.Ltmp9:
0x1c2: {  	v1 =	vnsel vm0, $0x0, v3;
	(pc) =	sbr.rel .LBB2_10-.Ltmp9, $3  }
0x1c3: {  	v1 =	vadd.f32 v2, v1;
	_ =	sdelay $0x1  }
0x1c4: {  	[tilespmem:$0xA00] =	vst v1  }
0x1c5: {  	[hbm4b:s7+s4] =	stream.linear.scatter [tilespmem:s23], [sflag:$0x1], $0x80, $0x38;
	[tilespmem:$0xA80] =	vst v63  }
.LBB2_12:
0x1c6: {  	_ =	sfence.sel $0x180000  }
0x1c7: {  	[bflag:$0x0] =	sbarrier.arrive $0xFFFF  }
0x1c8: {  	p0 =	sne.s32 s5, $0x0;
	_ =	strace $0x90000047  }
0x1c9: {  	s0 =	sadd.s32 @!p0 $0x100000, s0;
	[bflag:$0x2] =	sbarrier.arrive $0xFFFF  }
0x1ca: {  	[sflag:s0] =	ssyncadd.tile.s32 @!p0 $0x1;
	_ =	shalt  }
.Lfunc_end2:
_tile_overlayer_lowered:
.L_overlay_start_2:
0x1cb: {  	(tag) =	ssettag $0x2  }
0x1cc: {  	s0 =	rddreg [dreg:$0x0];
	s2 =	stileid.u32  }
0x1cd: {  	s1 =	rddreg [dreg:$0x1];
	p0 =	sne.s32 s2, $0x0  }
0x1ce: {  	s3 =	rddreg [dreg:$0x2];
	[bflag:$0x3] =	sbarrier.arrive $0xFFFF;
	s2 =	simm.s32 @!p0 $0x1C01  }
0x1cf: {  	[timem:s3], [sflag:s2] =	dma.local @!p0 [hbm:s0], s1  }
0x1d0: {  	s0 =	simm.s32 @!p0 $0x1  }
0x1d1: {  	_ =	swait.ge @!p0 [sflag:s0], s1  }
0x1d2: {  	s1 =	ssub.s32 @!p0 $0x0, s1;
	[sflag:s0] =	ssyncset.done @!p0 $0x0  }
0x1d3: {  	[sflag:s0] =	ssyncadd.s32 @!p0 s1  }
0x1d4: {  	[bflag:$0x3] =	sbarrier.arrive $0xFFFF  }
0x1d5: {  	_ =	shalt  }

</sc_bundles>
